<compile_context>
chip_gen: v7x
topology: tpu7x:2x2x1
jax: 0.10.2.dev20260603
libtpu: 0.0.44.dev20260713+nightly
codegen_flags: <defaults>
</compile_context>

<pallas_src>
import functools

import numpy as np

import jax
import jax.numpy as jnp
from jax import lax
from jax.experimental import pallas as pl
from jax.experimental.pallas import tpu as pltpu
from jax.experimental.pallas import tpu_sc as plsc

NC = 2
NS = 16
NW = NC * NS
LANES = 16
K = 64
CB = 8
BR = 2000


def _mesh():
    return plsc.VectorSubcoreMesh(core_axis_name="c", subcore_axis_name="s")


@functools.lru_cache(maxsize=None)
def _build_hist(E_PAD, N_PAD):
    EPW = E_PAD // NW
    NCH = EPW // K
    NB = NCH // CB
    ZH = N_PAD // NS
    ZF = ((ZH + LANES - 1) // LANES) * LANES
    FIRE = 4
    f32 = jnp.float32
    sds = jax.ShapeDtypeStruct

    @functools.partial(
        pl.kernel,
        out_type=(sds((N_PAD,), f32),) * 4,
        mesh=_mesh(),
        scratch_types=[
            pltpu.VMEM((NB, CB, K), jnp.int32),
            pltpu.VMEM((NB, CB, K), jnp.int32),
            pltpu.VMEM((K,), f32),
            pltpu.VMEM((ZF,), f32),
            pltpu.VMEM_SHARED((N_PAD,), f32),
            pltpu.VMEM_SHARED((N_PAD,), f32),
            pltpu.SemaphoreType.DMA,
        ],
    )
    def hist_kernel(src_hbm, dst_hbm, hs0, hd0, hs1, hd1,
                    sidx, didx, ones_v, zb, hist_s, hist_d, sem):
        c = lax.axis_index("c")
        s = lax.axis_index("s")
        wid = s * NC + c

        def fill_z(i, _):
            zb[pl.ds(i * LANES, LANES)] = jnp.zeros((LANES,), f32)
            return 0
        lax.fori_loop(0, ZF // LANES, fill_z, 0)

        def fill_o(i, _):
            ones_v[pl.ds(i * LANES, LANES)] = jnp.ones((LANES,), f32)
            return 0
        lax.fori_loop(0, K // LANES, fill_o, 0)

        r0 = pl.multiple_of(s * ZH, 8)
        pltpu.sync_copy(zb.at[pl.ds(0, ZH)], hist_s.at[pl.ds(r0, ZH)])
        pltpu.sync_copy(zb.at[pl.ds(0, ZH)], hist_d.at[pl.ds(r0, ZH)])

        pltpu.sync_copy(src_hbm.at[wid], sidx)
        pltpu.sync_copy(dst_hbm.at[wid], didx)
        plsc.subcore_barrier()

        def fire_block(ob, _):
            for j in range(CB):
                pltpu.async_copy(
                    ones_v, hist_s.at[sidx.at[ob, j]], sem, add=True)
                pltpu.async_copy(
                    ones_v, hist_d.at[didx.at[ob, j]], sem, add=True)
                if j % FIRE == FIRE - 1:
                    for _k in range(2 * FIRE):
                        pltpu.make_async_copy(
                            ones_v, hist_s.at[sidx.at[0, 0]], sem).wait()
            return 0
        lax.fori_loop(0, NB, fire_block, 0)
        plsc.subcore_barrier()

        @pl.when(c == 0)
        def _():
            pltpu.sync_copy(hist_s.at[pl.ds(r0, ZH)], hs0.at[pl.ds(r0, ZH)])
            pltpu.sync_copy(hist_d.at[pl.ds(r0, ZH)], hd0.at[pl.ds(r0, ZH)])

        @pl.when(c == 1)
        def _():
            pltpu.sync_copy(hist_s.at[pl.ds(r0, ZH)], hs1.at[pl.ds(r0, ZH)])
            pltpu.sync_copy(hist_d.at[pl.ds(r0, ZH)], hd1.at[pl.ds(r0, ZH)])

    return hist_kernel


@functools.lru_cache(maxsize=None)
def _build_agg(E_PAD, N, N_PAD, D):
    EPW = E_PAD // NW
    NCH = EPW // K
    NB = NCH // CB
    RPT = N_PAD // NS
    ZOFF = list(range(0, RPT - K + 1, K))
    if ZOFF[-1] != RPT - K:
        ZOFF.append(RPT - K)
    f32 = jnp.float32
    sds = jax.ShapeDtypeStruct

    @functools.partial(
        pl.kernel,
        out_type=(sds((N_PAD, D), f32), sds((N_PAD, D), f32)),
        mesh=_mesh(),
        scratch_types=[
            pltpu.VMEM((2, CB, K), jnp.int32),
            pltpu.VMEM((2, CB, K), jnp.int32),
            pltpu.VMEM((3, K, D), f32),
            pltpu.VMEM_SHARED((N_PAD, D), f32),
            pltpu.SemaphoreType.DMA,
            pltpu.SemaphoreType.DMA,
            pltpu.SemaphoreType.DMA,
            pltpu.SemaphoreType.DMA,
            pltpu.SemaphoreType.DMA,
            pltpu.SemaphoreType.DMA,
            pltpu.SemaphoreType.DMA,
        ],
    )
    def agg_kernel(h_hbm, src_hbm, dst_hbm, agg0, agg1,
                   sidx, didx, rows, acc,
                   semg0, semg1, semg2, sems0, sems1, sems2, semi):
        c = lax.axis_index("c")
        s = lax.axis_index("s")
        wid = s * NC + c

        def fill_z(r, _):
            for jj in range(D // LANES):
                rows[0, r, pl.ds(jj * LANES, LANES)] = jnp.zeros(
                    (LANES,), f32)
            return 0
        lax.fori_loop(0, K, fill_z, 0)

        base_r = s * RPT
        for off in ZOFF:
            pltpu.async_copy(
                rows.at[0], acc.at[pl.ds(base_r + off, K)], semg0)
        for off in ZOFF:
            pltpu.make_async_copy(
                rows.at[0], acc.at[pl.ds(base_r, K)], semg0).wait()

        pltpu.sync_copy(src_hbm.at[wid, 0], sidx.at[0])
        pltpu.sync_copy(dst_hbm.at[wid, 0], didx.at[0])
        plsc.subcore_barrier()

        semg = (semg0, semg1, semg2)
        sems = (sems0, sems1, sems2)

        def chunk(cc, _):
            p = lax.rem(cc, 3)
            q = lax.rem(cc + 1, 3)
            blk = cc // CB
            j = lax.rem(cc, CB)
            bb = lax.rem(blk, 2)
            j2 = lax.rem(cc - 2, CB)
            b2 = lax.rem((cc - 2) // CB, 2)

            for pi in range(3):
                @pl.when(jnp.logical_and(cc >= 3, p == pi))
                def _():
                    pltpu.make_async_copy(
                        rows.at[0], acc.at[didx.at[0, 0]], sems[pi]).wait()

            @pl.when(jnp.logical_and(
                j == 2, jnp.logical_and(blk + 1 < NB, cc < NCH)))
            def _():
                pltpu.async_copy(
                    src_hbm.at[wid, blk + 1], sidx.at[1 - bb], semi)
                pltpu.async_copy(
                    dst_hbm.at[wid, blk + 1], didx.at[1 - bb], semi)

            for pi in range(3):
                @pl.when(jnp.logical_and(cc < NCH, p == pi))
                def _():
                    pltpu.async_copy(
                        h_hbm.at[sidx.at[bb, j]], rows.at[pi], semg[pi])

            for pi in range(3):
                @pl.when(jnp.logical_and(cc >= 2, q == pi))
                def _():
                    pltpu.make_async_copy(
                        h_hbm.at[sidx.at[0, 0]], rows.at[0],
                        semg[pi]).wait()
                    pltpu.async_copy(
                        rows.at[pi], acc.at[didx.at[b2, j2]],
                        sems[pi], add=True)

            @pl.when(jnp.logical_and(
                j == CB - 1, jnp.logical_and(blk + 1 < NB, cc < NCH)))
            def _():
                pltpu.make_async_copy(
                    src_hbm.at[wid, 0], sidx.at[0], semi).wait()
                pltpu.make_async_copy(
                    dst_hbm.at[wid, 0], didx.at[0], semi).wait()

            return 0
        lax.fori_loop(0, NCH + 2, chunk, 0)
        pltpu.make_async_copy(
            rows.at[0], acc.at[didx.at[0, 0]],
            sems[(NCH - 1) % 3]).wait()
        plsc.subcore_barrier()

        @pl.when(c == 0)
        def _():
            for off in ZOFF:
                sl = pl.ds(base_r + off, K)
                pltpu.async_copy(acc.at[sl], agg0.at[sl], semg0)
            for off in ZOFF:
                pltpu.make_async_copy(
                    acc.at[pl.ds(base_r, K)],
                    agg0.at[pl.ds(base_r, K)], semg0).wait()

        @pl.when(c == 1)
        def _():
            for off in ZOFF:
                sl = pl.ds(base_r + off, K)
                pltpu.async_copy(acc.at[sl], agg1.at[sl], semg0)
            for off in ZOFF:
                pltpu.make_async_copy(
                    acc.at[pl.ds(base_r, K)],
                    agg1.at[pl.ds(base_r, K)], semg0).wait()

    return agg_kernel


def _make_prescale(pad_cnt):
    full, rem = pad_cnt // K, pad_cnt % K

    def _prescale_body(x_ref, a_ref, b_ref, o_ref):
        deg = a_ref[...] + b_ref[...]
        row = lax.broadcasted_iota(jnp.int32, deg.shape, 0)
        on_first = pl.program_id(0) == 0
        corr = (jnp.where(jnp.logical_and(row < K, on_first), full, 0)
                + jnp.where(jnp.logical_and(row < rem, on_first), 1, 0))
        norm = lax.rsqrt(jnp.maximum(deg - corr.astype(jnp.float32), 1.0))
        o_ref[...] = x_ref[...] * norm
    return _prescale_body


def _final_body(a0_ref, a1_ref, d0_ref, d1_ref, w_ref, o_ref):
    agg = a0_ref[...] + a1_ref[...]
    deg = d0_ref[...] + d1_ref[...]
    norm = lax.rsqrt(jnp.maximum(deg, 1.0))
    o_ref[...] = jnp.dot(agg * norm, w_ref[...],
                         preferred_element_type=jnp.float32)


def kernel(x, edge_index, W):
    N, D = x.shape
    E = edge_index.shape[1]
    N_PAD = ((N + 1 + 127) // 128) * 128
    N_PADH = ((N + 1 + 255) // 256) * 256
    EB = NW * CB * K
    E_PAD = ((E + EB - 1) // EB) * EB
    pad_cnt = E_PAD - E
    assert N % BR == 0
    grid_n = N // BR

    src = edge_index[0]
    dst = edge_index[1]
    if pad_cnt:
        pad_src = jnp.asarray(np.arange(pad_cnt, dtype=np.int32) % K)
        pad_dst = jnp.asarray(
            N + np.arange(pad_cnt, dtype=np.int32) % (N_PAD - N))
        src = jnp.concatenate([src, pad_src])
        dst = jnp.concatenate([dst, pad_dst])
    src = src.reshape(NW, E_PAD // (NW * CB * K), CB, K)
    dst = dst.reshape(NW, E_PAD // (NW * CB * K), CB, K)

    hs0, hd0, hs1, hd1 = _build_hist(E_PAD, N_PADH)(src, dst)

    h = pl.pallas_call(
        _make_prescale(pad_cnt),
        grid=(grid_n,),
        in_specs=[
            pl.BlockSpec((BR, D), lambda i: (i, 0)),
            pl.BlockSpec((BR, 1), lambda i: (i, 0)),
            pl.BlockSpec((BR, 1), lambda i: (i, 0)),
        ],
        out_specs=pl.BlockSpec((BR, D), lambda i: (i, 0)),
        out_shape=jax.ShapeDtypeStruct((N, D), jnp.float32),
    )(x, hs0.reshape(-1, 1), hs1.reshape(-1, 1))

    agg0, agg1 = _build_agg(E_PAD, N, N_PAD, D)(h, src, dst)

    out = pl.pallas_call(
        _final_body,
        grid=(grid_n,),
        in_specs=[
            pl.BlockSpec((BR, D), lambda i: (i, 0)),
            pl.BlockSpec((BR, D), lambda i: (i, 0)),
            pl.BlockSpec((BR, 1), lambda i: (i, 0)),
            pl.BlockSpec((BR, 1), lambda i: (i, 0)),
            pl.BlockSpec((D, D), lambda i: (0, 0)),
        ],
        out_specs=pl.BlockSpec((BR, D), lambda i: (i, 0)),
        out_shape=jax.ShapeDtypeStruct((N, D), jnp.float32),
    )(agg0, agg1, hd0.reshape(-1, 1), hd1.reshape(-1, 1), W)

    return out

# --- scband reference (transcript-rebuilt; emitter-appended) ---
"""Pipeline reference for scband-gcnconv-47974784697087 (READ-ONLY COPY).

The authoritative reference and input builder live on the scoring server;
editing this copy changes nothing except your own understanding.
"""

import jax, jax.numpy as jnp
import numpy as np

N_NODES = 10000
N_EDGES = 320000
D_IN = 128
D_OUT = 128


def setup_inputs(seed: int = 0) -> dict:
    key = jax.random.key(seed)
    k1, k2, k3 = jax.random.split(key, 3)
    x = jax.random.normal(k1, (N_NODES, D_IN), dtype=jnp.float32)
    edge_index = jax.random.randint(k2, (2, N_EDGES), 0, N_NODES, dtype=jnp.int32)
    # GraphConv weight, glorot-uniform style init
    limit = float(np.sqrt(6.0 / (D_IN + D_OUT)))
    W = jax.random.uniform(k3, (D_IN, D_OUT), dtype=jnp.float32, minval=-limit, maxval=limit)
    return {"x": x, "edge_index": edge_index, "W": W}


def reference(x, edge_index, W):
    # DGL GraphConv(norm='both', bias=False, allow_zero_in_degree=True)
    src = edge_index[0]
    dst = edge_index[1]
    n = x.shape[0]
    ones = jnp.ones((src.shape[0],), dtype=jnp.float32)
    # out-degree of source nodes, clamped to 1 (DGL: degs.clamp(min=1))
    deg_out = jnp.clip(jnp.zeros((n,), dtype=jnp.float32).at[src].add(ones), 1.0, None)
    norm_src = deg_out ** -0.5
    h = x * norm_src[:, None]
    # message passing: copy_u + sum aggregation
    msg = jnp.take(h, src, axis=0)
    agg = jax.ops.segment_sum(msg, dst, num_segments=n)
    # in-degree of destination nodes, clamped to 1
    deg_in = jnp.clip(jnp.zeros((n,), dtype=jnp.float32).at[dst].add(ones), 1.0, None)
    norm_dst = deg_in ** -0.5
    out = agg * norm_dst[:, None]
    # linear transform (mathematically identical whether applied pre/post aggregation)
    out = out @ W
    return out

if __name__ == "__main__":
    import jax
    _d = setup_inputs()
    print(jax.jit(kernel)(*tuple(_d.values())))

</pallas_src>

<mosaic_0001>
#map = affine_map<(d0, d1) -> (0, 0, 0, 0)>
#map1 = affine_map<(d0, d1) -> (0)>
module attributes {stable_mosaic.version = 14 : i64} {
  func.func @hist_kernel(%arg0: i32, %arg1: i32, %arg2: memref<32x20x8x64xi32, #tpu.memory_space<hbm>>, %arg3: memref<32x20x8x64xi32, #tpu.memory_space<hbm>>, %arg4: memref<10240xf32, #tpu.memory_space<hbm>>, %arg5: memref<10240xf32, #tpu.memory_space<hbm>>, %arg6: memref<10240xf32, #tpu.memory_space<hbm>>, %arg7: memref<10240xf32, #tpu.memory_space<hbm>>, %arg8: memref<20x8x64xi32, #tpu.memory_space<vmem>>, %arg9: memref<20x8x64xi32, #tpu.memory_space<vmem>>, %arg10: memref<64xf32, #tpu.memory_space<vmem>>, %arg11: memref<640xf32, #tpu.memory_space<vmem>>, %arg12: memref<10240xf32, #tpu.memory_space<vmem_shared>>, %arg13: memref<10240xf32, #tpu.memory_space<vmem_shared>>, %arg14: memref<!tpu.dma_semaphore, #tpu.memory_space<semaphore_mem>>) attributes {dimension_semantics = [#tpu.dimension_semantics<core_parallel>, #tpu.dimension_semantics<subcore_parallel>], iteration_bounds = array<i64: 2, 16>, scalar_prefetch = 0 : i64, scratch_operands = 7 : i64, tpu.core_type = #tpu.core_type<sc_vector_subcore>, window_params = [{transform_indices = #map}, {transform_indices = #map}, {transform_indices = #map1}, {transform_indices = #map1}, {transform_indices = #map1}, {transform_indices = #map1}]} {
    %mul3A = arith.constant 2 : i32
    %mul3A_0 = arith.muli %arg1, %mul3A : i32
    %add3A = arith.addi %mul3A_0, %arg0 : i32
    %scan3A = arith.constant 0 : i32
    %scan3A_1 = arith.constant 0 : i32
    %scan3A_2 = arith.constant 40 : i32
    %scan3A_3 = arith.addi %scan3A_1, %scan3A_2 : i32
    %scan3A_4 = arith.constant 1 : i32
    %scan3A_5 = scf.for %scan3A_31 = %scan3A_1 to %scan3A_3 step %scan3A_4 iter_args(%scan3A_32 = %scan3A) -> (i32)  : i32 {
      %broadcast_in_dim3A = arith.constant 0.000000e+00 : f32
      %broadcast_in_dim3A_33 = vector.broadcast %broadcast_in_dim3A : f32 to vector<16xf32>
      %mul3A_34 = arith.constant 16 : i32
      %mul3A_35 = arith.muli %scan3A_31, %mul3A_34 : i32
      %swap3A = arith.index_cast %mul3A_35 : i32 to index
      %swap3A_36 = tpu.vector_load %arg11[%swap3A] {strides = array<i32>} : memref<640xf32, #tpu.memory_space<vmem>>, vector<16xf32>,
      %swap3A_37 = vector.shape_cast %swap3A_36 : vector<16xf32> to vector<16xf32>
      %swap3A_38 = vector.shape_cast %broadcast_in_dim3A_33 : vector<16xf32> to vector<16xf32>
      tpu.vector_store %arg11[%swap3A], %swap3A_38 {strides = array<i32>} : memref<640xf32, #tpu.memory_space<vmem>>, vector<16xf32>,
      %scan3A_39 = arith.constant 0 : i32
      scf.yield %scan3A_39 : i32
    }
    %scan3A_6 = arith.constant 40 : i32
    %scan3A_7 = arith.constant 0 : i32
    %scan3A_8 = arith.constant 0 : i32
    %scan3A_9 = arith.constant 4 : i32
    %scan3A_10 = arith.addi %scan3A_8, %scan3A_9 : i32
    %scan3A_11 = arith.constant 1 : i32
    %scan3A_12 = scf.for %scan3A_31 = %scan3A_8 to %scan3A_10 step %scan3A_11 iter_args(%scan3A_32 = %scan3A_7) -> (i32)  : i32 {
      %broadcast_in_dim3A = arith.constant 1.000000e+00 : f32
      %broadcast_in_dim3A_33 = vector.broadcast %broadcast_in_dim3A : f32 to vector<16xf32>
      %mul3A_34 = arith.constant 16 : i32
      %mul3A_35 = arith.muli %scan3A_31, %mul3A_34 : i32
      %swap3A = arith.index_cast %mul3A_35 : i32 to index
      %swap3A_36 = tpu.vector_load %arg10[%swap3A] {strides = array<i32>} : memref<64xf32, #tpu.memory_space<vmem>>, vector<16xf32>,
      %swap3A_37 = vector.shape_cast %swap3A_36 : vector<16xf32> to vector<16xf32>
      %swap3A_38 = vector.shape_cast %broadcast_in_dim3A_33 : vector<16xf32> to vector<16xf32>
      tpu.vector_store %arg10[%swap3A], %swap3A_38 {strides = array<i32>} : memref<64xf32, #tpu.memory_space<vmem>>, vector<16xf32>,
      %scan3A_39 = arith.constant 0 : i32
      scf.yield %scan3A_39 : i32
    }
    %scan3A_13 = arith.constant 4 : i32
    %mul3A_14 = arith.constant 640 : i32
    %mul3A_15 = arith.muli %arg1, %mul3A_14 : i32
    %multiple_of3A = tpu.assume_multiple %mul3A_15, 8 : i32
    "tpu.region"() ({
      %run_scoped3A = tpu.sem_alloc : memref<!tpu.dma_semaphore, #tpu.memory_space<semaphore_mem>>
      %dma_start3A = arith.constant 0 : i32
      %dma_start3A_31 = tpu.memref_slice %arg11[%dma_start3A] : memref<640xf32, #tpu.memory_space<vmem>> -> memref<640xf32, #tpu.memory_space<vmem>>
      %dma_start3A_32 = tpu.memref_slice %arg12[%multiple_of3A] : memref<10240xf32, #tpu.memory_space<vmem_shared>> -> memref<640xf32, #tpu.memory_space<vmem_shared>>
      %dma_start3A_33 = tpu.memref_slice %arg12[%multiple_of3A] : memref<10240xf32, #tpu.memory_space<vmem_shared>> -> memref<640xf32, #tpu.memory_space<vmem_shared>>
      %dma_start3A_34 = arith.constant 0 : i32
      %dma_start3A_35 = tpu.memref_slice %arg11[%dma_start3A_34] : memref<640xf32, #tpu.memory_space<vmem>> -> memref<640xf32, #tpu.memory_space<vmem>>
      tpu.enqueue_dma source(%dma_start3A_35 : memref<640xf32, #tpu.memory_space<vmem>>) target(%dma_start3A_33 : memref<640xf32, #tpu.memory_space<vmem_shared>>) target_semaphore(%run_scoped3A : memref<!tpu.dma_semaphore, #tpu.memory_space<semaphore_mem>>)
      %dma_wait3A = arith.constant 0 : i32
      %dma_wait3A_36 = tpu.memref_slice %arg11[%dma_wait3A] : memref<640xf32, #tpu.memory_space<vmem>> -> memref<640xf32, #tpu.memory_space<vmem>>
      %dma_wait3A_37 = tpu.memref_slice %arg12[%multiple_of3A] : memref<10240xf32, #tpu.memory_space<vmem_shared>> -> memref<640xf32, #tpu.memory_space<vmem_shared>>
      %dma_wait3A_38 = tpu.memref_slice %arg12[%multiple_of3A] : memref<10240xf32, #tpu.memory_space<vmem_shared>> -> memref<640xf32, #tpu.memory_space<vmem_shared>>
      %dma_wait3A_39 = arith.constant 0 : i32
      %dma_wait3A_40 = tpu.memref_slice %arg11[%dma_wait3A_39] : memref<640xf32, #tpu.memory_space<vmem>> -> memref<640xf32, #tpu.memory_space<vmem>>
      tpu.wait_dma2 semaphore(%run_scoped3A : memref<!tpu.dma_semaphore, #tpu.memory_space<semaphore_mem>>) src(%dma_wait3A_40 : memref<640xf32, #tpu.memory_space<vmem>>) dst(%dma_wait3A_38 : memref<640xf32, #tpu.memory_space<vmem_shared>>)
      tpu.yield
    }) : () -> ()
    "tpu.region"() ({
      %run_scoped3A = tpu.sem_alloc : memref<!tpu.dma_semaphore, #tpu.memory_space<semaphore_mem>>
      %dma_start3A = arith.constant 0 : i32
      %dma_start3A_31 = tpu.memref_slice %arg11[%dma_start3A] : memref<640xf32, #tpu.memory_space<vmem>> -> memref<640xf32, #tpu.memory_space<vmem>>
      %dma_start3A_32 = tpu.memref_slice %arg13[%multiple_of3A] : memref<10240xf32, #tpu.memory_space<vmem_shared>> -> memref<640xf32, #tpu.memory_space<vmem_shared>>
      %dma_start3A_33 = tpu.memref_slice %arg13[%multiple_of3A] : memref<10240xf32, #tpu.memory_space<vmem_shared>> -> memref<640xf32, #tpu.memory_space<vmem_shared>>
      %dma_start3A_34 = arith.constant 0 : i32
      %dma_start3A_35 = tpu.memref_slice %arg11[%dma_start3A_34] : memref<640xf32, #tpu.memory_space<vmem>> -> memref<640xf32, #tpu.memory_space<vmem>>
      tpu.enqueue_dma source(%dma_start3A_35 : memref<640xf32, #tpu.memory_space<vmem>>) target(%dma_start3A_33 : memref<640xf32, #tpu.memory_space<vmem_shared>>) target_semaphore(%run_scoped3A : memref<!tpu.dma_semaphore, #tpu.memory_space<semaphore_mem>>)
      %dma_wait3A = arith.constant 0 : i32
      %dma_wait3A_36 = tpu.memref_slice %arg11[%dma_wait3A] : memref<640xf32, #tpu.memory_space<vmem>> -> memref<640xf32, #tpu.memory_space<vmem>>
      %dma_wait3A_37 = tpu.memref_slice %arg13[%multiple_of3A] : memref<10240xf32, #tpu.memory_space<vmem_shared>> -> memref<640xf32, #tpu.memory_space<vmem_shared>>
      %dma_wait3A_38 = tpu.memref_slice %arg13[%multiple_of3A] : memref<10240xf32, #tpu.memory_space<vmem_shared>> -> memref<640xf32, #tpu.memory_space<vmem_shared>>
      %dma_wait3A_39 = arith.constant 0 : i32
      %dma_wait3A_40 = tpu.memref_slice %arg11[%dma_wait3A_39] : memref<640xf32, #tpu.memory_space<vmem>> -> memref<640xf32, #tpu.memory_space<vmem>>
      tpu.wait_dma2 semaphore(%run_scoped3A : memref<!tpu.dma_semaphore, #tpu.memory_space<semaphore_mem>>) src(%dma_wait3A_40 : memref<640xf32, #tpu.memory_space<vmem>>) dst(%dma_wait3A_38 : memref<640xf32, #tpu.memory_space<vmem_shared>>)
      tpu.yield
    }) : () -> ()
    "tpu.region"() ({
      %run_scoped3A = tpu.sem_alloc : memref<!tpu.dma_semaphore, #tpu.memory_space<semaphore_mem>>
      %dma_start3A = arith.constant 0 : i32
      %dma_start3A_31 = arith.constant 0 : i32
      %dma_start3A_32 = arith.constant 0 : i32
      %dma_start3A_33 = tpu.memref_slice %arg2[%add3A, %dma_start3A, %dma_start3A_31, %dma_start3A_32] : memref<32x20x8x64xi32, #tpu.memory_space<hbm>> -> memref<1x20x8x64xi32, #tpu.memory_space<hbm>>
      %dma_start3A_34 = tpu.memref_squeeze %dma_start3A_33 : memref<1x20x8x64xi32, #tpu.memory_space<hbm>> -> memref<20x8x64xi32, #tpu.memory_space<hbm>>
      %dma_start3A_35 = arith.constant 0 : i32
      %dma_start3A_36 = arith.constant 0 : i32
      %dma_start3A_37 = arith.constant 0 : i32
      %dma_start3A_38 = tpu.memref_slice %arg2[%add3A, %dma_start3A_35, %dma_start3A_36, %dma_start3A_37] : memref<32x20x8x64xi32, #tpu.memory_space<hbm>> -> memref<1x20x8x64xi32, #tpu.memory_space<hbm>>
      %dma_start3A_39 = tpu.memref_squeeze %dma_start3A_38 : memref<1x20x8x64xi32, #tpu.memory_space<hbm>> -> memref<20x8x64xi32, #tpu.memory_space<hbm>>
      tpu.enqueue_dma source(%dma_start3A_39 : memref<20x8x64xi32, #tpu.memory_space<hbm>>) target(%arg8 : memref<20x8x64xi32, #tpu.memory_space<vmem>>) target_semaphore(%run_scoped3A : memref<!tpu.dma_semaphore, #tpu.memory_space<semaphore_mem>>)
      %dma_wait3A = arith.constant 0 : i32
      %dma_wait3A_40 = arith.constant 0 : i32
      %dma_wait3A_41 = arith.constant 0 : i32
      %dma_wait3A_42 = tpu.memref_slice %arg2[%add3A, %dma_wait3A, %dma_wait3A_40, %dma_wait3A_41] : memref<32x20x8x64xi32, #tpu.memory_space<hbm>> -> memref<1x20x8x64xi32, #tpu.memory_space<hbm>>
      %dma_wait3A_43 = tpu.memref_squeeze %dma_wait3A_42 : memref<1x20x8x64xi32, #tpu.memory_space<hbm>> -> memref<20x8x64xi32, #tpu.memory_space<hbm>>
      %dma_wait3A_44 = arith.constant 0 : i32
      %dma_wait3A_45 = arith.constant 0 : i32
      %dma_wait3A_46 = arith.constant 0 : i32
      %dma_wait3A_47 = tpu.memref_slice %arg2[%add3A, %dma_wait3A_44, %dma_wait3A_45, %dma_wait3A_46] : memref<32x20x8x64xi32, #tpu.memory_space<hbm>> -> memref<1x20x8x64xi32, #tpu.memory_space<hbm>>
      %dma_wait3A_48 = tpu.memref_squeeze %dma_wait3A_47 : memref<1x20x8x64xi32, #tpu.memory_space<hbm>> -> memref<20x8x64xi32, #tpu.memory_space<hbm>>
      tpu.wait_dma2 semaphore(%run_scoped3A : memref<!tpu.dma_semaphore, #tpu.memory_space<semaphore_mem>>) src(%dma_wait3A_48 : memref<20x8x64xi32, #tpu.memory_space<hbm>>) dst(%arg8 : memref<20x8x64xi32, #tpu.memory_space<vmem>>)
      tpu.yield
    }) : () -> ()
    "tpu.region"() ({
      %run_scoped3A = tpu.sem_alloc : memref<!tpu.dma_semaphore, #tpu.memory_space<semaphore_mem>>
      %dma_start3A = arith.constant 0 : i32
      %dma_start3A_31 = arith.constant 0 : i32
      %dma_start3A_32 = arith.constant 0 : i32
      %dma_start3A_33 = tpu.memref_slice %arg3[%add3A, %dma_start3A, %dma_start3A_31, %dma_start3A_32] : memref<32x20x8x64xi32, #tpu.memory_space<hbm>> -> memref<1x20x8x64xi32, #tpu.memory_space<hbm>>
      %dma_start3A_34 = tpu.memref_squeeze %dma_start3A_33 : memref<1x20x8x64xi32, #tpu.memory_space<hbm>> -> memref<20x8x64xi32, #tpu.memory_space<hbm>>
      %dma_start3A_35 = arith.constant 0 : i32
      %dma_start3A_36 = arith.constant 0 : i32
      %dma_start3A_37 = arith.constant 0 : i32
      %dma_start3A_38 = tpu.memref_slice %arg3[%add3A, %dma_start3A_35, %dma_start3A_36, %dma_start3A_37] : memref<32x20x8x64xi32, #tpu.memory_space<hbm>> -> memref<1x20x8x64xi32, #tpu.memory_space<hbm>>
      %dma_start3A_39 = tpu.memref_squeeze %dma_start3A_38 : memref<1x20x8x64xi32, #tpu.memory_space<hbm>> -> memref<20x8x64xi32, #tpu.memory_space<hbm>>
      tpu.enqueue_dma source(%dma_start3A_39 : memref<20x8x64xi32, #tpu.memory_space<hbm>>) target(%arg9 : memref<20x8x64xi32, #tpu.memory_space<vmem>>) target_semaphore(%run_scoped3A : memref<!tpu.dma_semaphore, #tpu.memory_space<semaphore_mem>>)
      %dma_wait3A = arith.constant 0 : i32
      %dma_wait3A_40 = arith.constant 0 : i32
      %dma_wait3A_41 = arith.constant 0 : i32
      %dma_wait3A_42 = tpu.memref_slice %arg3[%add3A, %dma_wait3A, %dma_wait3A_40, %dma_wait3A_41] : memref<32x20x8x64xi32, #tpu.memory_space<hbm>> -> memref<1x20x8x64xi32, #tpu.memory_space<hbm>>
      %dma_wait3A_43 = tpu.memref_squeeze %dma_wait3A_42 : memref<1x20x8x64xi32, #tpu.memory_space<hbm>> -> memref<20x8x64xi32, #tpu.memory_space<hbm>>
      %dma_wait3A_44 = arith.constant 0 : i32
      %dma_wait3A_45 = arith.constant 0 : i32
      %dma_wait3A_46 = arith.constant 0 : i32
      %dma_wait3A_47 = tpu.memref_slice %arg3[%add3A, %dma_wait3A_44, %dma_wait3A_45, %dma_wait3A_46] : memref<32x20x8x64xi32, #tpu.memory_space<hbm>> -> memref<1x20x8x64xi32, #tpu.memory_space<hbm>>
      %dma_wait3A_48 = tpu.memref_squeeze %dma_wait3A_47 : memref<1x20x8x64xi32, #tpu.memory_space<hbm>> -> memref<20x8x64xi32, #tpu.memory_space<hbm>>
      tpu.wait_dma2 semaphore(%run_scoped3A : memref<!tpu.dma_semaphore, #tpu.memory_space<semaphore_mem>>) src(%dma_wait3A_48 : memref<20x8x64xi32, #tpu.memory_space<hbm>>) dst(%arg9 : memref<20x8x64xi32, #tpu.memory_space<vmem>>)
      tpu.yield
    }) : () -> ()
    %barrier3A = arith.constant 0 : index
    tpu.barrier barrier_id(%barrier3A)
    %scan3A_16 = arith.constant 0 : i32
    %scan3A_17 = arith.constant 0 : i32
    %scan3A_18 = arith.constant 20 : i32
    %scan3A_19 = arith.addi %scan3A_17, %scan3A_18 : i32
    %scan3A_20 = arith.constant 1 : i32
    %scan3A_21 = scf.for %scan3A_31 = %scan3A_17 to %scan3A_19 step %scan3A_20 iter_args(%scan3A_32 = %scan3A_16) -> (i32)  : i32 {
      %dma_start3A = arith.constant 0 : i32
      %dma_start3A_33 = arith.constant 0 : i32
      %dma_start3A_34 = tpu.memref_slice %arg8[%scan3A_31, %dma_start3A, %dma_start3A_33] : memref<20x8x64xi32, #tpu.memory_space<vmem>> -> memref<1x1x64xi32, #tpu.memory_space<vmem>>
      %dma_start3A_35 = tpu.memref_squeeze %dma_start3A_34 : memref<1x1x64xi32, #tpu.memory_space<vmem>> -> memref<64xi32, #tpu.memory_space<vmem>>
      %dma_start3A_36 = arith.constant 0 : i32
      %dma_start3A_37 = tpu.memref_slice %arg12[%dma_start3A_36] : memref<10240xf32, #tpu.memory_space<vmem_shared>> -> memref<10240xf32, #tpu.memory_space<vmem_shared>>
      tpu.enqueue_indirect_dma source(%arg10 : memref<64xf32, #tpu.memory_space<vmem>>) target(%dma_start3A_37 : memref<10240xf32, #tpu.memory_space<vmem_shared>>) offsets(%dma_start3A_35 : memref<64xi32, #tpu.memory_space<vmem>>) semaphore(%arg14 : memref<!tpu.dma_semaphore, #tpu.memory_space<semaphore_mem>>) {add = true}
      %dma_start3A_38 = arith.constant 0 : i32
      %dma_start3A_39 = arith.constant 0 : i32
      %dma_start3A_40 = tpu.memref_slice %arg9[%scan3A_31, %dma_start3A_38, %dma_start3A_39] : memref<20x8x64xi32, #tpu.memory_space<vmem>> -> memref<1x1x64xi32, #tpu.memory_space<vmem>>
      %dma_start3A_41 = tpu.memref_squeeze %dma_start3A_40 : memref<1x1x64xi32, #tpu.memory_space<vmem>> -> memref<64xi32, #tpu.memory_space<vmem>>
      %dma_start3A_42 = arith.constant 0 : i32
      %dma_start3A_43 = tpu.memref_slice %arg13[%dma_start3A_42] : memref<10240xf32, #tpu.memory_space<vmem_shared>> -> memref<10240xf32, #tpu.memory_space<vmem_shared>>
      tpu.enqueue_indirect_dma source(%arg10 : memref<64xf32, #tpu.memory_space<vmem>>) target(%dma_start3A_43 : memref<10240xf32, #tpu.memory_space<vmem_shared>>) offsets(%dma_start3A_41 : memref<64xi32, #tpu.memory_space<vmem>>) semaphore(%arg14 : memref<!tpu.dma_semaphore, #tpu.memory_space<semaphore_mem>>) {add = true}
      %dma_start3A_44 = arith.constant 1 : i32
      %dma_start3A_45 = arith.constant 0 : i32
      %dma_start3A_46 = tpu.memref_slice %arg8[%scan3A_31, %dma_start3A_44, %dma_start3A_45] : memref<20x8x64xi32, #tpu.memory_space<vmem>> -> memref<1x1x64xi32, #tpu.memory_space<vmem>>
      %dma_start3A_47 = tpu.memref_squeeze %dma_start3A_46 : memref<1x1x64xi32, #tpu.memory_space<vmem>> -> memref<64xi32, #tpu.memory_space<vmem>>
      %dma_start3A_48 = arith.constant 0 : i32
      %dma_start3A_49 = tpu.memref_slice %arg12[%dma_start3A_48] : memref<10240xf32, #tpu.memory_space<vmem_shared>> -> memref<10240xf32, #tpu.memory_space<vmem_shared>>
      tpu.enqueue_indirect_dma source(%arg10 : memref<64xf32, #tpu.memory_space<vmem>>) target(%dma_start3A_49 : memref<10240xf32, #tpu.memory_space<vmem_shared>>) offsets(%dma_start3A_47 : memref<64xi32, #tpu.memory_space<vmem>>) semaphore(%arg14 : memref<!tpu.dma_semaphore, #tpu.memory_space<semaphore_mem>>) {add = true}
      %dma_start3A_50 = arith.constant 1 : i32
      %dma_start3A_51 = arith.constant 0 : i32
      %dma_start3A_52 = tpu.memref_slice %arg9[%scan3A_31, %dma_start3A_50, %dma_start3A_51] : memref<20x8x64xi32, #tpu.memory_space<vmem>> -> memref<1x1x64xi32, #tpu.memory_space<vmem>>
      %dma_start3A_53 = tpu.memref_squeeze %dma_start3A_52 : memref<1x1x64xi32, #tpu.memory_space<vmem>> -> memref<64xi32, #tpu.memory_space<vmem>>
      %dma_start3A_54 = arith.constant 0 : i32
      %dma_start3A_55 = tpu.memref_slice %arg13[%dma_start3A_54] : memref<10240xf32, #tpu.memory_space<vmem_shared>> -> memref<10240xf32, #tpu.memory_space<vmem_shared>>
      tpu.enqueue_indirect_dma source(%arg10 : memref<64xf32, #tpu.memory_space<vmem>>) target(%dma_start3A_55 : memref<10240xf32, #tpu.memory_space<vmem_shared>>) offsets(%dma_start3A_53 : memref<64xi32, #tpu.memory_space<vmem>>) semaphore(%arg14 : memref<!tpu.dma_semaphore, #tpu.memory_space<semaphore_mem>>) {add = true}
      %dma_start3A_56 = arith.constant 2 : i32
      %dma_start3A_57 = arith.constant 0 : i32
      %dma_start3A_58 = tpu.memref_slice %arg8[%scan3A_31, %dma_start3A_56, %dma_start3A_57] : memref<20x8x64xi32, #tpu.memory_space<vmem>> -> memref<1x1x64xi32, #tpu.memory_space<vmem>>
      %dma_start3A_59 = tpu.memref_squeeze %dma_start3A_58 : memref<1x1x64xi32, #tpu.memory_space<vmem>> -> memref<64xi32, #tpu.memory_space<vmem>>
      %dma_start3A_60 = arith.constant 0 : i32
      %dma_start3A_61 = tpu.memref_slice %arg12[%dma_start3A_60] : memref<10240xf32, #tpu.memory_space<vmem_shared>> -> memref<10240xf32, #tpu.memory_space<vmem_shared>>
      tpu.enqueue_indirect_dma source(%arg10 : memref<64xf32, #tpu.memory_space<vmem>>) target(%dma_start3A_61 : memref<10240xf32, #tpu.memory_space<vmem_shared>>) offsets(%dma_start3A_59 : memref<64xi32, #tpu.memory_space<vmem>>) semaphore(%arg14 : memref<!tpu.dma_semaphore, #tpu.memory_space<semaphore_mem>>) {add = true}
      %dma_start3A_62 = arith.constant 2 : i32
      %dma_start3A_63 = arith.constant 0 : i32
      %dma_start3A_64 = tpu.memref_slice %arg9[%scan3A_31, %dma_start3A_62, %dma_start3A_63] : memref<20x8x64xi32, #tpu.memory_space<vmem>> -> memref<1x1x64xi32, #tpu.memory_space<vmem>>
      %dma_start3A_65 = tpu.memref_squeeze %dma_start3A_64 : memref<1x1x64xi32, #tpu.memory_space<vmem>> -> memref<64xi32, #tpu.memory_space<vmem>>
      %dma_start3A_66 = arith.constant 0 : i32
      %dma_start3A_67 = tpu.memref_slice %arg13[%dma_start3A_66] : memref<10240xf32, #tpu.memory_space<vmem_shared>> -> memref<10240xf32, #tpu.memory_space<vmem_shared>>
      tpu.enqueue_indirect_dma source(%arg10 : memref<64xf32, #tpu.memory_space<vmem>>) target(%dma_start3A_67 : memref<10240xf32, #tpu.memory_space<vmem_shared>>) offsets(%dma_start3A_65 : memref<64xi32, #tpu.memory_space<vmem>>) semaphore(%arg14 : memref<!tpu.dma_semaphore, #tpu.memory_space<semaphore_mem>>) {add = true}
      %dma_start3A_68 = arith.constant 3 : i32
      %dma_start3A_69 = arith.constant 0 : i32
      %dma_start3A_70 = tpu.memref_slice %arg8[%scan3A_31, %dma_start3A_68, %dma_start3A_69] : memref<20x8x64xi32, #tpu.memory_space<vmem>> -> memref<1x1x64xi32, #tpu.memory_space<vmem>>
      %dma_start3A_71 = tpu.memref_squeeze %dma_start3A_70 : memref<1x1x64xi32, #tpu.memory_space<vmem>> -> memref<64xi32, #tpu.memory_space<vmem>>
      %dma_start3A_72 = arith.constant 0 : i32
      %dma_start3A_73 = tpu.memref_slice %arg12[%dma_start3A_72] : memref<10240xf32, #tpu.memory_space<vmem_shared>> -> memref<10240xf32, #tpu.memory_space<vmem_shared>>
      tpu.enqueue_indirect_dma source(%arg10 : memref<64xf32, #tpu.memory_space<vmem>>) target(%dma_start3A_73 : memref<10240xf32, #tpu.memory_space<vmem_shared>>) offsets(%dma_start3A_71 : memref<64xi32, #tpu.memory_space<vmem>>) semaphore(%arg14 : memref<!tpu.dma_semaphore, #tpu.memory_space<semaphore_mem>>) {add = true}
      %dma_start3A_74 = arith.constant 3 : i32
      %dma_start3A_75 = arith.constant 0 : i32
      %dma_start3A_76 = tpu.memref_slice %arg9[%scan3A_31, %dma_start3A_74, %dma_start3A_75] : memref<20x8x64xi32, #tpu.memory_space<vmem>> -> memref<1x1x64xi32, #tpu.memory_space<vmem>>
      %dma_start3A_77 = tpu.memref_squeeze %dma_start3A_76 : memref<1x1x64xi32, #tpu.memory_space<vmem>> -> memref<64xi32, #tpu.memory_space<vmem>>
      %dma_start3A_78 = arith.constant 0 : i32
      %dma_start3A_79 = tpu.memref_slice %arg13[%dma_start3A_78] : memref<10240xf32, #tpu.memory_space<vmem_shared>> -> memref<10240xf32, #tpu.memory_space<vmem_shared>>
      tpu.enqueue_indirect_dma source(%arg10 : memref<64xf32, #tpu.memory_space<vmem>>) target(%dma_start3A_79 : memref<10240xf32, #tpu.memory_space<vmem_shared>>) offsets(%dma_start3A_77 : memref<64xi32, #tpu.memory_space<vmem>>) semaphore(%arg14 : memref<!tpu.dma_semaphore, #tpu.memory_space<semaphore_mem>>) {add = true}
      %dma_wait3A = arith.constant 0 : i32
      %dma_wait3A_80 = arith.constant 0 : i32
      %dma_wait3A_81 = arith.constant 0 : i32
      %dma_wait3A_82 = tpu.memref_slice %arg8[%dma_wait3A, %dma_wait3A_80, %dma_wait3A_81] : memref<20x8x64xi32, #tpu.memory_space<vmem>> -> memref<1x1x64xi32, #tpu.memory_space<vmem>>
      %dma_wait3A_83 = tpu.memref_squeeze %dma_wait3A_82 : memref<1x1x64xi32, #tpu.memory_space<vmem>> -> memref<64xi32, #tpu.memory_space<vmem>>
      %dma_wait3A_84 = arith.constant 0 : i32
      %dma_wait3A_85 = tpu.memref_slice %arg12[%dma_wait3A_84] : memref<10240xf32, #tpu.memory_space<vmem_shared>> -> memref<10240xf32, #tpu.memory_space<vmem_shared>>
      tpu.wait_indirect_dma semaphore(%arg14 : memref<!tpu.dma_semaphore, #tpu.memory_space<semaphore_mem>>) src(%arg10 : memref<64xf32, #tpu.memory_space<vmem>>) dst(%dma_wait3A_85 : memref<10240xf32, #tpu.memory_space<vmem_shared>>)
      %dma_wait3A_86 = arith.constant 0 : i32
      %dma_wait3A_87 = arith.constant 0 : i32
      %dma_wait3A_88 = arith.constant 0 : i32
      %dma_wait3A_89 = tpu.memref_slice %arg8[%dma_wait3A_86, %dma_wait3A_87, %dma_wait3A_88] : memref<20x8x64xi32, #tpu.memory_space<vmem>> -> memref<1x1x64xi32, #tpu.memory_space<vmem>>
      %dma_wait3A_90 = tpu.memref_squeeze %dma_wait3A_89 : memref<1x1x64xi32, #tpu.memory_space<vmem>> -> memref<64xi32, #tpu.memory_space<vmem>>
      %dma_wait3A_91 = arith.constant 0 : i32
      %dma_wait3A_92 = tpu.memref_slice %arg12[%dma_wait3A_91] : memref<10240xf32, #tpu.memory_space<vmem_shared>> -> memref<10240xf32, #tpu.memory_space<vmem_shared>>
      tpu.wait_indirect_dma semaphore(%arg14 : memref<!tpu.dma_semaphore, #tpu.memory_space<semaphore_mem>>) src(%arg10 : memref<64xf32, #tpu.memory_space<vmem>>) dst(%dma_wait3A_92 : memref<10240xf32, #tpu.memory_space<vmem_shared>>)
      %dma_wait3A_93 = arith.constant 0 : i32
      %dma_wait3A_94 = arith.constant 0 : i32
      %dma_wait3A_95 = arith.constant 0 : i32
      %dma_wait3A_96 = tpu.memref_slice %arg8[%dma_wait3A_93, %dma_wait3A_94, %dma_wait3A_95] : memref<20x8x64xi32, #tpu.memory_space<vmem>> -> memref<1x1x64xi32, #tpu.memory_space<vmem>>
      %dma_wait3A_97 = tpu.memref_squeeze %dma_wait3A_96 : memref<1x1x64xi32, #tpu.memory_space<vmem>> -> memref<64xi32, #tpu.memory_space<vmem>>
      %dma_wait3A_98 = arith.constant 0 : i32
      %dma_wait3A_99 = tpu.memref_slice %arg12[%dma_wait3A_98] : memref<10240xf32, #tpu.memory_space<vmem_shared>> -> memref<10240xf32, #tpu.memory_space<vmem_shared>>
      tpu.wait_indirect_dma semaphore(%arg14 : memref<!tpu.dma_semaphore, #tpu.memory_space<semaphore_mem>>) src(%arg10 : memref<64xf32, #tpu.memory_space<vmem>>) dst(%dma_wait3A_99 : memref<10240xf32, #tpu.memory_space<vmem_shared>>)
      %dma_wait3A_100 = arith.constant 0 : i32
      %dma_wait3A_101 = arith.constant 0 : i32
      %dma_wait3A_102 = arith.constant 0 : i32
      %dma_wait3A_103 = tpu.memref_slice %arg8[%dma_wait3A_100, %dma_wait3A_101, %dma_wait3A_102] : memref<20x8x64xi32, #tpu.memory_space<vmem>> -> memref<1x1x64xi32, #tpu.memory_space<vmem>>
      %dma_wait3A_104 = tpu.memref_squeeze %dma_wait3A_103 : memref<1x1x64xi32, #tpu.memory_space<vmem>> -> memref<64xi32, #tpu.memory_space<vmem>>
      %dma_wait3A_105 = arith.constant 0 : i32
      %dma_wait3A_106 = tpu.memref_slice %arg12[%dma_wait3A_105] : memref<10240xf32, #tpu.memory_space<vmem_shared>> -> memref<10240xf32, #tpu.memory_space<vmem_shared>>
      tpu.wait_indirect_dma semaphore(%arg14 : memref<!tpu.dma_semaphore, #tpu.memory_space<semaphore_mem>>) src(%arg10 : memref<64xf32, #tpu.memory_space<vmem>>) dst(%dma_wait3A_106 : memref<10240xf32, #tpu.memory_space<vmem_shared>>)
      %dma_wait3A_107 = arith.constant 0 : i32
      %dma_wait3A_108 = arith.constant 0 : i32
      %dma_wait3A_109 = arith.constant 0 : i32
      %dma_wait3A_110 = tpu.memref_slice %arg8[%dma_wait3A_107, %dma_wait3A_108, %dma_wait3A_109] : memref<20x8x64xi32, #tpu.memory_space<vmem>> -> memref<1x1x64xi32, #tpu.memory_space<vmem>>
      %dma_wait3A_111 = tpu.memref_squeeze %dma_wait3A_110 : memref<1x1x64xi32, #tpu.memory_space<vmem>> -> memref<64xi32, #tpu.memory_space<vmem>>
      %dma_wait3A_112 = arith.constant 0 : i32
      %dma_wait3A_113 = tpu.memref_slice %arg12[%dma_wait3A_112] : memref<10240xf32, #tpu.memory_space<vmem_shared>> -> memref<10240xf32, #tpu.memory_space<vmem_shared>>
      tpu.wait_indirect_dma semaphore(%arg14 : memref<!tpu.dma_semaphore, #tpu.memory_space<semaphore_mem>>) src(%arg10 : memref<64xf32, #tpu.memory_space<vmem>>) dst(%dma_wait3A_113 : memref<10240xf32, #tpu.memory_space<vmem_shared>>)
      %dma_wait3A_114 = arith.constant 0 : i32
      %dma_wait3A_115 = arith.constant 0 : i32
      %dma_wait3A_116 = arith.constant 0 : i32
      %dma_wait3A_117 = tpu.memref_slice %arg8[%dma_wait3A_114, %dma_wait3A_115, %dma_wait3A_116] : memref<20x8x64xi32, #tpu.memory_space<vmem>> -> memref<1x1x64xi32, #tpu.memory_space<vmem>>
      %dma_wait3A_118 = tpu.memref_squeeze %dma_wait3A_117 : memref<1x1x64xi32, #tpu.memory_space<vmem>> -> memref<64xi32, #tpu.memory_space<vmem>>
      %dma_wait3A_119 = arith.constant 0 : i32
      %dma_wait3A_120 = tpu.memref_slice %arg12[%dma_wait3A_119] : memref<10240xf32, #tpu.memory_space<vmem_shared>> -> memref<10240xf32, #tpu.memory_space<vmem_shared>>
      tpu.wait_indirect_dma semaphore(%arg14 : memref<!tpu.dma_semaphore, #tpu.memory_space<semaphore_mem>>) src(%arg10 : memref<64xf32, #tpu.memory_space<vmem>>) dst(%dma_wait3A_120 : memref<10240xf32, #tpu.memory_space<vmem_shared>>)
      %dma_wait3A_121 = arith.constant 0 : i32
      %dma_wait3A_122 = arith.constant 0 : i32
      %dma_wait3A_123 = arith.constant 0 : i32
      %dma_wait3A_124 = tpu.memref_slice %arg8[%dma_wait3A_121, %dma_wait3A_122, %dma_wait3A_123] : memref<20x8x64xi32, #tpu.memory_space<vmem>> -> memref<1x1x64xi32, #tpu.memory_space<vmem>>
      %dma_wait3A_125 = tpu.memref_squeeze %dma_wait3A_124 : memref<1x1x64xi32, #tpu.memory_space<vmem>> -> memref<64xi32, #tpu.memory_space<vmem>>
      %dma_wait3A_126 = arith.constant 0 : i32
      %dma_wait3A_127 = tpu.memref_slice %arg12[%dma_wait3A_126] : memref<10240xf32, #tpu.memory_space<vmem_shared>> -> memref<10240xf32, #tpu.memory_space<vmem_shared>>
      tpu.wait_indirect_dma semaphore(%arg14 : memref<!tpu.dma_semaphore, #tpu.memory_space<semaphore_mem>>) src(%arg10 : memref<64xf32, #tpu.memory_space<vmem>>) dst(%dma_wait3A_127 : memref<10240xf32, #tpu.memory_space<vmem_shared>>)
      %dma_wait3A_128 = arith.constant 0 : i32
      %dma_wait3A_129 = arith.constant 0 : i32
      %dma_wait3A_130 = arith.constant 0 : i32
      %dma_wait3A_131 = tpu.memref_slice %arg8[%dma_wait3A_128, %dma_wait3A_129, %dma_wait3A_130] : memref<20x8x64xi32, #tpu.memory_space<vmem>> -> memref<1x1x64xi32, #tpu.memory_space<vmem>>
      %dma_wait3A_132 = tpu.memref_squeeze %dma_wait3A_131 : memref<1x1x64xi32, #tpu.memory_space<vmem>> -> memref<64xi32, #tpu.memory_space<vmem>>
      %dma_wait3A_133 = arith.constant 0 : i32
      %dma_wait3A_134 = tpu.memref_slice %arg12[%dma_wait3A_133] : memref<10240xf32, #tpu.memory_space<vmem_shared>> -> memref<10240xf32, #tpu.memory_space<vmem_shared>>
      tpu.wait_indirect_dma semaphore(%arg14 : memref<!tpu.dma_semaphore, #tpu.memory_space<semaphore_mem>>) src(%arg10 : memref<64xf32, #tpu.memory_space<vmem>>) dst(%dma_wait3A_134 : memref<10240xf32, #tpu.memory_space<vmem_shared>>)
      %dma_start3A_135 = arith.constant 4 : i32
      %dma_start3A_136 = arith.constant 0 : i32
      %dma_start3A_137 = tpu.memref_slice %arg8[%scan3A_31, %dma_start3A_135, %dma_start3A_136] : memref<20x8x64xi32, #tpu.memory_space<vmem>> -> memref<1x1x64xi32, #tpu.memory_space<vmem>>
      %dma_start3A_138 = tpu.memref_squeeze %dma_start3A_137 : memref<1x1x64xi32, #tpu.memory_space<vmem>> -> memref<64xi32, #tpu.memory_space<vmem>>
      %dma_start3A_139 = arith.constant 0 : i32
      %dma_start3A_140 = tpu.memref_slice %arg12[%dma_start3A_139] : memref<10240xf32, #tpu.memory_space<vmem_shared>> -> memref<10240xf32, #tpu.memory_space<vmem_shared>>
      tpu.enqueue_indirect_dma source(%arg10 : memref<64xf32, #tpu.memory_space<vmem>>) target(%dma_start3A_140 : memref<10240xf32, #tpu.memory_space<vmem_shared>>) offsets(%dma_start3A_138 : memref<64xi32, #tpu.memory_space<vmem>>) semaphore(%arg14 : memref<!tpu.dma_semaphore, #tpu.memory_space<semaphore_mem>>) {add = true}
      %dma_start3A_141 = arith.constant 4 : i32
      %dma_start3A_142 = arith.constant 0 : i32
      %dma_start3A_143 = tpu.memref_slice %arg9[%scan3A_31, %dma_start3A_141, %dma_start3A_142] : memref<20x8x64xi32, #tpu.memory_space<vmem>> -> memref<1x1x64xi32, #tpu.memory_space<vmem>>
      %dma_start3A_144 = tpu.memref_squeeze %dma_start3A_143 : memref<1x1x64xi32, #tpu.memory_space<vmem>> -> memref<64xi32, #tpu.memory_space<vmem>>
      %dma_start3A_145 = arith.constant 0 : i32
      %dma_start3A_146 = tpu.memref_slice %arg13[%dma_start3A_145] : memref<10240xf32, #tpu.memory_space<vmem_shared>> -> memref<10240xf32, #tpu.memory_space<vmem_shared>>
      tpu.enqueue_indirect_dma source(%arg10 : memref<64xf32, #tpu.memory_space<vmem>>) target(%dma_start3A_146 : memref<10240xf32, #tpu.memory_space<vmem_shared>>) offsets(%dma_start3A_144 : memref<64xi32, #tpu.memory_space<vmem>>) semaphore(%arg14 : memref<!tpu.dma_semaphore, #tpu.memory_space<semaphore_mem>>) {add = true}
      %dma_start3A_147 = arith.constant 5 : i32
      %dma_start3A_148 = arith.constant 0 : i32
      %dma_start3A_149 = tpu.memref_slice %arg8[%scan3A_31, %dma_start3A_147, %dma_start3A_148] : memref<20x8x64xi32, #tpu.memory_space<vmem>> -> memref<1x1x64xi32, #tpu.memory_space<vmem>>
      %dma_start3A_150 = tpu.memref_squeeze %dma_start3A_149 : memref<1x1x64xi32, #tpu.memory_space<vmem>> -> memref<64xi32, #tpu.memory_space<vmem>>
      %dma_start3A_151 = arith.constant 0 : i32
      %dma_start3A_152 = tpu.memref_slice %arg12[%dma_start3A_151] : memref<10240xf32, #tpu.memory_space<vmem_shared>> -> memref<10240xf32, #tpu.memory_space<vmem_shared>>
      tpu.enqueue_indirect_dma source(%arg10 : memref<64xf32, #tpu.memory_space<vmem>>) target(%dma_start3A_152 : memref<10240xf32, #tpu.memory_space<vmem_shared>>) offsets(%dma_start3A_150 : memref<64xi32, #tpu.memory_space<vmem>>) semaphore(%arg14 : memref<!tpu.dma_semaphore, #tpu.memory_space<semaphore_mem>>) {add = true}
      %dma_start3A_153 = arith.constant 5 : i32
      %dma_start3A_154 = arith.constant 0 : i32
      %dma_start3A_155 = tpu.memref_slice %arg9[%scan3A_31, %dma_start3A_153, %dma_start3A_154] : memref<20x8x64xi32, #tpu.memory_space<vmem>> -> memref<1x1x64xi32, #tpu.memory_space<vmem>>
      %dma_start3A_156 = tpu.memref_squeeze %dma_start3A_155 : memref<1x1x64xi32, #tpu.memory_space<vmem>> -> memref<64xi32, #tpu.memory_space<vmem>>
      %dma_start3A_157 = arith.constant 0 : i32
      %dma_start3A_158 = tpu.memref_slice %arg13[%dma_start3A_157] : memref<10240xf32, #tpu.memory_space<vmem_shared>> -> memref<10240xf32, #tpu.memory_space<vmem_shared>>
      tpu.enqueue_indirect_dma source(%arg10 : memref<64xf32, #tpu.memory_space<vmem>>) target(%dma_start3A_158 : memref<10240xf32, #tpu.memory_space<vmem_shared>>) offsets(%dma_start3A_156 : memref<64xi32, #tpu.memory_space<vmem>>) semaphore(%arg14 : memref<!tpu.dma_semaphore, #tpu.memory_space<semaphore_mem>>) {add = true}
      %dma_start3A_159 = arith.constant 6 : i32
      %dma_start3A_160 = arith.constant 0 : i32
      %dma_start3A_161 = tpu.memref_slice %arg8[%scan3A_31, %dma_start3A_159, %dma_start3A_160] : memref<20x8x64xi32, #tpu.memory_space<vmem>> -> memref<1x1x64xi32, #tpu.memory_space<vmem>>
      %dma_start3A_162 = tpu.memref_squeeze %dma_start3A_161 : memref<1x1x64xi32, #tpu.memory_space<vmem>> -> memref<64xi32, #tpu.memory_space<vmem>>
      %dma_start3A_163 = arith.constant 0 : i32
      %dma_start3A_164 = tpu.memref_slice %arg12[%dma_start3A_163] : memref<10240xf32, #tpu.memory_space<vmem_shared>> -> memref<10240xf32, #tpu.memory_space<vmem_shared>>
      tpu.enqueue_indirect_dma source(%arg10 : memref<64xf32, #tpu.memory_space<vmem>>) target(%dma_start3A_164 : memref<10240xf32, #tpu.memory_space<vmem_shared>>) offsets(%dma_start3A_162 : memref<64xi32, #tpu.memory_space<vmem>>) semaphore(%arg14 : memref<!tpu.dma_semaphore, #tpu.memory_space<semaphore_mem>>) {add = true}
      %dma_start3A_165 = arith.constant 6 : i32
      %dma_start3A_166 = arith.constant 0 : i32
      %dma_start3A_167 = tpu.memref_slice %arg9[%scan3A_31, %dma_start3A_165, %dma_start3A_166] : memref<20x8x64xi32, #tpu.memory_space<vmem>> -> memref<1x1x64xi32, #tpu.memory_space<vmem>>
      %dma_start3A_168 = tpu.memref_squeeze %dma_start3A_167 : memref<1x1x64xi32, #tpu.memory_space<vmem>> -> memref<64xi32, #tpu.memory_space<vmem>>
      %dma_start3A_169 = arith.constant 0 : i32
      %dma_start3A_170 = tpu.memref_slice %arg13[%dma_start3A_169] : memref<10240xf32, #tpu.memory_space<vmem_shared>> -> memref<10240xf32, #tpu.memory_space<vmem_shared>>
      tpu.enqueue_indirect_dma source(%arg10 : memref<64xf32, #tpu.memory_space<vmem>>) target(%dma_start3A_170 : memref<10240xf32, #tpu.memory_space<vmem_shared>>) offsets(%dma_start3A_168 : memref<64xi32, #tpu.memory_space<vmem>>) semaphore(%arg14 : memref<!tpu.dma_semaphore, #tpu.memory_space<semaphore_mem>>) {add = true}
      %dma_start3A_171 = arith.constant 7 : i32
      %dma_start3A_172 = arith.constant 0 : i32
      %dma_start3A_173 = tpu.memref_slice %arg8[%scan3A_31, %dma_start3A_171, %dma_start3A_172] : memref<20x8x64xi32, #tpu.memory_space<vmem>> -> memref<1x1x64xi32, #tpu.memory_space<vmem>>
      %dma_start3A_174 = tpu.memref_squeeze %dma_start3A_173 : memref<1x1x64xi32, #tpu.memory_space<vmem>> -> memref<64xi32, #tpu.memory_space<vmem>>
      %dma_start3A_175 = arith.constant 0 : i32
      %dma_start3A_176 = tpu.memref_slice %arg12[%dma_start3A_175] : memref<10240xf32, #tpu.memory_space<vmem_shared>> -> memref<10240xf32, #tpu.memory_space<vmem_shared>>
      tpu.enqueue_indirect_dma source(%arg10 : memref<64xf32, #tpu.memory_space<vmem>>) target(%dma_start3A_176 : memref<10240xf32, #tpu.memory_space<vmem_shared>>) offsets(%dma_start3A_174 : memref<64xi32, #tpu.memory_space<vmem>>) semaphore(%arg14 : memref<!tpu.dma_semaphore, #tpu.memory_space<semaphore_mem>>) {add = true}
      %dma_start3A_177 = arith.constant 7 : i32
      %dma_start3A_178 = arith.constant 0 : i32
      %dma_start3A_179 = tpu.memref_slice %arg9[%scan3A_31, %dma_start3A_177, %dma_start3A_178] : memref<20x8x64xi32, #tpu.memory_space<vmem>> -> memref<1x1x64xi32, #tpu.memory_space<vmem>>
      %dma_start3A_180 = tpu.memref_squeeze %dma_start3A_179 : memref<1x1x64xi32, #tpu.memory_space<vmem>> -> memref<64xi32, #tpu.memory_space<vmem>>
      %dma_start3A_181 = arith.constant 0 : i32
      %dma_start3A_182 = tpu.memref_slice %arg13[%dma_start3A_181] : memref<10240xf32, #tpu.memory_space<vmem_shared>> -> memref<10240xf32, #tpu.memory_space<vmem_shared>>
      tpu.enqueue_indirect_dma source(%arg10 : memref<64xf32, #tpu.memory_space<vmem>>) target(%dma_start3A_182 : memref<10240xf32, #tpu.memory_space<vmem_shared>>) offsets(%dma_start3A_180 : memref<64xi32, #tpu.memory_space<vmem>>) semaphore(%arg14 : memref<!tpu.dma_semaphore, #tpu.memory_space<semaphore_mem>>) {add = true}
      %dma_wait3A_183 = arith.constant 0 : i32
      %dma_wait3A_184 = arith.constant 0 : i32
      %dma_wait3A_185 = arith.constant 0 : i32
      %dma_wait3A_186 = tpu.memref_slice %arg8[%dma_wait3A_183, %dma_wait3A_184, %dma_wait3A_185] : memref<20x8x64xi32, #tpu.memory_space<vmem>> -> memref<1x1x64xi32, #tpu.memory_space<vmem>>
      %dma_wait3A_187 = tpu.memref_squeeze %dma_wait3A_186 : memref<1x1x64xi32, #tpu.memory_space<vmem>> -> memref<64xi32, #tpu.memory_space<vmem>>
      %dma_wait3A_188 = arith.constant 0 : i32
      %dma_wait3A_189 = tpu.memref_slice %arg12[%dma_wait3A_188] : memref<10240xf32, #tpu.memory_space<vmem_shared>> -> memref<10240xf32, #tpu.memory_space<vmem_shared>>
      tpu.wait_indirect_dma semaphore(%arg14 : memref<!tpu.dma_semaphore, #tpu.memory_space<semaphore_mem>>) src(%arg10 : memref<64xf32, #tpu.memory_space<vmem>>) dst(%dma_wait3A_189 : memref<10240xf32, #tpu.memory_space<vmem_shared>>)
      %dma_wait3A_190 = arith.constant 0 : i32
      %dma_wait3A_191 = arith.constant 0 : i32
      %dma_wait3A_192 = arith.constant 0 : i32
      %dma_wait3A_193 = tpu.memref_slice %arg8[%dma_wait3A_190, %dma_wait3A_191, %dma_wait3A_192] : memref<20x8x64xi32, #tpu.memory_space<vmem>> -> memref<1x1x64xi32, #tpu.memory_space<vmem>>
      %dma_wait3A_194 = tpu.memref_squeeze %dma_wait3A_193 : memref<1x1x64xi32, #tpu.memory_space<vmem>> -> memref<64xi32, #tpu.memory_space<vmem>>
      %dma_wait3A_195 = arith.constant 0 : i32
      %dma_wait3A_196 = tpu.memref_slice %arg12[%dma_wait3A_195] : memref<10240xf32, #tpu.memory_space<vmem_shared>> -> memref<10240xf32, #tpu.memory_space<vmem_shared>>
      tpu.wait_indirect_dma semaphore(%arg14 : memref<!tpu.dma_semaphore, #tpu.memory_space<semaphore_mem>>) src(%arg10 : memref<64xf32, #tpu.memory_space<vmem>>) dst(%dma_wait3A_196 : memref<10240xf32, #tpu.memory_space<vmem_shared>>)
      %dma_wait3A_197 = arith.constant 0 : i32
      %dma_wait3A_198 = arith.constant 0 : i32
      %dma_wait3A_199 = arith.constant 0 : i32
      %dma_wait3A_200 = tpu.memref_slice %arg8[%dma_wait3A_197, %dma_wait3A_198, %dma_wait3A_199] : memref<20x8x64xi32, #tpu.memory_space<vmem>> -> memref<1x1x64xi32, #tpu.memory_space<vmem>>
      %dma_wait3A_201 = tpu.memref_squeeze %dma_wait3A_200 : memref<1x1x64xi32, #tpu.memory_space<vmem>> -> memref<64xi32, #tpu.memory_space<vmem>>
      %dma_wait3A_202 = arith.constant 0 : i32
      %dma_wait3A_203 = tpu.memref_slice %arg12[%dma_wait3A_202] : memref<10240xf32, #tpu.memory_space<vmem_shared>> -> memref<10240xf32, #tpu.memory_space<vmem_shared>>
      tpu.wait_indirect_dma semaphore(%arg14 : memref<!tpu.dma_semaphore, #tpu.memory_space<semaphore_mem>>) src(%arg10 : memref<64xf32, #tpu.memory_space<vmem>>) dst(%dma_wait3A_203 : memref<10240xf32, #tpu.memory_space<vmem_shared>>)
      %dma_wait3A_204 = arith.constant 0 : i32
      %dma_wait3A_205 = arith.constant 0 : i32
      %dma_wait3A_206 = arith.constant 0 : i32
      %dma_wait3A_207 = tpu.memref_slice %arg8[%dma_wait3A_204, %dma_wait3A_205, %dma_wait3A_206] : memref<20x8x64xi32, #tpu.memory_space<vmem>> -> memref<1x1x64xi32, #tpu.memory_space<vmem>>
      %dma_wait3A_208 = tpu.memref_squeeze %dma_wait3A_207 : memref<1x1x64xi32, #tpu.memory_space<vmem>> -> memref<64xi32, #tpu.memory_space<vmem>>
      %dma_wait3A_209 = arith.constant 0 : i32
      %dma_wait3A_210 = tpu.memref_slice %arg12[%dma_wait3A_209] : memref<10240xf32, #tpu.memory_space<vmem_shared>> -> memref<10240xf32, #tpu.memory_space<vmem_shared>>
      tpu.wait_indirect_dma semaphore(%arg14 : memref<!tpu.dma_semaphore, #tpu.memory_space<semaphore_mem>>) src(%arg10 : memref<64xf32, #tpu.memory_space<vmem>>) dst(%dma_wait3A_210 : memref<10240xf32, #tpu.memory_space<vmem_shared>>)
      %dma_wait3A_211 = arith.constant 0 : i32
      %dma_wait3A_212 = arith.constant 0 : i32
      %dma_wait3A_213 = arith.constant 0 : i32
      %dma_wait3A_214 = tpu.memref_slice %arg8[%dma_wait3A_211, %dma_wait3A_212, %dma_wait3A_213] : memref<20x8x64xi32, #tpu.memory_space<vmem>> -> memref<1x1x64xi32, #tpu.memory_space<vmem>>
      %dma_wait3A_215 = tpu.memref_squeeze %dma_wait3A_214 : memref<1x1x64xi32, #tpu.memory_space<vmem>> -> memref<64xi32, #tpu.memory_space<vmem>>
      %dma_wait3A_216 = arith.constant 0 : i32
      %dma_wait3A_217 = tpu.memref_slice %arg12[%dma_wait3A_216] : memref<10240xf32, #tpu.memory_space<vmem_shared>> -> memref<10240xf32, #tpu.memory_space<vmem_shared>>
      tpu.wait_indirect_dma semaphore(%arg14 : memref<!tpu.dma_semaphore, #tpu.memory_space<semaphore_mem>>) src(%arg10 : memref<64xf32, #tpu.memory_space<vmem>>) dst(%dma_wait3A_217 : memref<10240xf32, #tpu.memory_space<vmem_shared>>)
      %dma_wait3A_218 = arith.constant 0 : i32
      %dma_wait3A_219 = arith.constant 0 : i32
      %dma_wait3A_220 = arith.constant 0 : i32
      %dma_wait3A_221 = tpu.memref_slice %arg8[%dma_wait3A_218, %dma_wait3A_219, %dma_wait3A_220] : memref<20x8x64xi32, #tpu.memory_space<vmem>> -> memref<1x1x64xi32, #tpu.memory_space<vmem>>
      %dma_wait3A_222 = tpu.memref_squeeze %dma_wait3A_221 : memref<1x1x64xi32, #tpu.memory_space<vmem>> -> memref<64xi32, #tpu.memory_space<vmem>>
      %dma_wait3A_223 = arith.constant 0 : i32
      %dma_wait3A_224 = tpu.memref_slice %arg12[%dma_wait3A_223] : memref<10240xf32, #tpu.memory_space<vmem_shared>> -> memref<10240xf32, #tpu.memory_space<vmem_shared>>
      tpu.wait_indirect_dma semaphore(%arg14 : memref<!tpu.dma_semaphore, #tpu.memory_space<semaphore_mem>>) src(%arg10 : memref<64xf32, #tpu.memory_space<vmem>>) dst(%dma_wait3A_224 : memref<10240xf32, #tpu.memory_space<vmem_shared>>)
      %dma_wait3A_225 = arith.constant 0 : i32
      %dma_wait3A_226 = arith.constant 0 : i32
      %dma_wait3A_227 = arith.constant 0 : i32
      %dma_wait3A_228 = tpu.memref_slice %arg8[%dma_wait3A_225, %dma_wait3A_226, %dma_wait3A_227] : memref<20x8x64xi32, #tpu.memory_space<vmem>> -> memref<1x1x64xi32, #tpu.memory_space<vmem>>
      %dma_wait3A_229 = tpu.memref_squeeze %dma_wait3A_228 : memref<1x1x64xi32, #tpu.memory_space<vmem>> -> memref<64xi32, #tpu.memory_space<vmem>>
      %dma_wait3A_230 = arith.constant 0 : i32
      %dma_wait3A_231 = tpu.memref_slice %arg12[%dma_wait3A_230] : memref<10240xf32, #tpu.memory_space<vmem_shared>> -> memref<10240xf32, #tpu.memory_space<vmem_shared>>
      tpu.wait_indirect_dma semaphore(%arg14 : memref<!tpu.dma_semaphore, #tpu.memory_space<semaphore_mem>>) src(%arg10 : memref<64xf32, #tpu.memory_space<vmem>>) dst(%dma_wait3A_231 : memref<10240xf32, #tpu.memory_space<vmem_shared>>)
      %dma_wait3A_232 = arith.constant 0 : i32
      %dma_wait3A_233 = arith.constant 0 : i32
      %dma_wait3A_234 = arith.constant 0 : i32
      %dma_wait3A_235 = tpu.memref_slice %arg8[%dma_wait3A_232, %dma_wait3A_233, %dma_wait3A_234] : memref<20x8x64xi32, #tpu.memory_space<vmem>> -> memref<1x1x64xi32, #tpu.memory_space<vmem>>
      %dma_wait3A_236 = tpu.memref_squeeze %dma_wait3A_235 : memref<1x1x64xi32, #tpu.memory_space<vmem>> -> memref<64xi32, #tpu.memory_space<vmem>>
      %dma_wait3A_237 = arith.constant 0 : i32
      %dma_wait3A_238 = tpu.memref_slice %arg12[%dma_wait3A_237] : memref<10240xf32, #tpu.memory_space<vmem_shared>> -> memref<10240xf32, #tpu.memory_space<vmem_shared>>
      tpu.wait_indirect_dma semaphore(%arg14 : memref<!tpu.dma_semaphore, #tpu.memory_space<semaphore_mem>>) src(%arg10 : memref<64xf32, #tpu.memory_space<vmem>>) dst(%dma_wait3A_238 : memref<10240xf32, #tpu.memory_space<vmem_shared>>)
      %scan3A_239 = arith.constant 0 : i32
      scf.yield %scan3A_239 : i32
    }
    %scan3A_22 = arith.constant 20 : i32
    %barrier3A_23 = arith.constant 0 : index
    tpu.barrier barrier_id(%barrier3A_23)
    %eq3A = arith.constant 0 : i32
    %eq3A_24 = arith.cmpi eq, %arg0, %eq3A : i32
    %convert_element_type3A = arith.extui %eq3A_24 : i1 to i32
    %cond3A = arith.constant 0 : i32
    %cond3A_25 = arith.cmpi ne, %convert_element_type3A, %cond3A : i32
    scf.if %cond3A_25 {
      "tpu.region"() ({
        %run_scoped3A = tpu.sem_alloc : memref<!tpu.dma_semaphore, #tpu.memory_space<semaphore_mem>>
        %dma_start3A = tpu.memref_slice %arg4[%multiple_of3A] : memref<10240xf32, #tpu.memory_space<hbm>> -> memref<640xf32, #tpu.memory_space<hbm>>
        %dma_start3A_31 = tpu.memref_slice %arg12[%multiple_of3A] : memref<10240xf32, #tpu.memory_space<vmem_shared>> -> memref<640xf32, #tpu.memory_space<vmem_shared>>
        tpu.enqueue_dma source(%dma_start3A_31 : memref<640xf32, #tpu.memory_space<vmem_shared>>) target(%dma_start3A : memref<640xf32, #tpu.memory_space<hbm>>) target_semaphore(%run_scoped3A : memref<!tpu.dma_semaphore, #tpu.memory_space<semaphore_mem>>)
        %dma_wait3A = tpu.memref_slice %arg4[%multiple_of3A] : memref<10240xf32, #tpu.memory_space<hbm>> -> memref<640xf32, #tpu.memory_space<hbm>>
        %dma_wait3A_32 = tpu.memref_slice %arg12[%multiple_of3A] : memref<10240xf32, #tpu.memory_space<vmem_shared>> -> memref<640xf32, #tpu.memory_space<vmem_shared>>
        tpu.wait_dma2 semaphore(%run_scoped3A : memref<!tpu.dma_semaphore, #tpu.memory_space<semaphore_mem>>) src(%dma_wait3A_32 : memref<640xf32, #tpu.memory_space<vmem_shared>>) dst(%dma_wait3A : memref<640xf32, #tpu.memory_space<hbm>>)
        tpu.yield
      }) : () -> ()
      "tpu.region"() ({
        %run_scoped3A = tpu.sem_alloc : memref<!tpu.dma_semaphore, #tpu.memory_space<semaphore_mem>>
        %dma_start3A = tpu.memref_slice %arg5[%multiple_of3A] : memref<10240xf32, #tpu.memory_space<hbm>> -> memref<640xf32, #tpu.memory_space<hbm>>
        %dma_start3A_31 = tpu.memref_slice %arg13[%multiple_of3A] : memref<10240xf32, #tpu.memory_space<vmem_shared>> -> memref<640xf32, #tpu.memory_space<vmem_shared>>
        tpu.enqueue_dma source(%dma_start3A_31 : memref<640xf32, #tpu.memory_space<vmem_shared>>) target(%dma_start3A : memref<640xf32, #tpu.memory_space<hbm>>) target_semaphore(%run_scoped3A : memref<!tpu.dma_semaphore, #tpu.memory_space<semaphore_mem>>)
        %dma_wait3A = tpu.memref_slice %arg5[%multiple_of3A] : memref<10240xf32, #tpu.memory_space<hbm>> -> memref<640xf32, #tpu.memory_space<hbm>>
        %dma_wait3A_32 = tpu.memref_slice %arg13[%multiple_of3A] : memref<10240xf32, #tpu.memory_space<vmem_shared>> -> memref<640xf32, #tpu.memory_space<vmem_shared>>
        tpu.wait_dma2 semaphore(%run_scoped3A : memref<!tpu.dma_semaphore, #tpu.memory_space<semaphore_mem>>) src(%dma_wait3A_32 : memref<640xf32, #tpu.memory_space<vmem_shared>>) dst(%dma_wait3A : memref<640xf32, #tpu.memory_space<hbm>>)
        tpu.yield
      }) : () -> ()
    } else {
    }
    %eq3A_26 = arith.constant 1 : i32
    %eq3A_27 = arith.cmpi eq, %arg0, %eq3A_26 : i32
    %convert_element_type3A_28 = arith.extui %eq3A_27 : i1 to i32
    %cond3A_29 = arith.constant 0 : i32
    %cond3A_30 = arith.cmpi ne, %convert_element_type3A_28, %cond3A_29 : i32
    scf.if %cond3A_30 {
      "tpu.region"() ({
        %run_scoped3A = tpu.sem_alloc : memref<!tpu.dma_semaphore, #tpu.memory_space<semaphore_mem>>
        %dma_start3A = tpu.memref_slice %arg6[%multiple_of3A] : memref<10240xf32, #tpu.memory_space<hbm>> -> memref<640xf32, #tpu.memory_space<hbm>>
        %dma_start3A_31 = tpu.memref_slice %arg12[%multiple_of3A] : memref<10240xf32, #tpu.memory_space<vmem_shared>> -> memref<640xf32, #tpu.memory_space<vmem_shared>>
        tpu.enqueue_dma source(%dma_start3A_31 : memref<640xf32, #tpu.memory_space<vmem_shared>>) target(%dma_start3A : memref<640xf32, #tpu.memory_space<hbm>>) target_semaphore(%run_scoped3A : memref<!tpu.dma_semaphore, #tpu.memory_space<semaphore_mem>>)
        %dma_wait3A = tpu.memref_slice %arg6[%multiple_of3A] : memref<10240xf32, #tpu.memory_space<hbm>> -> memref<640xf32, #tpu.memory_space<hbm>>
        %dma_wait3A_32 = tpu.memref_slice %arg12[%multiple_of3A] : memref<10240xf32, #tpu.memory_space<vmem_shared>> -> memref<640xf32, #tpu.memory_space<vmem_shared>>
        tpu.wait_dma2 semaphore(%run_scoped3A : memref<!tpu.dma_semaphore, #tpu.memory_space<semaphore_mem>>) src(%dma_wait3A_32 : memref<640xf32, #tpu.memory_space<vmem_shared>>) dst(%dma_wait3A : memref<640xf32, #tpu.memory_space<hbm>>)
        tpu.yield
      }) : () -> ()
      "tpu.region"() ({
        %run_scoped3A = tpu.sem_alloc : memref<!tpu.dma_semaphore, #tpu.memory_space<semaphore_mem>>
        %dma_start3A = tpu.memref_slice %arg7[%multiple_of3A] : memref<10240xf32, #tpu.memory_space<hbm>> -> memref<640xf32, #tpu.memory_space<hbm>>
        %dma_start3A_31 = tpu.memref_slice %arg13[%multiple_of3A] : memref<10240xf32, #tpu.memory_space<vmem_shared>> -> memref<640xf32, #tpu.memory_space<vmem_shared>>
        tpu.enqueue_dma source(%dma_start3A_31 : memref<640xf32, #tpu.memory_space<vmem_shared>>) target(%dma_start3A : memref<640xf32, #tpu.memory_space<hbm>>) target_semaphore(%run_scoped3A : memref<!tpu.dma_semaphore, #tpu.memory_space<semaphore_mem>>)
        %dma_wait3A = tpu.memref_slice %arg7[%multiple_of3A] : memref<10240xf32, #tpu.memory_space<hbm>> -> memref<640xf32, #tpu.memory_space<hbm>>
        %dma_wait3A_32 = tpu.memref_slice %arg13[%multiple_of3A] : memref<10240xf32, #tpu.memory_space<vmem_shared>> -> memref<640xf32, #tpu.memory_space<vmem_shared>>
        tpu.wait_dma2 semaphore(%run_scoped3A : memref<!tpu.dma_semaphore, #tpu.memory_space<semaphore_mem>>) src(%dma_wait3A_32 : memref<640xf32, #tpu.memory_space<vmem_shared>>) dst(%dma_wait3A : memref<640xf32, #tpu.memory_space<hbm>>)
        tpu.yield
      }) : () -> ()
    } else {
    }
    return
  }
}

#map = affine_map<(d0, d1) -> (0, 0)>
#map1 = affine_map<(d0, d1) -> (0, 0, 0, 0)>
module attributes {stable_mosaic.version = 14 : i64} {
  func.func @agg_kernel(%arg0: i32, %arg1: i32, %arg2: memref<10000x128xf32, #tpu.memory_space<hbm>>, %arg3: memref<32x20x8x64xi32, #tpu.memory_space<hbm>>, %arg4: memref<32x20x8x64xi32, #tpu.memory_space<hbm>>, %arg5: memref<10112x128xf32, #tpu.memory_space<hbm>>, %arg6: memref<10112x128xf32, #tpu.memory_space<hbm>>, %arg7: memref<2x8x64xi32, #tpu.memory_space<vmem>>, %arg8: memref<2x8x64xi32, #tpu.memory_space<vmem>>, %arg9: memref<3x64x128xf32, #tpu.memory_space<vmem>>, %arg10: memref<10112x128xf32, #tpu.memory_space<vmem_shared>>, %arg11: memref<!tpu.dma_semaphore, #tpu.memory_space<semaphore_mem>>, %arg12: memref<!tpu.dma_semaphore, #tpu.memory_space<semaphore_mem>>, %arg13: memref<!tpu.dma_semaphore, #tpu.memory_space<semaphore_mem>>, %arg14: memref<!tpu.dma_semaphore, #tpu.memory_space<semaphore_mem>>, %arg15: memref<!tpu.dma_semaphore, #tpu.memory_space<semaphore_mem>>, %arg16: memref<!tpu.dma_semaphore, #tpu.memory_space<semaphore_mem>>, %arg17: memref<!tpu.dma_semaphore, #tpu.memory_space<semaphore_mem>>) attributes {dimension_semantics = [#tpu.dimension_semantics<core_parallel>, #tpu.dimension_semantics<subcore_parallel>], iteration_bounds = array<i64: 2, 16>, scalar_prefetch = 0 : i64, scratch_operands = 11 : i64, tpu.core_type = #tpu.core_type<sc_vector_subcore>, window_params = [{transform_indices = #map}, {transform_indices = #map1}, {transform_indices = #map1}, {transform_indices = #map}, {transform_indices = #map}]} {
    %mul3A = arith.constant 2 : i32
    %mul3A_0 = arith.muli %arg1, %mul3A : i32
    %add3A = arith.addi %mul3A_0, %arg0 : i32
    %scan3A = arith.constant 0 : i32
    %scan3A_1 = arith.constant 0 : i32
    %scan3A_2 = arith.constant 64 : i32
    %scan3A_3 = arith.addi %scan3A_1, %scan3A_2 : i32
    %scan3A_4 = arith.constant 1 : i32
    %scan3A_5 = scf.for %scan3A_318 = %scan3A_1 to %scan3A_3 step %scan3A_4 iter_args(%scan3A_319 = %scan3A) -> (i32)  : i32 {
      %broadcast_in_dim3A = arith.constant 0.000000e+00 : f32
      %broadcast_in_dim3A_320 = vector.broadcast %broadcast_in_dim3A : f32 to vector<16xf32>
      %swap3A = arith.constant 0 : i32
      %swap3A_321 = arith.index_cast %swap3A : i32 to index
      %swap3A_322 = arith.index_cast %scan3A_318 : i32 to index
      %swap3A_323 = arith.constant 0 : index
      %swap3A_324 = tpu.vector_load %arg9[%swap3A_321, %swap3A_322, %swap3A_323] {strides = array<i32>} : memref<3x64x128xf32, #tpu.memory_space<vmem>>, vector<1x1x16xf32>,
      %swap3A_325 = vector.shape_cast %swap3A_324 : vector<1x1x16xf32> to vector<16xf32>
      %swap3A_326 = vector.shape_cast %broadcast_in_dim3A_320 : vector<16xf32> to vector<1x1x16xf32>
      tpu.vector_store %arg9[%swap3A_321, %swap3A_322, %swap3A_323], %swap3A_326 {strides = array<i32>} : memref<3x64x128xf32, #tpu.memory_space<vmem>>, vector<1x1x16xf32>,
      %broadcast_in_dim3A_327 = arith.constant 0.000000e+00 : f32
      %broadcast_in_dim3A_328 = vector.broadcast %broadcast_in_dim3A_327 : f32 to vector<16xf32>
      %swap3A_329 = arith.constant 0 : i32
      %swap3A_330 = arith.index_cast %swap3A_329 : i32 to index
      %swap3A_331 = arith.index_cast %scan3A_318 : i32 to index
      %swap3A_332 = arith.constant 16 : index
      %swap3A_333 = tpu.vector_load %arg9[%swap3A_330, %swap3A_331, %swap3A_332] {strides = array<i32>} : memref<3x64x128xf32, #tpu.memory_space<vmem>>, vector<1x1x16xf32>,
      %swap3A_334 = vector.shape_cast %swap3A_333 : vector<1x1x16xf32> to vector<16xf32>
      %swap3A_335 = vector.shape_cast %broadcast_in_dim3A_328 : vector<16xf32> to vector<1x1x16xf32>
      tpu.vector_store %arg9[%swap3A_330, %swap3A_331, %swap3A_332], %swap3A_335 {strides = array<i32>} : memref<3x64x128xf32, #tpu.memory_space<vmem>>, vector<1x1x16xf32>,
      %broadcast_in_dim3A_336 = arith.constant 0.000000e+00 : f32
      %broadcast_in_dim3A_337 = vector.broadcast %broadcast_in_dim3A_336 : f32 to vector<16xf32>
      %swap3A_338 = arith.constant 0 : i32
      %swap3A_339 = arith.index_cast %swap3A_338 : i32 to index
      %swap3A_340 = arith.index_cast %scan3A_318 : i32 to index
      %swap3A_341 = arith.constant 32 : index
      %swap3A_342 = tpu.vector_load %arg9[%swap3A_339, %swap3A_340, %swap3A_341] {strides = array<i32>} : memref<3x64x128xf32, #tpu.memory_space<vmem>>, vector<1x1x16xf32>,
      %swap3A_343 = vector.shape_cast %swap3A_342 : vector<1x1x16xf32> to vector<16xf32>
      %swap3A_344 = vector.shape_cast %broadcast_in_dim3A_337 : vector<16xf32> to vector<1x1x16xf32>
      tpu.vector_store %arg9[%swap3A_339, %swap3A_340, %swap3A_341], %swap3A_344 {strides = array<i32>} : memref<3x64x128xf32, #tpu.memory_space<vmem>>, vector<1x1x16xf32>,
      %broadcast_in_dim3A_345 = arith.constant 0.000000e+00 : f32
      %broadcast_in_dim3A_346 = vector.broadcast %broadcast_in_dim3A_345 : f32 to vector<16xf32>
      %swap3A_347 = arith.constant 0 : i32
      %swap3A_348 = arith.index_cast %swap3A_347 : i32 to index
      %swap3A_349 = arith.index_cast %scan3A_318 : i32 to index
      %swap3A_350 = arith.constant 48 : index
      %swap3A_351 = tpu.vector_load %arg9[%swap3A_348, %swap3A_349, %swap3A_350] {strides = array<i32>} : memref<3x64x128xf32, #tpu.memory_space<vmem>>, vector<1x1x16xf32>,
      %swap3A_352 = vector.shape_cast %swap3A_351 : vector<1x1x16xf32> to vector<16xf32>
      %swap3A_353 = vector.shape_cast %broadcast_in_dim3A_346 : vector<16xf32> to vector<1x1x16xf32>
      tpu.vector_store %arg9[%swap3A_348, %swap3A_349, %swap3A_350], %swap3A_353 {strides = array<i32>} : memref<3x64x128xf32, #tpu.memory_space<vmem>>, vector<1x1x16xf32>,
      %broadcast_in_dim3A_354 = arith.constant 0.000000e+00 : f32
      %broadcast_in_dim3A_355 = vector.broadcast %broadcast_in_dim3A_354 : f32 to vector<16xf32>
      %swap3A_356 = arith.constant 0 : i32
      %swap3A_357 = arith.index_cast %swap3A_356 : i32 to index
      %swap3A_358 = arith.index_cast %scan3A_318 : i32 to index
      %swap3A_359 = arith.constant 64 : index
      %swap3A_360 = tpu.vector_load %arg9[%swap3A_357, %swap3A_358, %swap3A_359] {strides = array<i32>} : memref<3x64x128xf32, #tpu.memory_space<vmem>>, vector<1x1x16xf32>,
      %swap3A_361 = vector.shape_cast %swap3A_360 : vector<1x1x16xf32> to vector<16xf32>
      %swap3A_362 = vector.shape_cast %broadcast_in_dim3A_355 : vector<16xf32> to vector<1x1x16xf32>
      tpu.vector_store %arg9[%swap3A_357, %swap3A_358, %swap3A_359], %swap3A_362 {strides = array<i32>} : memref<3x64x128xf32, #tpu.memory_space<vmem>>, vector<1x1x16xf32>,
      %broadcast_in_dim3A_363 = arith.constant 0.000000e+00 : f32
      %broadcast_in_dim3A_364 = vector.broadcast %broadcast_in_dim3A_363 : f32 to vector<16xf32>
      %swap3A_365 = arith.constant 0 : i32
      %swap3A_366 = arith.index_cast %swap3A_365 : i32 to index
      %swap3A_367 = arith.index_cast %scan3A_318 : i32 to index
      %swap3A_368 = arith.constant 80 : index
      %swap3A_369 = tpu.vector_load %arg9[%swap3A_366, %swap3A_367, %swap3A_368] {strides = array<i32>} : memref<3x64x128xf32, #tpu.memory_space<vmem>>, vector<1x1x16xf32>,
      %swap3A_370 = vector.shape_cast %swap3A_369 : vector<1x1x16xf32> to vector<16xf32>
      %swap3A_371 = vector.shape_cast %broadcast_in_dim3A_364 : vector<16xf32> to vector<1x1x16xf32>
      tpu.vector_store %arg9[%swap3A_366, %swap3A_367, %swap3A_368], %swap3A_371 {strides = array<i32>} : memref<3x64x128xf32, #tpu.memory_space<vmem>>, vector<1x1x16xf32>,
      %broadcast_in_dim3A_372 = arith.constant 0.000000e+00 : f32
      %broadcast_in_dim3A_373 = vector.broadcast %broadcast_in_dim3A_372 : f32 to vector<16xf32>
      %swap3A_374 = arith.constant 0 : i32
      %swap3A_375 = arith.index_cast %swap3A_374 : i32 to index
      %swap3A_376 = arith.index_cast %scan3A_318 : i32 to index
      %swap3A_377 = arith.constant 96 : index
      %swap3A_378 = tpu.vector_load %arg9[%swap3A_375, %swap3A_376, %swap3A_377] {strides = array<i32>} : memref<3x64x128xf32, #tpu.memory_space<vmem>>, vector<1x1x16xf32>,
      %swap3A_379 = vector.shape_cast %swap3A_378 : vector<1x1x16xf32> to vector<16xf32>
      %swap3A_380 = vector.shape_cast %broadcast_in_dim3A_373 : vector<16xf32> to vector<1x1x16xf32>
      tpu.vector_store %arg9[%swap3A_375, %swap3A_376, %swap3A_377], %swap3A_380 {strides = array<i32>} : memref<3x64x128xf32, #tpu.memory_space<vmem>>, vector<1x1x16xf32>,
      %broadcast_in_dim3A_381 = arith.constant 0.000000e+00 : f32
      %broadcast_in_dim3A_382 = vector.broadcast %broadcast_in_dim3A_381 : f32 to vector<16xf32>
      %swap3A_383 = arith.constant 0 : i32
      %swap3A_384 = arith.index_cast %swap3A_383 : i32 to index
      %swap3A_385 = arith.index_cast %scan3A_318 : i32 to index
      %swap3A_386 = arith.constant 112 : index
      %swap3A_387 = tpu.vector_load %arg9[%swap3A_384, %swap3A_385, %swap3A_386] {strides = array<i32>} : memref<3x64x128xf32, #tpu.memory_space<vmem>>, vector<1x1x16xf32>,
      %swap3A_388 = vector.shape_cast %swap3A_387 : vector<1x1x16xf32> to vector<16xf32>
      %swap3A_389 = vector.shape_cast %broadcast_in_dim3A_382 : vector<16xf32> to vector<1x1x16xf32>
      tpu.vector_store %arg9[%swap3A_384, %swap3A_385, %swap3A_386], %swap3A_389 {strides = array<i32>} : memref<3x64x128xf32, #tpu.memory_space<vmem>>, vector<1x1x16xf32>,
      %scan3A_390 = arith.constant 0 : i32
      scf.yield %scan3A_390 : i32
    }
    %scan3A_6 = arith.constant 64 : i32
    %mul3A_7 = arith.constant 632 : i32
    %mul3A_8 = arith.muli %arg1, %mul3A_7 : i32
    %add3A_9 = arith.constant 0 : i32
    %add3A_10 = arith.addi %mul3A_8, %add3A_9 : i32
    %dma_start3A = arith.constant 0 : i32
    %dma_start3A_11 = arith.constant 0 : i32
    %dma_start3A_12 = arith.constant 0 : i32
    %dma_start3A_13 = tpu.memref_slice %arg9[%dma_start3A, %dma_start3A_11, %dma_start3A_12] : memref<3x64x128xf32, #tpu.memory_space<vmem>> -> memref<1x64x128xf32, #tpu.memory_space<vmem>>
    %dma_start3A_14 = tpu.memref_squeeze %dma_start3A_13 : memref<1x64x128xf32, #tpu.memory_space<vmem>> -> memref<64x128xf32, #tpu.memory_space<vmem>>
    %dma_start3A_15 = arith.constant 0 : i32
    %dma_start3A_16 = tpu.memref_slice %arg10[%add3A_10, %dma_start3A_15] : memref<10112x128xf32, #tpu.memory_space<vmem_shared>> -> memref<64x128xf32, #tpu.memory_space<vmem_shared>>
    %dma_start3A_17 = arith.constant 0 : i32
    %dma_start3A_18 = tpu.memref_slice %arg10[%add3A_10, %dma_start3A_17] : memref<10112x128xf32, #tpu.memory_space<vmem_shared>> -> memref<64x128xf32, #tpu.memory_space<vmem_shared>>
    %dma_start3A_19 = arith.constant 0 : i32
    %dma_start3A_20 = arith.constant 0 : i32
    %dma_start3A_21 = tpu.memref_slice %arg9[%dma_start3A, %dma_start3A_19, %dma_start3A_20] : memref<3x64x128xf32, #tpu.memory_space<vmem>> -> memref<1x64x128xf32, #tpu.memory_space<vmem>>
    %dma_start3A_22 = tpu.memref_squeeze %dma_start3A_21 : memref<1x64x128xf32, #tpu.memory_space<vmem>> -> memref<64x128xf32, #tpu.memory_space<vmem>>
    tpu.enqueue_dma source(%dma_start3A_22 : memref<64x128xf32, #tpu.memory_space<vmem>>) target(%dma_start3A_18 : memref<64x128xf32, #tpu.memory_space<vmem_shared>>) target_semaphore(%arg11 : memref<!tpu.dma_semaphore, #tpu.memory_space<semaphore_mem>>)
    %add3A_23 = arith.constant 64 : i32
    %add3A_24 = arith.addi %mul3A_8, %add3A_23 : i32
    %dma_start3A_25 = arith.constant 0 : i32
    %dma_start3A_26 = arith.constant 0 : i32
    %dma_start3A_27 = arith.constant 0 : i32
    %dma_start3A_28 = tpu.memref_slice %arg9[%dma_start3A_25, %dma_start3A_26, %dma_start3A_27] : memref<3x64x128xf32, #tpu.memory_space<vmem>> -> memref<1x64x128xf32, #tpu.memory_space<vmem>>
    %dma_start3A_29 = tpu.memref_squeeze %dma_start3A_28 : memref<1x64x128xf32, #tpu.memory_space<vmem>> -> memref<64x128xf32, #tpu.memory_space<vmem>>
    %dma_start3A_30 = arith.constant 0 : i32
    %dma_start3A_31 = tpu.memref_slice %arg10[%add3A_24, %dma_start3A_30] : memref<10112x128xf32, #tpu.memory_space<vmem_shared>> -> memref<64x128xf32, #tpu.memory_space<vmem_shared>>
    %dma_start3A_32 = arith.constant 0 : i32
    %dma_start3A_33 = tpu.memref_slice %arg10[%add3A_24, %dma_start3A_32] : memref<10112x128xf32, #tpu.memory_space<vmem_shared>> -> memref<64x128xf32, #tpu.memory_space<vmem_shared>>
    %dma_start3A_34 = arith.constant 0 : i32
    %dma_start3A_35 = arith.constant 0 : i32
    %dma_start3A_36 = tpu.memref_slice %arg9[%dma_start3A_25, %dma_start3A_34, %dma_start3A_35] : memref<3x64x128xf32, #tpu.memory_space<vmem>> -> memref<1x64x128xf32, #tpu.memory_space<vmem>>
    %dma_start3A_37 = tpu.memref_squeeze %dma_start3A_36 : memref<1x64x128xf32, #tpu.memory_space<vmem>> -> memref<64x128xf32, #tpu.memory_space<vmem>>
    tpu.enqueue_dma source(%dma_start3A_37 : memref<64x128xf32, #tpu.memory_space<vmem>>) target(%dma_start3A_33 : memref<64x128xf32, #tpu.memory_space<vmem_shared>>) target_semaphore(%arg11 : memref<!tpu.dma_semaphore, #tpu.memory_space<semaphore_mem>>)
    %add3A_38 = arith.constant 128 : i32
    %add3A_39 = arith.addi %mul3A_8, %add3A_38 : i32
    %dma_start3A_40 = arith.constant 0 : i32
    %dma_start3A_41 = arith.constant 0 : i32
    %dma_start3A_42 = arith.constant 0 : i32
    %dma_start3A_43 = tpu.memref_slice %arg9[%dma_start3A_40, %dma_start3A_41, %dma_start3A_42] : memref<3x64x128xf32, #tpu.memory_space<vmem>> -> memref<1x64x128xf32, #tpu.memory_space<vmem>>
    %dma_start3A_44 = tpu.memref_squeeze %dma_start3A_43 : memref<1x64x128xf32, #tpu.memory_space<vmem>> -> memref<64x128xf32, #tpu.memory_space<vmem>>
    %dma_start3A_45 = arith.constant 0 : i32
    %dma_start3A_46 = tpu.memref_slice %arg10[%add3A_39, %dma_start3A_45] : memref<10112x128xf32, #tpu.memory_space<vmem_shared>> -> memref<64x128xf32, #tpu.memory_space<vmem_shared>>
    %dma_start3A_47 = arith.constant 0 : i32
    %dma_start3A_48 = tpu.memref_slice %arg10[%add3A_39, %dma_start3A_47] : memref<10112x128xf32, #tpu.memory_space<vmem_shared>> -> memref<64x128xf32, #tpu.memory_space<vmem_shared>>
    %dma_start3A_49 = arith.constant 0 : i32
    %dma_start3A_50 = arith.constant 0 : i32
    %dma_start3A_51 = tpu.memref_slice %arg9[%dma_start3A_40, %dma_start3A_49, %dma_start3A_50] : memref<3x64x128xf32, #tpu.memory_space<vmem>> -> memref<1x64x128xf32, #tpu.memory_space<vmem>>
    %dma_start3A_52 = tpu.memref_squeeze %dma_start3A_51 : memref<1x64x128xf32, #tpu.memory_space<vmem>> -> memref<64x128xf32, #tpu.memory_space<vmem>>
    tpu.enqueue_dma source(%dma_start3A_52 : memref<64x128xf32, #tpu.memory_space<vmem>>) target(%dma_start3A_48 : memref<64x128xf32, #tpu.memory_space<vmem_shared>>) target_semaphore(%arg11 : memref<!tpu.dma_semaphore, #tpu.memory_space<semaphore_mem>>)
    %add3A_53 = arith.constant 192 : i32
    %add3A_54 = arith.addi %mul3A_8, %add3A_53 : i32
    %dma_start3A_55 = arith.constant 0 : i32
    %dma_start3A_56 = arith.constant 0 : i32
    %dma_start3A_57 = arith.constant 0 : i32
    %dma_start3A_58 = tpu.memref_slice %arg9[%dma_start3A_55, %dma_start3A_56, %dma_start3A_57] : memref<3x64x128xf32, #tpu.memory_space<vmem>> -> memref<1x64x128xf32, #tpu.memory_space<vmem>>
    %dma_start3A_59 = tpu.memref_squeeze %dma_start3A_58 : memref<1x64x128xf32, #tpu.memory_space<vmem>> -> memref<64x128xf32, #tpu.memory_space<vmem>>
    %dma_start3A_60 = arith.constant 0 : i32
    %dma_start3A_61 = tpu.memref_slice %arg10[%add3A_54, %dma_start3A_60] : memref<10112x128xf32, #tpu.memory_space<vmem_shared>> -> memref<64x128xf32, #tpu.memory_space<vmem_shared>>
    %dma_start3A_62 = arith.constant 0 : i32
    %dma_start3A_63 = tpu.memref_slice %arg10[%add3A_54, %dma_start3A_62] : memref<10112x128xf32, #tpu.memory_space<vmem_shared>> -> memref<64x128xf32, #tpu.memory_space<vmem_shared>>
    %dma_start3A_64 = arith.constant 0 : i32
    %dma_start3A_65 = arith.constant 0 : i32
    %dma_start3A_66 = tpu.memref_slice %arg9[%dma_start3A_55, %dma_start3A_64, %dma_start3A_65] : memref<3x64x128xf32, #tpu.memory_space<vmem>> -> memref<1x64x128xf32, #tpu.memory_space<vmem>>
    %dma_start3A_67 = tpu.memref_squeeze %dma_start3A_66 : memref<1x64x128xf32, #tpu.memory_space<vmem>> -> memref<64x128xf32, #tpu.memory_space<vmem>>
    tpu.enqueue_dma source(%dma_start3A_67 : memref<64x128xf32, #tpu.memory_space<vmem>>) target(%dma_start3A_63 : memref<64x128xf32, #tpu.memory_space<vmem_shared>>) target_semaphore(%arg11 : memref<!tpu.dma_semaphore, #tpu.memory_space<semaphore_mem>>)
    %add3A_68 = arith.constant 256 : i32
    %add3A_69 = arith.addi %mul3A_8, %add3A_68 : i32
    %dma_start3A_70 = arith.constant 0 : i32
    %dma_start3A_71 = arith.constant 0 : i32
    %dma_start3A_72 = arith.constant 0 : i32
    %dma_start3A_73 = tpu.memref_slice %arg9[%dma_start3A_70, %dma_start3A_71, %dma_start3A_72] : memref<3x64x128xf32, #tpu.memory_space<vmem>> -> memref<1x64x128xf32, #tpu.memory_space<vmem>>
    %dma_start3A_74 = tpu.memref_squeeze %dma_start3A_73 : memref<1x64x128xf32, #tpu.memory_space<vmem>> -> memref<64x128xf32, #tpu.memory_space<vmem>>
    %dma_start3A_75 = arith.constant 0 : i32
    %dma_start3A_76 = tpu.memref_slice %arg10[%add3A_69, %dma_start3A_75] : memref<10112x128xf32, #tpu.memory_space<vmem_shared>> -> memref<64x128xf32, #tpu.memory_space<vmem_shared>>
    %dma_start3A_77 = arith.constant 0 : i32
    %dma_start3A_78 = tpu.memref_slice %arg10[%add3A_69, %dma_start3A_77] : memref<10112x128xf32, #tpu.memory_space<vmem_shared>> -> memref<64x128xf32, #tpu.memory_space<vmem_shared>>
    %dma_start3A_79 = arith.constant 0 : i32
    %dma_start3A_80 = arith.constant 0 : i32
    %dma_start3A_81 = tpu.memref_slice %arg9[%dma_start3A_70, %dma_start3A_79, %dma_start3A_80] : memref<3x64x128xf32, #tpu.memory_space<vmem>> -> memref<1x64x128xf32, #tpu.memory_space<vmem>>
    %dma_start3A_82 = tpu.memref_squeeze %dma_start3A_81 : memref<1x64x128xf32, #tpu.memory_space<vmem>> -> memref<64x128xf32, #tpu.memory_space<vmem>>
    tpu.enqueue_dma source(%dma_start3A_82 : memref<64x128xf32, #tpu.memory_space<vmem>>) target(%dma_start3A_78 : memref<64x128xf32, #tpu.memory_space<vmem_shared>>) target_semaphore(%arg11 : memref<!tpu.dma_semaphore, #tpu.memory_space<semaphore_mem>>)
    %add3A_83 = arith.constant 320 : i32
    %add3A_84 = arith.addi %mul3A_8, %add3A_83 : i32
    %dma_start3A_85 = arith.constant 0 : i32
    %dma_start3A_86 = arith.constant 0 : i32
    %dma_start3A_87 = arith.constant 0 : i32
    %dma_start3A_88 = tpu.memref_slice %arg9[%dma_start3A_85, %dma_start3A_86, %dma_start3A_87] : memref<3x64x128xf32, #tpu.memory_space<vmem>> -> memref<1x64x128xf32, #tpu.memory_space<vmem>>
    %dma_start3A_89 = tpu.memref_squeeze %dma_start3A_88 : memref<1x64x128xf32, #tpu.memory_space<vmem>> -> memref<64x128xf32, #tpu.memory_space<vmem>>
    %dma_start3A_90 = arith.constant 0 : i32
    %dma_start3A_91 = tpu.memref_slice %arg10[%add3A_84, %dma_start3A_90] : memref<10112x128xf32, #tpu.memory_space<vmem_shared>> -> memref<64x128xf32, #tpu.memory_space<vmem_shared>>
    %dma_start3A_92 = arith.constant 0 : i32
    %dma_start3A_93 = tpu.memref_slice %arg10[%add3A_84, %dma_start3A_92] : memref<10112x128xf32, #tpu.memory_space<vmem_shared>> -> memref<64x128xf32, #tpu.memory_space<vmem_shared>>
    %dma_start3A_94 = arith.constant 0 : i32
    %dma_start3A_95 = arith.constant 0 : i32
    %dma_start3A_96 = tpu.memref_slice %arg9[%dma_start3A_85, %dma_start3A_94, %dma_start3A_95] : memref<3x64x128xf32, #tpu.memory_space<vmem>> -> memref<1x64x128xf32, #tpu.memory_space<vmem>>
    %dma_start3A_97 = tpu.memref_squeeze %dma_start3A_96 : memref<1x64x128xf32, #tpu.memory_space<vmem>> -> memref<64x128xf32, #tpu.memory_space<vmem>>
    tpu.enqueue_dma source(%dma_start3A_97 : memref<64x128xf32, #tpu.memory_space<vmem>>) target(%dma_start3A_93 : memref<64x128xf32, #tpu.memory_space<vmem_shared>>) target_semaphore(%arg11 : memref<!tpu.dma_semaphore, #tpu.memory_space<semaphore_mem>>)
    %add3A_98 = arith.constant 384 : i32
    %add3A_99 = arith.addi %mul3A_8, %add3A_98 : i32
    %dma_start3A_100 = arith.constant 0 : i32
    %dma_start3A_101 = arith.constant 0 : i32
    %dma_start3A_102 = arith.constant 0 : i32
    %dma_start3A_103 = tpu.memref_slice %arg9[%dma_start3A_100, %dma_start3A_101, %dma_start3A_102] : memref<3x64x128xf32, #tpu.memory_space<vmem>> -> memref<1x64x128xf32, #tpu.memory_space<vmem>>
    %dma_start3A_104 = tpu.memref_squeeze %dma_start3A_103 : memref<1x64x128xf32, #tpu.memory_space<vmem>> -> memref<64x128xf32, #tpu.memory_space<vmem>>
    %dma_start3A_105 = arith.constant 0 : i32
    %dma_start3A_106 = tpu.memref_slice %arg10[%add3A_99, %dma_start3A_105] : memref<10112x128xf32, #tpu.memory_space<vmem_shared>> -> memref<64x128xf32, #tpu.memory_space<vmem_shared>>
    %dma_start3A_107 = arith.constant 0 : i32
    %dma_start3A_108 = tpu.memref_slice %arg10[%add3A_99, %dma_start3A_107] : memref<10112x128xf32, #tpu.memory_space<vmem_shared>> -> memref<64x128xf32, #tpu.memory_space<vmem_shared>>
    %dma_start3A_109 = arith.constant 0 : i32
    %dma_start3A_110 = arith.constant 0 : i32
    %dma_start3A_111 = tpu.memref_slice %arg9[%dma_start3A_100, %dma_start3A_109, %dma_start3A_110] : memref<3x64x128xf32, #tpu.memory_space<vmem>> -> memref<1x64x128xf32, #tpu.memory_space<vmem>>
    %dma_start3A_112 = tpu.memref_squeeze %dma_start3A_111 : memref<1x64x128xf32, #tpu.memory_space<vmem>> -> memref<64x128xf32, #tpu.memory_space<vmem>>
    tpu.enqueue_dma source(%dma_start3A_112 : memref<64x128xf32, #tpu.memory_space<vmem>>) target(%dma_start3A_108 : memref<64x128xf32, #tpu.memory_space<vmem_shared>>) target_semaphore(%arg11 : memref<!tpu.dma_semaphore, #tpu.memory_space<semaphore_mem>>)
    %add3A_113 = arith.constant 448 : i32
    %add3A_114 = arith.addi %mul3A_8, %add3A_113 : i32
    %dma_start3A_115 = arith.constant 0 : i32
    %dma_start3A_116 = arith.constant 0 : i32
    %dma_start3A_117 = arith.constant 0 : i32
    %dma_start3A_118 = tpu.memref_slice %arg9[%dma_start3A_115, %dma_start3A_116, %dma_start3A_117] : memref<3x64x128xf32, #tpu.memory_space<vmem>> -> memref<1x64x128xf32, #tpu.memory_space<vmem>>
    %dma_start3A_119 = tpu.memref_squeeze %dma_start3A_118 : memref<1x64x128xf32, #tpu.memory_space<vmem>> -> memref<64x128xf32, #tpu.memory_space<vmem>>
    %dma_start3A_120 = arith.constant 0 : i32
    %dma_start3A_121 = tpu.memref_slice %arg10[%add3A_114, %dma_start3A_120] : memref<10112x128xf32, #tpu.memory_space<vmem_shared>> -> memref<64x128xf32, #tpu.memory_space<vmem_shared>>
    %dma_start3A_122 = arith.constant 0 : i32
    %dma_start3A_123 = tpu.memref_slice %arg10[%add3A_114, %dma_start3A_122] : memref<10112x128xf32, #tpu.memory_space<vmem_shared>> -> memref<64x128xf32, #tpu.memory_space<vmem_shared>>
    %dma_start3A_124 = arith.constant 0 : i32
    %dma_start3A_125 = arith.constant 0 : i32
    %dma_start3A_126 = tpu.memref_slice %arg9[%dma_start3A_115, %dma_start3A_124, %dma_start3A_125] : memref<3x64x128xf32, #tpu.memory_space<vmem>> -> memref<1x64x128xf32, #tpu.memory_space<vmem>>
    %dma_start3A_127 = tpu.memref_squeeze %dma_start3A_126 : memref<1x64x128xf32, #tpu.memory_space<vmem>> -> memref<64x128xf32, #tpu.memory_space<vmem>>
    tpu.enqueue_dma source(%dma_start3A_127 : memref<64x128xf32, #tpu.memory_space<vmem>>) target(%dma_start3A_123 : memref<64x128xf32, #tpu.memory_space<vmem_shared>>) target_semaphore(%arg11 : memref<!tpu.dma_semaphore, #tpu.memory_space<semaphore_mem>>)
    %add3A_128 = arith.constant 512 : i32
    %add3A_129 = arith.addi %mul3A_8, %add3A_128 : i32
    %dma_start3A_130 = arith.constant 0 : i32
    %dma_start3A_131 = arith.constant 0 : i32
    %dma_start3A_132 = arith.constant 0 : i32
    %dma_start3A_133 = tpu.memref_slice %arg9[%dma_start3A_130, %dma_start3A_131, %dma_start3A_132] : memref<3x64x128xf32, #tpu.memory_space<vmem>> -> memref<1x64x128xf32, #tpu.memory_space<vmem>>
    %dma_start3A_134 = tpu.memref_squeeze %dma_start3A_133 : memref<1x64x128xf32, #tpu.memory_space<vmem>> -> memref<64x128xf32, #tpu.memory_space<vmem>>
    %dma_start3A_135 = arith.constant 0 : i32
    %dma_start3A_136 = tpu.memref_slice %arg10[%add3A_129, %dma_start3A_135] : memref<10112x128xf32, #tpu.memory_space<vmem_shared>> -> memref<64x128xf32, #tpu.memory_space<vmem_shared>>
    %dma_start3A_137 = arith.constant 0 : i32
    %dma_start3A_138 = tpu.memref_slice %arg10[%add3A_129, %dma_start3A_137] : memref<10112x128xf32, #tpu.memory_space<vmem_shared>> -> memref<64x128xf32, #tpu.memory_space<vmem_shared>>
    %dma_start3A_139 = arith.constant 0 : i32
    %dma_start3A_140 = arith.constant 0 : i32
    %dma_start3A_141 = tpu.memref_slice %arg9[%dma_start3A_130, %dma_start3A_139, %dma_start3A_140] : memref<3x64x128xf32, #tpu.memory_space<vmem>> -> memref<1x64x128xf32, #tpu.memory_space<vmem>>
    %dma_start3A_142 = tpu.memref_squeeze %dma_start3A_141 : memref<1x64x128xf32, #tpu.memory_space<vmem>> -> memref<64x128xf32, #tpu.memory_space<vmem>>
    tpu.enqueue_dma source(%dma_start3A_142 : memref<64x128xf32, #tpu.memory_space<vmem>>) target(%dma_start3A_138 : memref<64x128xf32, #tpu.memory_space<vmem_shared>>) target_semaphore(%arg11 : memref<!tpu.dma_semaphore, #tpu.memory_space<semaphore_mem>>)
    %add3A_143 = arith.constant 568 : i32
    %add3A_144 = arith.addi %mul3A_8, %add3A_143 : i32
    %dma_start3A_145 = arith.constant 0 : i32
    %dma_start3A_146 = arith.constant 0 : i32
    %dma_start3A_147 = arith.constant 0 : i32
    %dma_start3A_148 = tpu.memref_slice %arg9[%dma_start3A_145, %dma_start3A_146, %dma_start3A_147] : memref<3x64x128xf32, #tpu.memory_space<vmem>> -> memref<1x64x128xf32, #tpu.memory_space<vmem>>
    %dma_start3A_149 = tpu.memref_squeeze %dma_start3A_148 : memref<1x64x128xf32, #tpu.memory_space<vmem>> -> memref<64x128xf32, #tpu.memory_space<vmem>>
    %dma_start3A_150 = arith.constant 0 : i32
    %dma_start3A_151 = tpu.memref_slice %arg10[%add3A_144, %dma_start3A_150] : memref<10112x128xf32, #tpu.memory_space<vmem_shared>> -> memref<64x128xf32, #tpu.memory_space<vmem_shared>>
    %dma_start3A_152 = arith.constant 0 : i32
    %dma_start3A_153 = tpu.memref_slice %arg10[%add3A_144, %dma_start3A_152] : memref<10112x128xf32, #tpu.memory_space<vmem_shared>> -> memref<64x128xf32, #tpu.memory_space<vmem_shared>>
    %dma_start3A_154 = arith.constant 0 : i32
    %dma_start3A_155 = arith.constant 0 : i32
    %dma_start3A_156 = tpu.memref_slice %arg9[%dma_start3A_145, %dma_start3A_154, %dma_start3A_155] : memref<3x64x128xf32, #tpu.memory_space<vmem>> -> memref<1x64x128xf32, #tpu.memory_space<vmem>>
    %dma_start3A_157 = tpu.memref_squeeze %dma_start3A_156 : memref<1x64x128xf32, #tpu.memory_space<vmem>> -> memref<64x128xf32, #tpu.memory_space<vmem>>
    tpu.enqueue_dma source(%dma_start3A_157 : memref<64x128xf32, #tpu.memory_space<vmem>>) target(%dma_start3A_153 : memref<64x128xf32, #tpu.memory_space<vmem_shared>>) target_semaphore(%arg11 : memref<!tpu.dma_semaphore, #tpu.memory_space<semaphore_mem>>)
    %dma_wait3A = arith.constant 0 : i32
    %dma_wait3A_158 = arith.constant 0 : i32
    %dma_wait3A_159 = arith.constant 0 : i32
    %dma_wait3A_160 = tpu.memref_slice %arg9[%dma_wait3A, %dma_wait3A_158, %dma_wait3A_159] : memref<3x64x128xf32, #tpu.memory_space<vmem>> -> memref<1x64x128xf32, #tpu.memory_space<vmem>>
    %dma_wait3A_161 = tpu.memref_squeeze %dma_wait3A_160 : memref<1x64x128xf32, #tpu.memory_space<vmem>> -> memref<64x128xf32, #tpu.memory_space<vmem>>
    %dma_wait3A_162 = arith.constant 0 : i32
    %dma_wait3A_163 = tpu.memref_slice %arg10[%mul3A_8, %dma_wait3A_162] : memref<10112x128xf32, #tpu.memory_space<vmem_shared>> -> memref<64x128xf32, #tpu.memory_space<vmem_shared>>
    %dma_wait3A_164 = arith.constant 0 : i32
    %dma_wait3A_165 = tpu.memref_slice %arg10[%mul3A_8, %dma_wait3A_164] : memref<10112x128xf32, #tpu.memory_space<vmem_shared>> -> memref<64x128xf32, #tpu.memory_space<vmem_shared>>
    %dma_wait3A_166 = arith.constant 0 : i32
    %dma_wait3A_167 = arith.constant 0 : i32
    %dma_wait3A_168 = tpu.memref_slice %arg9[%dma_wait3A, %dma_wait3A_166, %dma_wait3A_167] : memref<3x64x128xf32, #tpu.memory_space<vmem>> -> memref<1x64x128xf32, #tpu.memory_space<vmem>>
    %dma_wait3A_169 = tpu.memref_squeeze %dma_wait3A_168 : memref<1x64x128xf32, #tpu.memory_space<vmem>> -> memref<64x128xf32, #tpu.memory_space<vmem>>
    tpu.wait_dma2 semaphore(%arg11 : memref<!tpu.dma_semaphore, #tpu.memory_space<semaphore_mem>>) src(%dma_wait3A_169 : memref<64x128xf32, #tpu.memory_space<vmem>>) dst(%dma_wait3A_165 : memref<64x128xf32, #tpu.memory_space<vmem_shared>>)
    %dma_wait3A_170 = arith.constant 0 : i32
    %dma_wait3A_171 = arith.constant 0 : i32
    %dma_wait3A_172 = arith.constant 0 : i32
    %dma_wait3A_173 = tpu.memref_slice %arg9[%dma_wait3A_170, %dma_wait3A_171, %dma_wait3A_172] : memref<3x64x128xf32, #tpu.memory_space<vmem>> -> memref<1x64x128xf32, #tpu.memory_space<vmem>>
    %dma_wait3A_174 = tpu.memref_squeeze %dma_wait3A_173 : memref<1x64x128xf32, #tpu.memory_space<vmem>> -> memref<64x128xf32, #tpu.memory_space<vmem>>
    %dma_wait3A_175 = arith.constant 0 : i32
    %dma_wait3A_176 = tpu.memref_slice %arg10[%mul3A_8, %dma_wait3A_175] : memref<10112x128xf32, #tpu.memory_space<vmem_shared>> -> memref<64x128xf32, #tpu.memory_space<vmem_shared>>
    %dma_wait3A_177 = arith.constant 0 : i32
    %dma_wait3A_178 = tpu.memref_slice %arg10[%mul3A_8, %dma_wait3A_177] : memref<10112x128xf32, #tpu.memory_space<vmem_shared>> -> memref<64x128xf32, #tpu.memory_space<vmem_shared>>
    %dma_wait3A_179 = arith.constant 0 : i32
    %dma_wait3A_180 = arith.constant 0 : i32
    %dma_wait3A_181 = tpu.memref_slice %arg9[%dma_wait3A_170, %dma_wait3A_179, %dma_wait3A_180] : memref<3x64x128xf32, #tpu.memory_space<vmem>> -> memref<1x64x128xf32, #tpu.memory_space<vmem>>
    %dma_wait3A_182 = tpu.memref_squeeze %dma_wait3A_181 : memref<1x64x128xf32, #tpu.memory_space<vmem>> -> memref<64x128xf32, #tpu.memory_space<vmem>>
    tpu.wait_dma2 semaphore(%arg11 : memref<!tpu.dma_semaphore, #tpu.memory_space<semaphore_mem>>) src(%dma_wait3A_182 : memref<64x128xf32, #tpu.memory_space<vmem>>) dst(%dma_wait3A_178 : memref<64x128xf32, #tpu.memory_space<vmem_shared>>)
    %dma_wait3A_183 = arith.constant 0 : i32
    %dma_wait3A_184 = arith.constant 0 : i32
    %dma_wait3A_185 = arith.constant 0 : i32
    %dma_wait3A_186 = tpu.memref_slice %arg9[%dma_wait3A_183, %dma_wait3A_184, %dma_wait3A_185] : memref<3x64x128xf32, #tpu.memory_space<vmem>> -> memref<1x64x128xf32, #tpu.memory_space<vmem>>
    %dma_wait3A_187 = tpu.memref_squeeze %dma_wait3A_186 : memref<1x64x128xf32, #tpu.memory_space<vmem>> -> memref<64x128xf32, #tpu.memory_space<vmem>>
    %dma_wait3A_188 = arith.constant 0 : i32
    %dma_wait3A_189 = tpu.memref_slice %arg10[%mul3A_8, %dma_wait3A_188] : memref<10112x128xf32, #tpu.memory_space<vmem_shared>> -> memref<64x128xf32, #tpu.memory_space<vmem_shared>>
    %dma_wait3A_190 = arith.constant 0 : i32
    %dma_wait3A_191 = tpu.memref_slice %arg10[%mul3A_8, %dma_wait3A_190] : memref<10112x128xf32, #tpu.memory_space<vmem_shared>> -> memref<64x128xf32, #tpu.memory_space<vmem_shared>>
    %dma_wait3A_192 = arith.constant 0 : i32
    %dma_wait3A_193 = arith.constant 0 : i32
    %dma_wait3A_194 = tpu.memref_slice %arg9[%dma_wait3A_183, %dma_wait3A_192, %dma_wait3A_193] : memref<3x64x128xf32, #tpu.memory_space<vmem>> -> memref<1x64x128xf32, #tpu.memory_space<vmem>>
    %dma_wait3A_195 = tpu.memref_squeeze %dma_wait3A_194 : memref<1x64x128xf32, #tpu.memory_space<vmem>> -> memref<64x128xf32, #tpu.memory_space<vmem>>
    tpu.wait_dma2 semaphore(%arg11 : memref<!tpu.dma_semaphore, #tpu.memory_space<semaphore_mem>>) src(%dma_wait3A_195 : memref<64x128xf32, #tpu.memory_space<vmem>>) dst(%dma_wait3A_191 : memref<64x128xf32, #tpu.memory_space<vmem_shared>>)
    %dma_wait3A_196 = arith.constant 0 : i32
    %dma_wait3A_197 = arith.constant 0 : i32
    %dma_wait3A_198 = arith.constant 0 : i32
    %dma_wait3A_199 = tpu.memref_slice %arg9[%dma_wait3A_196, %dma_wait3A_197, %dma_wait3A_198] : memref<3x64x128xf32, #tpu.memory_space<vmem>> -> memref<1x64x128xf32, #tpu.memory_space<vmem>>
    %dma_wait3A_200 = tpu.memref_squeeze %dma_wait3A_199 : memref<1x64x128xf32, #tpu.memory_space<vmem>> -> memref<64x128xf32, #tpu.memory_space<vmem>>
    %dma_wait3A_201 = arith.constant 0 : i32
    %dma_wait3A_202 = tpu.memref_slice %arg10[%mul3A_8, %dma_wait3A_201] : memref<10112x128xf32, #tpu.memory_space<vmem_shared>> -> memref<64x128xf32, #tpu.memory_space<vmem_shared>>
    %dma_wait3A_203 = arith.constant 0 : i32
    %dma_wait3A_204 = tpu.memref_slice %arg10[%mul3A_8, %dma_wait3A_203] : memref<10112x128xf32, #tpu.memory_space<vmem_shared>> -> memref<64x128xf32, #tpu.memory_space<vmem_shared>>
    %dma_wait3A_205 = arith.constant 0 : i32
    %dma_wait3A_206 = arith.constant 0 : i32
    %dma_wait3A_207 = tpu.memref_slice %arg9[%dma_wait3A_196, %dma_wait3A_205, %dma_wait3A_206] : memref<3x64x128xf32, #tpu.memory_space<vmem>> -> memref<1x64x128xf32, #tpu.memory_space<vmem>>
    %dma_wait3A_208 = tpu.memref_squeeze %dma_wait3A_207 : memref<1x64x128xf32, #tpu.memory_space<vmem>> -> memref<64x128xf32, #tpu.memory_space<vmem>>
    tpu.wait_dma2 semaphore(%arg11 : memref<!tpu.dma_semaphore, #tpu.memory_space<semaphore_mem>>) src(%dma_wait3A_208 : memref<64x128xf32, #tpu.memory_space<vmem>>) dst(%dma_wait3A_204 : memref<64x128xf32, #tpu.memory_space<vmem_shared>>)
    %dma_wait3A_209 = arith.constant 0 : i32
    %dma_wait3A_210 = arith.constant 0 : i32
    %dma_wait3A_211 = arith.constant 0 : i32
    %dma_wait3A_212 = tpu.memref_slice %arg9[%dma_wait3A_209, %dma_wait3A_210, %dma_wait3A_211] : memref<3x64x128xf32, #tpu.memory_space<vmem>> -> memref<1x64x128xf32, #tpu.memory_space<vmem>>
    %dma_wait3A_213 = tpu.memref_squeeze %dma_wait3A_212 : memref<1x64x128xf32, #tpu.memory_space<vmem>> -> memref<64x128xf32, #tpu.memory_space<vmem>>
    %dma_wait3A_214 = arith.constant 0 : i32
    %dma_wait3A_215 = tpu.memref_slice %arg10[%mul3A_8, %dma_wait3A_214] : memref<10112x128xf32, #tpu.memory_space<vmem_shared>> -> memref<64x128xf32, #tpu.memory_space<vmem_shared>>
    %dma_wait3A_216 = arith.constant 0 : i32
    %dma_wait3A_217 = tpu.memref_slice %arg10[%mul3A_8, %dma_wait3A_216] : memref<10112x128xf32, #tpu.memory_space<vmem_shared>> -> memref<64x128xf32, #tpu.memory_space<vmem_shared>>
    %dma_wait3A_218 = arith.constant 0 : i32
    %dma_wait3A_219 = arith.constant 0 : i32
    %dma_wait3A_220 = tpu.memref_slice %arg9[%dma_wait3A_209, %dma_wait3A_218, %dma_wait3A_219] : memref<3x64x128xf32, #tpu.memory_space<vmem>> -> memref<1x64x128xf32, #tpu.memory_space<vmem>>
    %dma_wait3A_221 = tpu.memref_squeeze %dma_wait3A_220 : memref<1x64x128xf32, #tpu.memory_space<vmem>> -> memref<64x128xf32, #tpu.memory_space<vmem>>
    tpu.wait_dma2 semaphore(%arg11 : memref<!tpu.dma_semaphore, #tpu.memory_space<semaphore_mem>>) src(%dma_wait3A_221 : memref<64x128xf32, #tpu.memory_space<vmem>>) dst(%dma_wait3A_217 : memref<64x128xf32, #tpu.memory_space<vmem_shared>>)
    %dma_wait3A_222 = arith.constant 0 : i32
    %dma_wait3A_223 = arith.constant 0 : i32
    %dma_wait3A_224 = arith.constant 0 : i32
    %dma_wait3A_225 = tpu.memref_slice %arg9[%dma_wait3A_222, %dma_wait3A_223, %dma_wait3A_224] : memref<3x64x128xf32, #tpu.memory_space<vmem>> -> memref<1x64x128xf32, #tpu.memory_space<vmem>>
    %dma_wait3A_226 = tpu.memref_squeeze %dma_wait3A_225 : memref<1x64x128xf32, #tpu.memory_space<vmem>> -> memref<64x128xf32, #tpu.memory_space<vmem>>
    %dma_wait3A_227 = arith.constant 0 : i32
    %dma_wait3A_228 = tpu.memref_slice %arg10[%mul3A_8, %dma_wait3A_227] : memref<10112x128xf32, #tpu.memory_space<vmem_shared>> -> memref<64x128xf32, #tpu.memory_space<vmem_shared>>
    %dma_wait3A_229 = arith.constant 0 : i32
    %dma_wait3A_230 = tpu.memref_slice %arg10[%mul3A_8, %dma_wait3A_229] : memref<10112x128xf32, #tpu.memory_space<vmem_shared>> -> memref<64x128xf32, #tpu.memory_space<vmem_shared>>
    %dma_wait3A_231 = arith.constant 0 : i32
    %dma_wait3A_232 = arith.constant 0 : i32
    %dma_wait3A_233 = tpu.memref_slice %arg9[%dma_wait3A_222, %dma_wait3A_231, %dma_wait3A_232] : memref<3x64x128xf32, #tpu.memory_space<vmem>> -> memref<1x64x128xf32, #tpu.memory_space<vmem>>
    %dma_wait3A_234 = tpu.memref_squeeze %dma_wait3A_233 : memref<1x64x128xf32, #tpu.memory_space<vmem>> -> memref<64x128xf32, #tpu.memory_space<vmem>>
    tpu.wait_dma2 semaphore(%arg11 : memref<!tpu.dma_semaphore, #tpu.memory_space<semaphore_mem>>) src(%dma_wait3A_234 : memref<64x128xf32, #tpu.memory_space<vmem>>) dst(%dma_wait3A_230 : memref<64x128xf32, #tpu.memory_space<vmem_shared>>)
    %dma_wait3A_235 = arith.constant 0 : i32
    %dma_wait3A_236 = arith.constant 0 : i32
    %dma_wait3A_237 = arith.constant 0 : i32
    %dma_wait3A_238 = tpu.memref_slice %arg9[%dma_wait3A_235, %dma_wait3A_236, %dma_wait3A_237] : memref<3x64x128xf32, #tpu.memory_space<vmem>> -> memref<1x64x128xf32, #tpu.memory_space<vmem>>
    %dma_wait3A_239 = tpu.memref_squeeze %dma_wait3A_238 : memref<1x64x128xf32, #tpu.memory_space<vmem>> -> memref<64x128xf32, #tpu.memory_space<vmem>>
    %dma_wait3A_240 = arith.constant 0 : i32
    %dma_wait3A_241 = tpu.memref_slice %arg10[%mul3A_8, %dma_wait3A_240] : memref<10112x128xf32, #tpu.memory_space<vmem_shared>> -> memref<64x128xf32, #tpu.memory_space<vmem_shared>>
    %dma_wait3A_242 = arith.constant 0 : i32
    %dma_wait3A_243 = tpu.memref_slice %arg10[%mul3A_8, %dma_wait3A_242] : memref<10112x128xf32, #tpu.memory_space<vmem_shared>> -> memref<64x128xf32, #tpu.memory_space<vmem_shared>>
    %dma_wait3A_244 = arith.constant 0 : i32
    %dma_wait3A_245 = arith.constant 0 : i32
    %dma_wait3A_246 = tpu.memref_slice %arg9[%dma_wait3A_235, %dma_wait3A_244, %dma_wait3A_245] : memref<3x64x128xf32, #tpu.memory_space<vmem>> -> memref<1x64x128xf32, #tpu.memory_space<vmem>>
    %dma_wait3A_247 = tpu.memref_squeeze %dma_wait3A_246 : memref<1x64x128xf32, #tpu.memory_space<vmem>> -> memref<64x128xf32, #tpu.memory_space<vmem>>
    tpu.wait_dma2 semaphore(%arg11 : memref<!tpu.dma_semaphore, #tpu.memory_space<semaphore_mem>>) src(%dma_wait3A_247 : memref<64x128xf32, #tpu.memory_space<vmem>>) dst(%dma_wait3A_243 : memref<64x128xf32, #tpu.memory_space<vmem_shared>>)
    %dma_wait3A_248 = arith.constant 0 : i32
    %dma_wait3A_249 = arith.constant 0 : i32
    %dma_wait3A_250 = arith.constant 0 : i32
    %dma_wait3A_251 = tpu.memref_slice %arg9[%dma_wait3A_248, %dma_wait3A_249, %dma_wait3A_250] : memref<3x64x128xf32, #tpu.memory_space<vmem>> -> memref<1x64x128xf32, #tpu.memory_space<vmem>>
    %dma_wait3A_252 = tpu.memref_squeeze %dma_wait3A_251 : memref<1x64x128xf32, #tpu.memory_space<vmem>> -> memref<64x128xf32, #tpu.memory_space<vmem>>
    %dma_wait3A_253 = arith.constant 0 : i32
    %dma_wait3A_254 = tpu.memref_slice %arg10[%mul3A_8, %dma_wait3A_253] : memref<10112x128xf32, #tpu.memory_space<vmem_shared>> -> memref<64x128xf32, #tpu.memory_space<vmem_shared>>
    %dma_wait3A_255 = arith.constant 0 : i32
    %dma_wait3A_256 = tpu.memref_slice %arg10[%mul3A_8, %dma_wait3A_255] : memref<10112x128xf32, #tpu.memory_space<vmem_shared>> -> memref<64x128xf32, #tpu.memory_space<vmem_shared>>
    %dma_wait3A_257 = arith.constant 0 : i32
    %dma_wait3A_258 = arith.constant 0 : i32
    %dma_wait3A_259 = tpu.memref_slice %arg9[%dma_wait3A_248, %dma_wait3A_257, %dma_wait3A_258] : memref<3x64x128xf32, #tpu.memory_space<vmem>> -> memref<1x64x128xf32, #tpu.memory_space<vmem>>
    %dma_wait3A_260 = tpu.memref_squeeze %dma_wait3A_259 : memref<1x64x128xf32, #tpu.memory_space<vmem>> -> memref<64x128xf32, #tpu.memory_space<vmem>>
    tpu.wait_dma2 semaphore(%arg11 : memref<!tpu.dma_semaphore, #tpu.memory_space<semaphore_mem>>) src(%dma_wait3A_260 : memref<64x128xf32, #tpu.memory_space<vmem>>) dst(%dma_wait3A_256 : memref<64x128xf32, #tpu.memory_space<vmem_shared>>)
    %dma_wait3A_261 = arith.constant 0 : i32
    %dma_wait3A_262 = arith.constant 0 : i32
    %dma_wait3A_263 = arith.constant 0 : i32
    %dma_wait3A_264 = tpu.memref_slice %arg9[%dma_wait3A_261, %dma_wait3A_262, %dma_wait3A_263] : memref<3x64x128xf32, #tpu.memory_space<vmem>> -> memref<1x64x128xf32, #tpu.memory_space<vmem>>
    %dma_wait3A_265 = tpu.memref_squeeze %dma_wait3A_264 : memref<1x64x128xf32, #tpu.memory_space<vmem>> -> memref<64x128xf32, #tpu.memory_space<vmem>>
    %dma_wait3A_266 = arith.constant 0 : i32
    %dma_wait3A_267 = tpu.memref_slice %arg10[%mul3A_8, %dma_wait3A_266] : memref<10112x128xf32, #tpu.memory_space<vmem_shared>> -> memref<64x128xf32, #tpu.memory_space<vmem_shared>>
    %dma_wait3A_268 = arith.constant 0 : i32
    %dma_wait3A_269 = tpu.memref_slice %arg10[%mul3A_8, %dma_wait3A_268] : memref<10112x128xf32, #tpu.memory_space<vmem_shared>> -> memref<64x128xf32, #tpu.memory_space<vmem_shared>>
    %dma_wait3A_270 = arith.constant 0 : i32
    %dma_wait3A_271 = arith.constant 0 : i32
    %dma_wait3A_272 = tpu.memref_slice %arg9[%dma_wait3A_261, %dma_wait3A_270, %dma_wait3A_271] : memref<3x64x128xf32, #tpu.memory_space<vmem>> -> memref<1x64x128xf32, #tpu.memory_space<vmem>>
    %dma_wait3A_273 = tpu.memref_squeeze %dma_wait3A_272 : memref<1x64x128xf32, #tpu.memory_space<vmem>> -> memref<64x128xf32, #tpu.memory_space<vmem>>
    tpu.wait_dma2 semaphore(%arg11 : memref<!tpu.dma_semaphore, #tpu.memory_space<semaphore_mem>>) src(%dma_wait3A_273 : memref<64x128xf32, #tpu.memory_space<vmem>>) dst(%dma_wait3A_269 : memref<64x128xf32, #tpu.memory_space<vmem_shared>>)
    %dma_wait3A_274 = arith.constant 0 : i32
    %dma_wait3A_275 = arith.constant 0 : i32
    %dma_wait3A_276 = arith.constant 0 : i32
    %dma_wait3A_277 = tpu.memref_slice %arg9[%dma_wait3A_274, %dma_wait3A_275, %dma_wait3A_276] : memref<3x64x128xf32, #tpu.memory_space<vmem>> -> memref<1x64x128xf32, #tpu.memory_space<vmem>>
    %dma_wait3A_278 = tpu.memref_squeeze %dma_wait3A_277 : memref<1x64x128xf32, #tpu.memory_space<vmem>> -> memref<64x128xf32, #tpu.memory_space<vmem>>
    %dma_wait3A_279 = arith.constant 0 : i32
    %dma_wait3A_280 = tpu.memref_slice %arg10[%mul3A_8, %dma_wait3A_279] : memref<10112x128xf32, #tpu.memory_space<vmem_shared>> -> memref<64x128xf32, #tpu.memory_space<vmem_shared>>
    %dma_wait3A_281 = arith.constant 0 : i32
    %dma_wait3A_282 = tpu.memref_slice %arg10[%mul3A_8, %dma_wait3A_281] : memref<10112x128xf32, #tpu.memory_space<vmem_shared>> -> memref<64x128xf32, #tpu.memory_space<vmem_shared>>
    %dma_wait3A_283 = arith.constant 0 : i32
    %dma_wait3A_284 = arith.constant 0 : i32
    %dma_wait3A_285 = tpu.memref_slice %arg9[%dma_wait3A_274, %dma_wait3A_283, %dma_wait3A_284] : memref<3x64x128xf32, #tpu.memory_space<vmem>> -> memref<1x64x128xf32, #tpu.memory_space<vmem>>
    %dma_wait3A_286 = tpu.memref_squeeze %dma_wait3A_285 : memref<1x64x128xf32, #tpu.memory_space<vmem>> -> memref<64x128xf32, #tpu.memory_space<vmem>>
    tpu.wait_dma2 semaphore(%arg11 : memref<!tpu.dma_semaphore, #tpu.memory_space<semaphore_mem>>) src(%dma_wait3A_286 : memref<64x128xf32, #tpu.memory_space<vmem>>) dst(%dma_wait3A_282 : memref<64x128xf32, #tpu.memory_space<vmem_shared>>)
    %run_scoped3A = arith.constant 0 : i32
    %run_scoped3A_287 = arith.constant 0 : i32
    "tpu.region"() ({
      %run_scoped3A_318 = tpu.sem_alloc : memref<!tpu.dma_semaphore, #tpu.memory_space<semaphore_mem>>
      %dma_start3A_319 = arith.constant 0 : i32
      %dma_start3A_320 = arith.constant 0 : i32
      %dma_start3A_321 = tpu.memref_slice %arg7[%run_scoped3A_287, %dma_start3A_319, %dma_start3A_320] : memref<2x8x64xi32, #tpu.memory_space<vmem>> -> memref<1x8x64xi32, #tpu.memory_space<vmem>>
      %dma_start3A_322 = tpu.memref_squeeze %dma_start3A_321 : memref<1x8x64xi32, #tpu.memory_space<vmem>> -> memref<8x64xi32, #tpu.memory_space<vmem>>
      %dma_start3A_323 = arith.constant 0 : i32
      %dma_start3A_324 = arith.constant 0 : i32
      %dma_start3A_325 = tpu.memref_slice %arg3[%add3A, %run_scoped3A, %dma_start3A_323, %dma_start3A_324] : memref<32x20x8x64xi32, #tpu.memory_space<hbm>> -> memref<1x1x8x64xi32, #tpu.memory_space<hbm>>
      %dma_start3A_326 = tpu.memref_squeeze %dma_start3A_325 : memref<1x1x8x64xi32, #tpu.memory_space<hbm>> -> memref<8x64xi32, #tpu.memory_space<hbm>>
      %dma_start3A_327 = arith.constant 0 : i32
      %dma_start3A_328 = arith.constant 0 : i32
      %dma_start3A_329 = tpu.memref_slice %arg7[%run_scoped3A_287, %dma_start3A_327, %dma_start3A_328] : memref<2x8x64xi32, #tpu.memory_space<vmem>> -> memref<1x8x64xi32, #tpu.memory_space<vmem>>
      %dma_start3A_330 = tpu.memref_squeeze %dma_start3A_329 : memref<1x8x64xi32, #tpu.memory_space<vmem>> -> memref<8x64xi32, #tpu.memory_space<vmem>>
      %dma_start3A_331 = arith.constant 0 : i32
      %dma_start3A_332 = arith.constant 0 : i32
      %dma_start3A_333 = tpu.memref_slice %arg3[%add3A, %run_scoped3A, %dma_start3A_331, %dma_start3A_332] : memref<32x20x8x64xi32, #tpu.memory_space<hbm>> -> memref<1x1x8x64xi32, #tpu.memory_space<hbm>>
      %dma_start3A_334 = tpu.memref_squeeze %dma_start3A_333 : memref<1x1x8x64xi32, #tpu.memory_space<hbm>> -> memref<8x64xi32, #tpu.memory_space<hbm>>
      tpu.enqueue_dma source(%dma_start3A_334 : memref<8x64xi32, #tpu.memory_space<hbm>>) target(%dma_start3A_330 : memref<8x64xi32, #tpu.memory_space<vmem>>) target_semaphore(%run_scoped3A_318 : memref<!tpu.dma_semaphore, #tpu.memory_space<semaphore_mem>>)
      %dma_wait3A_335 = arith.constant 0 : i32
      %dma_wait3A_336 = arith.constant 0 : i32
      %dma_wait3A_337 = tpu.memref_slice %arg7[%run_scoped3A_287, %dma_wait3A_335, %dma_wait3A_336] : memref<2x8x64xi32, #tpu.memory_space<vmem>> -> memref<1x8x64xi32, #tpu.memory_space<vmem>>
      %dma_wait3A_338 = tpu.memref_squeeze %dma_wait3A_337 : memref<1x8x64xi32, #tpu.memory_space<vmem>> -> memref<8x64xi32, #tpu.memory_space<vmem>>
      %dma_wait3A_339 = arith.constant 0 : i32
      %dma_wait3A_340 = arith.constant 0 : i32
      %dma_wait3A_341 = tpu.memref_slice %arg3[%add3A, %run_scoped3A, %dma_wait3A_339, %dma_wait3A_340] : memref<32x20x8x64xi32, #tpu.memory_space<hbm>> -> memref<1x1x8x64xi32, #tpu.memory_space<hbm>>
      %dma_wait3A_342 = tpu.memref_squeeze %dma_wait3A_341 : memref<1x1x8x64xi32, #tpu.memory_space<hbm>> -> memref<8x64xi32, #tpu.memory_space<hbm>>
      %dma_wait3A_343 = arith.constant 0 : i32
      %dma_wait3A_344 = arith.constant 0 : i32
      %dma_wait3A_345 = tpu.memref_slice %arg7[%run_scoped3A_287, %dma_wait3A_343, %dma_wait3A_344] : memref<2x8x64xi32, #tpu.memory_space<vmem>> -> memref<1x8x64xi32, #tpu.memory_space<vmem>>
      %dma_wait3A_346 = tpu.memref_squeeze %dma_wait3A_345 : memref<1x8x64xi32, #tpu.memory_space<vmem>> -> memref<8x64xi32, #tpu.memory_space<vmem>>
      %dma_wait3A_347 = arith.constant 0 : i32
      %dma_wait3A_348 = arith.constant 0 : i32
      %dma_wait3A_349 = tpu.memref_slice %arg3[%add3A, %run_scoped3A, %dma_wait3A_347, %dma_wait3A_348] : memref<32x20x8x64xi32, #tpu.memory_space<hbm>> -> memref<1x1x8x64xi32, #tpu.memory_space<hbm>>
      %dma_wait3A_350 = tpu.memref_squeeze %dma_wait3A_349 : memref<1x1x8x64xi32, #tpu.memory_space<hbm>> -> memref<8x64xi32, #tpu.memory_space<hbm>>
      tpu.wait_dma2 semaphore(%run_scoped3A_318 : memref<!tpu.dma_semaphore, #tpu.memory_space<semaphore_mem>>) src(%dma_wait3A_350 : memref<8x64xi32, #tpu.memory_space<hbm>>) dst(%dma_wait3A_346 : memref<8x64xi32, #tpu.memory_space<vmem>>)
      tpu.yield
    }) : () -> ()
    %run_scoped3A_288 = arith.constant 0 : i32
    %run_scoped3A_289 = arith.constant 0 : i32
    "tpu.region"() ({
      %run_scoped3A_318 = tpu.sem_alloc : memref<!tpu.dma_semaphore, #tpu.memory_space<semaphore_mem>>
      %dma_start3A_319 = arith.constant 0 : i32
      %dma_start3A_320 = arith.constant 0 : i32
      %dma_start3A_321 = tpu.memref_slice %arg8[%run_scoped3A_289, %dma_start3A_319, %dma_start3A_320] : memref<2x8x64xi32, #tpu.memory_space<vmem>> -> memref<1x8x64xi32, #tpu.memory_space<vmem>>
      %dma_start3A_322 = tpu.memref_squeeze %dma_start3A_321 : memref<1x8x64xi32, #tpu.memory_space<vmem>> -> memref<8x64xi32, #tpu.memory_space<vmem>>
      %dma_start3A_323 = arith.constant 0 : i32
      %dma_start3A_324 = arith.constant 0 : i32
      %dma_start3A_325 = tpu.memref_slice %arg4[%add3A, %run_scoped3A_288, %dma_start3A_323, %dma_start3A_324] : memref<32x20x8x64xi32, #tpu.memory_space<hbm>> -> memref<1x1x8x64xi32, #tpu.memory_space<hbm>>
      %dma_start3A_326 = tpu.memref_squeeze %dma_start3A_325 : memref<1x1x8x64xi32, #tpu.memory_space<hbm>> -> memref<8x64xi32, #tpu.memory_space<hbm>>
      %dma_start3A_327 = arith.constant 0 : i32
      %dma_start3A_328 = arith.constant 0 : i32
      %dma_start3A_329 = tpu.memref_slice %arg8[%run_scoped3A_289, %dma_start3A_327, %dma_start3A_328] : memref<2x8x64xi32, #tpu.memory_space<vmem>> -> memref<1x8x64xi32, #tpu.memory_space<vmem>>
      %dma_start3A_330 = tpu.memref_squeeze %dma_start3A_329 : memref<1x8x64xi32, #tpu.memory_space<vmem>> -> memref<8x64xi32, #tpu.memory_space<vmem>>
      %dma_start3A_331 = arith.constant 0 : i32
      %dma_start3A_332 = arith.constant 0 : i32
      %dma_start3A_333 = tpu.memref_slice %arg4[%add3A, %run_scoped3A_288, %dma_start3A_331, %dma_start3A_332] : memref<32x20x8x64xi32, #tpu.memory_space<hbm>> -> memref<1x1x8x64xi32, #tpu.memory_space<hbm>>
      %dma_start3A_334 = tpu.memref_squeeze %dma_start3A_333 : memref<1x1x8x64xi32, #tpu.memory_space<hbm>> -> memref<8x64xi32, #tpu.memory_space<hbm>>
      tpu.enqueue_dma source(%dma_start3A_334 : memref<8x64xi32, #tpu.memory_space<hbm>>) target(%dma_start3A_330 : memref<8x64xi32, #tpu.memory_space<vmem>>) target_semaphore(%run_scoped3A_318 : memref<!tpu.dma_semaphore, #tpu.memory_space<semaphore_mem>>)
      %dma_wait3A_335 = arith.constant 0 : i32
      %dma_wait3A_336 = arith.constant 0 : i32
      %dma_wait3A_337 = tpu.memref_slice %arg8[%run_scoped3A_289, %dma_wait3A_335, %dma_wait3A_336] : memref<2x8x64xi32, #tpu.memory_space<vmem>> -> memref<1x8x64xi32, #tpu.memory_space<vmem>>
      %dma_wait3A_338 = tpu.memref_squeeze %dma_wait3A_337 : memref<1x8x64xi32, #tpu.memory_space<vmem>> -> memref<8x64xi32, #tpu.memory_space<vmem>>
      %dma_wait3A_339 = arith.constant 0 : i32
      %dma_wait3A_340 = arith.constant 0 : i32
      %dma_wait3A_341 = tpu.memref_slice %arg4[%add3A, %run_scoped3A_288, %dma_wait3A_339, %dma_wait3A_340] : memref<32x20x8x64xi32, #tpu.memory_space<hbm>> -> memref<1x1x8x64xi32, #tpu.memory_space<hbm>>
      %dma_wait3A_342 = tpu.memref_squeeze %dma_wait3A_341 : memref<1x1x8x64xi32, #tpu.memory_space<hbm>> -> memref<8x64xi32, #tpu.memory_space<hbm>>
      %dma_wait3A_343 = arith.constant 0 : i32
      %dma_wait3A_344 = arith.constant 0 : i32
      %dma_wait3A_345 = tpu.memref_slice %arg8[%run_scoped3A_289, %dma_wait3A_343, %dma_wait3A_344] : memref<2x8x64xi32, #tpu.memory_space<vmem>> -> memref<1x8x64xi32, #tpu.memory_space<vmem>>
      %dma_wait3A_346 = tpu.memref_squeeze %dma_wait3A_345 : memref<1x8x64xi32, #tpu.memory_space<vmem>> -> memref<8x64xi32, #tpu.memory_space<vmem>>
      %dma_wait3A_347 = arith.constant 0 : i32
      %dma_wait3A_348 = arith.constant 0 : i32
      %dma_wait3A_349 = tpu.memref_slice %arg4[%add3A, %run_scoped3A_288, %dma_wait3A_347, %dma_wait3A_348] : memref<32x20x8x64xi32, #tpu.memory_space<hbm>> -> memref<1x1x8x64xi32, #tpu.memory_space<hbm>>
      %dma_wait3A_350 = tpu.memref_squeeze %dma_wait3A_349 : memref<1x1x8x64xi32, #tpu.memory_space<hbm>> -> memref<8x64xi32, #tpu.memory_space<hbm>>
      tpu.wait_dma2 semaphore(%run_scoped3A_318 : memref<!tpu.dma_semaphore, #tpu.memory_space<semaphore_mem>>) src(%dma_wait3A_350 : memref<8x64xi32, #tpu.memory_space<hbm>>) dst(%dma_wait3A_346 : memref<8x64xi32, #tpu.memory_space<vmem>>)
      tpu.yield
    }) : () -> ()
    %barrier3A = arith.constant 0 : index
    tpu.barrier barrier_id(%barrier3A)
    %scan3A_290 = arith.constant 0 : i32
    %scan3A_291 = arith.constant 0 : i32
    %scan3A_292 = arith.constant 162 : i32
    %scan3A_293 = arith.addi %scan3A_291, %scan3A_292 : i32
    %scan3A_294 = arith.constant 1 : i32
    %scan3A_295 = scf.for %scan3A_318 = %scan3A_291 to %scan3A_293 step %scan3A_294 iter_args(%scan3A_319 = %scan3A_290) -> (i32)  : i32 {
      %rem3A = arith.constant 3 : i32
      %rem3A_320 = arith.remsi %scan3A_318, %rem3A : i32
      %add3A_321 = arith.constant 1 : i32
      %add3A_322 = arith.addi %scan3A_318, %add3A_321 : i32
      %rem3A_323 = arith.constant 3 : i32
      %rem3A_324 = arith.remsi %add3A_322, %rem3A_323 : i32
      %jit3A = arith.constant 8 : i32
      %div3A = arith.divsi %scan3A_318, %jit3A : i32
      %sign3A = arith.constant 0 : i32
      %sign3A_325 = arith.cmpi sgt, %scan3A_318, %sign3A : i32
      %sign3A_326 = arith.extui %sign3A_325 : i1 to i32
      %sign3A_327 = arith.constant 0 : i32
      %sign3A_328 = arith.cmpi slt, %scan3A_318, %sign3A_327 : i32
      %sign3A_329 = arith.extui %sign3A_328 : i1 to i32
      %sign3A_330 = arith.subi %sign3A_326, %sign3A_329 : i32
      %sign3A_331 = arith.constant 0 : i32
      %sign3A_332 = arith.cmpi sgt, %jit3A, %sign3A_331 : i32
      %sign3A_333 = arith.extui %sign3A_332 : i1 to i32
      %sign3A_334 = arith.constant 0 : i32
      %sign3A_335 = arith.cmpi slt, %jit3A, %sign3A_334 : i32
      %sign3A_336 = arith.extui %sign3A_335 : i1 to i32
      %sign3A_337 = arith.subi %sign3A_333, %sign3A_336 : i32
      %ne3A = arith.cmpi ne, %sign3A_330, %sign3A_337 : i32
      %rem3A_338 = arith.remsi %scan3A_318, %jit3A : i32
      %ne3A_339 = arith.constant 0 : i32
      %ne3A_340 = arith.cmpi ne, %rem3A_338, %ne3A_339 : i32
      %and3A = arith.andi %ne3A, %ne3A_340 : i1
      %sub3A = arith.constant 1 : i32
      %sub3A_341 = arith.subi %div3A, %sub3A : i32
      %select_n3A = arith.select %and3A, %sub3A_341, %div3A : i32
      %rem3A_342 = arith.constant 8 : i32
      %rem3A_343 = arith.remsi %scan3A_318, %rem3A_342 : i32
      %rem3A_344 = arith.constant 2 : i32
      %rem3A_345 = arith.remsi %select_n3A, %rem3A_344 : i32
      %sub3A_346 = arith.constant 2 : i32
      %sub3A_347 = arith.subi %scan3A_318, %sub3A_346 : i32
      %rem3A_348 = arith.constant 8 : i32
      %rem3A_349 = arith.remsi %sub3A_347, %rem3A_348 : i32
      %sub3A_350 = arith.constant 2 : i32
      %sub3A_351 = arith.subi %scan3A_318, %sub3A_350 : i32
      %jit3A_352 = arith.constant 8 : i32
      %div3A_353 = arith.divsi %sub3A_351, %jit3A_352 : i32
      %sign3A_354 = arith.constant 0 : i32
      %sign3A_355 = arith.cmpi sgt, %sub3A_351, %sign3A_354 : i32
      %sign3A_356 = arith.extui %sign3A_355 : i1 to i32
      %sign3A_357 = arith.constant 0 : i32
      %sign3A_358 = arith.cmpi slt, %sub3A_351, %sign3A_357 : i32
      %sign3A_359 = arith.extui %sign3A_358 : i1 to i32
      %sign3A_360 = arith.subi %sign3A_356, %sign3A_359 : i32
      %sign3A_361 = arith.constant 0 : i32
      %sign3A_362 = arith.cmpi sgt, %jit3A_352, %sign3A_361 : i32
      %sign3A_363 = arith.extui %sign3A_362 : i1 to i32
      %sign3A_364 = arith.constant 0 : i32
      %sign3A_365 = arith.cmpi slt, %jit3A_352, %sign3A_364 : i32
      %sign3A_366 = arith.extui %sign3A_365 : i1 to i32
      %sign3A_367 = arith.subi %sign3A_363, %sign3A_366 : i32
      %ne3A_368 = arith.cmpi ne, %sign3A_360, %sign3A_367 : i32
      %rem3A_369 = arith.remsi %sub3A_351, %jit3A_352 : i32
      %ne3A_370 = arith.constant 0 : i32
      %ne3A_371 = arith.cmpi ne, %rem3A_369, %ne3A_370 : i32
      %and3A_372 = arith.andi %ne3A_368, %ne3A_371 : i1
      %sub3A_373 = arith.constant 1 : i32
      %sub3A_374 = arith.subi %div3A_353, %sub3A_373 : i32
      %select_n3A_375 = arith.select %and3A_372, %sub3A_374, %div3A_353 : i32
      %rem3A_376 = arith.constant 2 : i32
      %rem3A_377 = arith.remsi %select_n3A_375, %rem3A_376 : i32
      %ge3A = arith.constant 3 : i32
      %ge3A_378 = arith.cmpi sge, %scan3A_318, %ge3A : i32
      %eq3A_379 = arith.constant 0 : i32
      %eq3A_380 = arith.cmpi eq, %rem3A_320, %eq3A_379 : i32
      %and3A_381 = arith.andi %ge3A_378, %eq3A_380 : i1
      %convert_element_type3A_382 = arith.extui %and3A_381 : i1 to i32
      %cond3A_383 = arith.constant 0 : i32
      %cond3A_384 = arith.cmpi ne, %convert_element_type3A_382, %cond3A_383 : i32
      scf.if %cond3A_384 {
        %dma_wait3A_475 = arith.constant 0 : i32
        %dma_wait3A_476 = arith.constant 0 : i32
        %dma_wait3A_477 = arith.constant 0 : i32
        %dma_wait3A_478 = arith.constant 0 : i32
        %dma_wait3A_479 = arith.constant 0 : i32
        %dma_wait3A_480 = tpu.memref_slice %arg9[%dma_wait3A_475, %dma_wait3A_478, %dma_wait3A_479] : memref<3x64x128xf32, #tpu.memory_space<vmem>> -> memref<1x64x128xf32, #tpu.memory_space<vmem>>
        %dma_wait3A_481 = tpu.memref_squeeze %dma_wait3A_480 : memref<1x64x128xf32, #tpu.memory_space<vmem>> -> memref<64x128xf32, #tpu.memory_space<vmem>>
        %dma_wait3A_482 = arith.constant 0 : i32
        %dma_wait3A_483 = tpu.memref_slice %arg8[%dma_wait3A_476, %dma_wait3A_477, %dma_wait3A_482] : memref<2x8x64xi32, #tpu.memory_space<vmem>> -> memref<1x1x64xi32, #tpu.memory_space<vmem>>
        %dma_wait3A_484 = tpu.memref_squeeze %dma_wait3A_483 : memref<1x1x64xi32, #tpu.memory_space<vmem>> -> memref<64xi32, #tpu.memory_space<vmem>>
        %dma_wait3A_485 = arith.constant 0 : i32
        %dma_wait3A_486 = arith.constant 0 : i32
        %dma_wait3A_487 = tpu.memref_slice %arg10[%dma_wait3A_485, %dma_wait3A_486] : memref<10112x128xf32, #tpu.memory_space<vmem_shared>> -> memref<10112x128xf32, #tpu.memory_space<vmem_shared>>
        tpu.wait_indirect_dma semaphore(%arg14 : memref<!tpu.dma_semaphore, #tpu.memory_space<semaphore_mem>>) src(%dma_wait3A_481 : memref<64x128xf32, #tpu.memory_space<vmem>>) dst(%dma_wait3A_487 : memref<10112x128xf32, #tpu.memory_space<vmem_shared>>)
      } else {
      }
      %ge3A_385 = arith.constant 3 : i32
      %ge3A_386 = arith.cmpi sge, %scan3A_318, %ge3A_385 : i32
      %eq3A_387 = arith.constant 1 : i32
      %eq3A_388 = arith.cmpi eq, %rem3A_320, %eq3A_387 : i32
      %and3A_389 = arith.andi %ge3A_386, %eq3A_388 : i1
      %convert_element_type3A_390 = arith.extui %and3A_389 : i1 to i32
      %cond3A_391 = arith.constant 0 : i32
      %cond3A_392 = arith.cmpi ne, %convert_element_type3A_390, %cond3A_391 : i32
      scf.if %cond3A_392 {
        %dma_wait3A_475 = arith.constant 0 : i32
        %dma_wait3A_476 = arith.constant 0 : i32
        %dma_wait3A_477 = arith.constant 0 : i32
        %dma_wait3A_478 = arith.constant 0 : i32
        %dma_wait3A_479 = arith.constant 0 : i32
        %dma_wait3A_480 = tpu.memref_slice %arg9[%dma_wait3A_475, %dma_wait3A_478, %dma_wait3A_479] : memref<3x64x128xf32, #tpu.memory_space<vmem>> -> memref<1x64x128xf32, #tpu.memory_space<vmem>>
        %dma_wait3A_481 = tpu.memref_squeeze %dma_wait3A_480 : memref<1x64x128xf32, #tpu.memory_space<vmem>> -> memref<64x128xf32, #tpu.memory_space<vmem>>
        %dma_wait3A_482 = arith.constant 0 : i32
        %dma_wait3A_483 = tpu.memref_slice %arg8[%dma_wait3A_476, %dma_wait3A_477, %dma_wait3A_482] : memref<2x8x64xi32, #tpu.memory_space<vmem>> -> memref<1x1x64xi32, #tpu.memory_space<vmem>>
        %dma_wait3A_484 = tpu.memref_squeeze %dma_wait3A_483 : memref<1x1x64xi32, #tpu.memory_space<vmem>> -> memref<64xi32, #tpu.memory_space<vmem>>
        %dma_wait3A_485 = arith.constant 0 : i32
        %dma_wait3A_486 = arith.constant 0 : i32
        %dma_wait3A_487 = tpu.memref_slice %arg10[%dma_wait3A_485, %dma_wait3A_486] : memref<10112x128xf32, #tpu.memory_space<vmem_shared>> -> memref<10112x128xf32, #tpu.memory_space<vmem_shared>>
        tpu.wait_indirect_dma semaphore(%arg15 : memref<!tpu.dma_semaphore, #tpu.memory_space<semaphore_mem>>) src(%dma_wait3A_481 : memref<64x128xf32, #tpu.memory_space<vmem>>) dst(%dma_wait3A_487 : memref<10112x128xf32, #tpu.memory_space<vmem_shared>>)
      } else {
      }
      %ge3A_393 = arith.constant 3 : i32
      %ge3A_394 = arith.cmpi sge, %scan3A_318, %ge3A_393 : i32
      %eq3A_395 = arith.constant 2 : i32
      %eq3A_396 = arith.cmpi eq, %rem3A_320, %eq3A_395 : i32
      %and3A_397 = arith.andi %ge3A_394, %eq3A_396 : i1
      %convert_element_type3A_398 = arith.extui %and3A_397 : i1 to i32
      %cond3A_399 = arith.constant 0 : i32
      %cond3A_400 = arith.cmpi ne, %convert_element_type3A_398, %cond3A_399 : i32
      scf.if %cond3A_400 {
        %dma_wait3A_475 = arith.constant 0 : i32
        %dma_wait3A_476 = arith.constant 0 : i32
        %dma_wait3A_477 = arith.constant 0 : i32
        %dma_wait3A_478 = arith.constant 0 : i32
        %dma_wait3A_479 = arith.constant 0 : i32
        %dma_wait3A_480 = tpu.memref_slice %arg9[%dma_wait3A_475, %dma_wait3A_478, %dma_wait3A_479] : memref<3x64x128xf32, #tpu.memory_space<vmem>> -> memref<1x64x128xf32, #tpu.memory_space<vmem>>
        %dma_wait3A_481 = tpu.memref_squeeze %dma_wait3A_480 : memref<1x64x128xf32, #tpu.memory_space<vmem>> -> memref<64x128xf32, #tpu.memory_space<vmem>>
        %dma_wait3A_482 = arith.constant 0 : i32
        %dma_wait3A_483 = tpu.memref_slice %arg8[%dma_wait3A_476, %dma_wait3A_477, %dma_wait3A_482] : memref<2x8x64xi32, #tpu.memory_space<vmem>> -> memref<1x1x64xi32, #tpu.memory_space<vmem>>
        %dma_wait3A_484 = tpu.memref_squeeze %dma_wait3A_483 : memref<1x1x64xi32, #tpu.memory_space<vmem>> -> memref<64xi32, #tpu.memory_space<vmem>>
        %dma_wait3A_485 = arith.constant 0 : i32
        %dma_wait3A_486 = arith.constant 0 : i32
        %dma_wait3A_487 = tpu.memref_slice %arg10[%dma_wait3A_485, %dma_wait3A_486] : memref<10112x128xf32, #tpu.memory_space<vmem_shared>> -> memref<10112x128xf32, #tpu.memory_space<vmem_shared>>
        tpu.wait_indirect_dma semaphore(%arg16 : memref<!tpu.dma_semaphore, #tpu.memory_space<semaphore_mem>>) src(%dma_wait3A_481 : memref<64x128xf32, #tpu.memory_space<vmem>>) dst(%dma_wait3A_487 : memref<10112x128xf32, #tpu.memory_space<vmem_shared>>)
      } else {
      }
      %eq3A_401 = arith.constant 2 : i32
      %eq3A_402 = arith.cmpi eq, %rem3A_343, %eq3A_401 : i32
      %add3A_403 = arith.constant 1 : i32
      %add3A_404 = arith.addi %select_n3A, %add3A_403 : i32
      %lt3A = arith.constant 20 : i32
      %lt3A_405 = arith.cmpi slt, %add3A_404, %lt3A : i32
      %lt3A_406 = arith.constant 160 : i32
      %lt3A_407 = arith.cmpi slt, %scan3A_318, %lt3A_406 : i32
      %and3A_408 = arith.andi %lt3A_405, %lt3A_407 : i1
      %and3A_409 = arith.andi %eq3A_402, %and3A_408 : i1
      %convert_element_type3A_410 = arith.extui %and3A_409 : i1 to i32
      %cond3A_411 = arith.constant 0 : i32
      %cond3A_412 = arith.cmpi ne, %convert_element_type3A_410, %cond3A_411 : i32
      scf.if %cond3A_412 {
        %add3A_475 = arith.constant 1 : i32
        %add3A_476 = arith.addi %select_n3A, %add3A_475 : i32
        %sub3A_477 = arith.constant 1 : i32
        %sub3A_478 = arith.subi %sub3A_477, %rem3A_345 : i32
        %dma_start3A_479 = arith.constant 0 : i32
        %dma_start3A_480 = arith.constant 0 : i32
        %dma_start3A_481 = tpu.memref_slice %arg7[%sub3A_478, %dma_start3A_479, %dma_start3A_480] : memref<2x8x64xi32, #tpu.memory_space<vmem>> -> memref<1x8x64xi32, #tpu.memory_space<vmem>>
        %dma_start3A_482 = tpu.memref_squeeze %dma_start3A_481 : memref<1x8x64xi32, #tpu.memory_space<vmem>> -> memref<8x64xi32, #tpu.memory_space<vmem>>
        %dma_start3A_483 = arith.constant 0 : i32
        %dma_start3A_484 = arith.constant 0 : i32
        %dma_start3A_485 = tpu.memref_slice %arg3[%add3A, %add3A_476, %dma_start3A_483, %dma_start3A_484] : memref<32x20x8x64xi32, #tpu.memory_space<hbm>> -> memref<1x1x8x64xi32, #tpu.memory_space<hbm>>
        %dma_start3A_486 = tpu.memref_squeeze %dma_start3A_485 : memref<1x1x8x64xi32, #tpu.memory_space<hbm>> -> memref<8x64xi32, #tpu.memory_space<hbm>>
        %dma_start3A_487 = arith.constant 0 : i32
        %dma_start3A_488 = arith.constant 0 : i32
        %dma_start3A_489 = tpu.memref_slice %arg7[%sub3A_478, %dma_start3A_487, %dma_start3A_488] : memref<2x8x64xi32, #tpu.memory_space<vmem>> -> memref<1x8x64xi32, #tpu.memory_space<vmem>>
        %dma_start3A_490 = tpu.memref_squeeze %dma_start3A_489 : memref<1x8x64xi32, #tpu.memory_space<vmem>> -> memref<8x64xi32, #tpu.memory_space<vmem>>
        %dma_start3A_491 = arith.constant 0 : i32
        %dma_start3A_492 = arith.constant 0 : i32
        %dma_start3A_493 = tpu.memref_slice %arg3[%add3A, %add3A_476, %dma_start3A_491, %dma_start3A_492] : memref<32x20x8x64xi32, #tpu.memory_space<hbm>> -> memref<1x1x8x64xi32, #tpu.memory_space<hbm>>
        %dma_start3A_494 = tpu.memref_squeeze %dma_start3A_493 : memref<1x1x8x64xi32, #tpu.memory_space<hbm>> -> memref<8x64xi32, #tpu.memory_space<hbm>>
        tpu.enqueue_dma source(%dma_start3A_494 : memref<8x64xi32, #tpu.memory_space<hbm>>) target(%dma_start3A_490 : memref<8x64xi32, #tpu.memory_space<vmem>>) target_semaphore(%arg17 : memref<!tpu.dma_semaphore, #tpu.memory_space<semaphore_mem>>)
        %add3A_495 = arith.constant 1 : i32
        %add3A_496 = arith.addi %select_n3A, %add3A_495 : i32
        %sub3A_497 = arith.constant 1 : i32
        %sub3A_498 = arith.subi %sub3A_497, %rem3A_345 : i32
        %dma_start3A_499 = arith.constant 0 : i32
        %dma_start3A_500 = arith.constant 0 : i32
        %dma_start3A_501 = tpu.memref_slice %arg8[%sub3A_498, %dma_start3A_499, %dma_start3A_500] : memref<2x8x64xi32, #tpu.memory_space<vmem>> -> memref<1x8x64xi32, #tpu.memory_space<vmem>>
        %dma_start3A_502 = tpu.memref_squeeze %dma_start3A_501 : memref<1x8x64xi32, #tpu.memory_space<vmem>> -> memref<8x64xi32, #tpu.memory_space<vmem>>
        %dma_start3A_503 = arith.constant 0 : i32
        %dma_start3A_504 = arith.constant 0 : i32
        %dma_start3A_505 = tpu.memref_slice %arg4[%add3A, %add3A_496, %dma_start3A_503, %dma_start3A_504] : memref<32x20x8x64xi32, #tpu.memory_space<hbm>> -> memref<1x1x8x64xi32, #tpu.memory_space<hbm>>
        %dma_start3A_506 = tpu.memref_squeeze %dma_start3A_505 : memref<1x1x8x64xi32, #tpu.memory_space<hbm>> -> memref<8x64xi32, #tpu.memory_space<hbm>>
        %dma_start3A_507 = arith.constant 0 : i32
        %dma_start3A_508 = arith.constant 0 : i32
        %dma_start3A_509 = tpu.memref_slice %arg8[%sub3A_498, %dma_start3A_507, %dma_start3A_508] : memref<2x8x64xi32, #tpu.memory_space<vmem>> -> memref<1x8x64xi32, #tpu.memory_space<vmem>>
        %dma_start3A_510 = tpu.memref_squeeze %dma_start3A_509 : memref<1x8x64xi32, #tpu.memory_space<vmem>> -> memref<8x64xi32, #tpu.memory_space<vmem>>
        %dma_start3A_511 = arith.constant 0 : i32
        %dma_start3A_512 = arith.constant 0 : i32
        %dma_start3A_513 = tpu.memref_slice %arg4[%add3A, %add3A_496, %dma_start3A_511, %dma_start3A_512] : memref<32x20x8x64xi32, #tpu.memory_space<hbm>> -> memref<1x1x8x64xi32, #tpu.memory_space<hbm>>
        %dma_start3A_514 = tpu.memref_squeeze %dma_start3A_513 : memref<1x1x8x64xi32, #tpu.memory_space<hbm>> -> memref<8x64xi32, #tpu.memory_space<hbm>>
        tpu.enqueue_dma source(%dma_start3A_514 : memref<8x64xi32, #tpu.memory_space<hbm>>) target(%dma_start3A_510 : memref<8x64xi32, #tpu.memory_space<vmem>>) target_semaphore(%arg17 : memref<!tpu.dma_semaphore, #tpu.memory_space<semaphore_mem>>)
      } else {
      }
      %lt3A_413 = arith.constant 160 : i32
      %lt3A_414 = arith.cmpi slt, %scan3A_318, %lt3A_413 : i32
      %eq3A_415 = arith.constant 0 : i32
      %eq3A_416 = arith.cmpi eq, %rem3A_320, %eq3A_415 : i32
      %and3A_417 = arith.andi %lt3A_414, %eq3A_416 : i1
      %convert_element_type3A_418 = arith.extui %and3A_417 : i1 to i32
      %cond3A_419 = arith.constant 0 : i32
      %cond3A_420 = arith.cmpi ne, %convert_element_type3A_418, %cond3A_419 : i32
      scf.if %cond3A_420 {
        %dma_start3A_475 = arith.constant 0 : i32
        %dma_start3A_476 = arith.constant 0 : i32
        %dma_start3A_477 = arith.constant 0 : i32
        %dma_start3A_478 = tpu.memref_slice %arg9[%dma_start3A_475, %dma_start3A_476, %dma_start3A_477] : memref<3x64x128xf32, #tpu.memory_space<vmem>> -> memref<1x64x128xf32, #tpu.memory_space<vmem>>
        %dma_start3A_479 = tpu.memref_squeeze %dma_start3A_478 : memref<1x64x128xf32, #tpu.memory_space<vmem>> -> memref<64x128xf32, #tpu.memory_space<vmem>>
        %dma_start3A_480 = arith.constant 0 : i32
        %dma_start3A_481 = tpu.memref_slice %arg7[%rem3A_345, %rem3A_343, %dma_start3A_480] : memref<2x8x64xi32, #tpu.memory_space<vmem>> -> memref<1x1x64xi32, #tpu.memory_space<vmem>>
        %dma_start3A_482 = tpu.memref_squeeze %dma_start3A_481 : memref<1x1x64xi32, #tpu.memory_space<vmem>> -> memref<64xi32, #tpu.memory_space<vmem>>
        %dma_start3A_483 = arith.constant 0 : i32
        %dma_start3A_484 = arith.constant 0 : i32
        %dma_start3A_485 = tpu.memref_slice %arg2[%dma_start3A_483, %dma_start3A_484] : memref<10000x128xf32, #tpu.memory_space<hbm>> -> memref<10000x128xf32, #tpu.memory_space<hbm>>
        tpu.enqueue_indirect_dma source(%dma_start3A_485 : memref<10000x128xf32, #tpu.memory_space<hbm>>) target(%dma_start3A_479 : memref<64x128xf32, #tpu.memory_space<vmem>>) offsets(%dma_start3A_482 : memref<64xi32, #tpu.memory_space<vmem>>) semaphore(%arg11 : memref<!tpu.dma_semaphore, #tpu.memory_space<semaphore_mem>>)
      } else {
      }
      %lt3A_421 = arith.constant 160 : i32
      %lt3A_422 = arith.cmpi slt, %scan3A_318, %lt3A_421 : i32
      %eq3A_423 = arith.constant 1 : i32
      %eq3A_424 = arith.cmpi eq, %rem3A_320, %eq3A_423 : i32
      %and3A_425 = arith.andi %lt3A_422, %eq3A_424 : i1
      %convert_element_type3A_426 = arith.extui %and3A_425 : i1 to i32
      %cond3A_427 = arith.constant 0 : i32
      %cond3A_428 = arith.cmpi ne, %convert_element_type3A_426, %cond3A_427 : i32
      scf.if %cond3A_428 {
        %dma_start3A_475 = arith.constant 1 : i32
        %dma_start3A_476 = arith.constant 0 : i32
        %dma_start3A_477 = arith.constant 0 : i32
        %dma_start3A_478 = tpu.memref_slice %arg9[%dma_start3A_475, %dma_start3A_476, %dma_start3A_477] : memref<3x64x128xf32, #tpu.memory_space<vmem>> -> memref<1x64x128xf32, #tpu.memory_space<vmem>>
        %dma_start3A_479 = tpu.memref_squeeze %dma_start3A_478 : memref<1x64x128xf32, #tpu.memory_space<vmem>> -> memref<64x128xf32, #tpu.memory_space<vmem>>
        %dma_start3A_480 = arith.constant 0 : i32
        %dma_start3A_481 = tpu.memref_slice %arg7[%rem3A_345, %rem3A_343, %dma_start3A_480] : memref<2x8x64xi32, #tpu.memory_space<vmem>> -> memref<1x1x64xi32, #tpu.memory_space<vmem>>
        %dma_start3A_482 = tpu.memref_squeeze %dma_start3A_481 : memref<1x1x64xi32, #tpu.memory_space<vmem>> -> memref<64xi32, #tpu.memory_space<vmem>>
        %dma_start3A_483 = arith.constant 0 : i32
        %dma_start3A_484 = arith.constant 0 : i32
        %dma_start3A_485 = tpu.memref_slice %arg2[%dma_start3A_483, %dma_start3A_484] : memref<10000x128xf32, #tpu.memory_space<hbm>> -> memref<10000x128xf32, #tpu.memory_space<hbm>>
        tpu.enqueue_indirect_dma source(%dma_start3A_485 : memref<10000x128xf32, #tpu.memory_space<hbm>>) target(%dma_start3A_479 : memref<64x128xf32, #tpu.memory_space<vmem>>) offsets(%dma_start3A_482 : memref<64xi32, #tpu.memory_space<vmem>>) semaphore(%arg12 : memref<!tpu.dma_semaphore, #tpu.memory_space<semaphore_mem>>)
      } else {
      }
      %lt3A_429 = arith.constant 160 : i32
      %lt3A_430 = arith.cmpi slt, %scan3A_318, %lt3A_429 : i32
      %eq3A_431 = arith.constant 2 : i32
      %eq3A_432 = arith.cmpi eq, %rem3A_320, %eq3A_431 : i32
      %and3A_433 = arith.andi %lt3A_430, %eq3A_432 : i1
      %convert_element_type3A_434 = arith.extui %and3A_433 : i1 to i32
      %cond3A_435 = arith.constant 0 : i32
      %cond3A_436 = arith.cmpi ne, %convert_element_type3A_434, %cond3A_435 : i32
      scf.if %cond3A_436 {
        %dma_start3A_475 = arith.constant 2 : i32
        %dma_start3A_476 = arith.constant 0 : i32
        %dma_start3A_477 = arith.constant 0 : i32
        %dma_start3A_478 = tpu.memref_slice %arg9[%dma_start3A_475, %dma_start3A_476, %dma_start3A_477] : memref<3x64x128xf32, #tpu.memory_space<vmem>> -> memref<1x64x128xf32, #tpu.memory_space<vmem>>
        %dma_start3A_479 = tpu.memref_squeeze %dma_start3A_478 : memref<1x64x128xf32, #tpu.memory_space<vmem>> -> memref<64x128xf32, #tpu.memory_space<vmem>>
        %dma_start3A_480 = arith.constant 0 : i32
        %dma_start3A_481 = tpu.memref_slice %arg7[%rem3A_345, %rem3A_343, %dma_start3A_480] : memref<2x8x64xi32, #tpu.memory_space<vmem>> -> memref<1x1x64xi32, #tpu.memory_space<vmem>>
        %dma_start3A_482 = tpu.memref_squeeze %dma_start3A_481 : memref<1x1x64xi32, #tpu.memory_space<vmem>> -> memref<64xi32, #tpu.memory_space<vmem>>
        %dma_start3A_483 = arith.constant 0 : i32
        %dma_start3A_484 = arith.constant 0 : i32
        %dma_start3A_485 = tpu.memref_slice %arg2[%dma_start3A_483, %dma_start3A_484] : memref<10000x128xf32, #tpu.memory_space<hbm>> -> memref<10000x128xf32, #tpu.memory_space<hbm>>
        tpu.enqueue_indirect_dma source(%dma_start3A_485 : memref<10000x128xf32, #tpu.memory_space<hbm>>) target(%dma_start3A_479 : memref<64x128xf32, #tpu.memory_space<vmem>>) offsets(%dma_start3A_482 : memref<64xi32, #tpu.memory_space<vmem>>) semaphore(%arg13 : memref<!tpu.dma_semaphore, #tpu.memory_space<semaphore_mem>>)
      } else {
      }
      %ge3A_437 = arith.constant 2 : i32
      %ge3A_438 = arith.cmpi sge, %scan3A_318, %ge3A_437 : i32
      %eq3A_439 = arith.constant 0 : i32
      %eq3A_440 = arith.cmpi eq, %rem3A_324, %eq3A_439 : i32
      %and3A_441 = arith.andi %ge3A_438, %eq3A_440 : i1
      %convert_element_type3A_442 = arith.extui %and3A_441 : i1 to i32
      %cond3A_443 = arith.constant 0 : i32
      %cond3A_444 = arith.cmpi ne, %convert_element_type3A_442, %cond3A_443 : i32
      scf.if %cond3A_444 {
        %dma_wait3A_475 = arith.constant 0 : i32
        %dma_wait3A_476 = arith.constant 0 : i32
        %dma_wait3A_477 = arith.constant 0 : i32
        %dma_wait3A_478 = arith.constant 0 : i32
        %dma_wait3A_479 = arith.constant 0 : i32
        %dma_wait3A_480 = tpu.memref_slice %arg9[%dma_wait3A_477, %dma_wait3A_478, %dma_wait3A_479] : memref<3x64x128xf32, #tpu.memory_space<vmem>> -> memref<1x64x128xf32, #tpu.memory_space<vmem>>
        %dma_wait3A_481 = tpu.memref_squeeze %dma_wait3A_480 : memref<1x64x128xf32, #tpu.memory_space<vmem>> -> memref<64x128xf32, #tpu.memory_space<vmem>>
        %dma_wait3A_482 = arith.constant 0 : i32
        %dma_wait3A_483 = tpu.memref_slice %arg7[%dma_wait3A_475, %dma_wait3A_476, %dma_wait3A_482] : memref<2x8x64xi32, #tpu.memory_space<vmem>> -> memref<1x1x64xi32, #tpu.memory_space<vmem>>
        %dma_wait3A_484 = tpu.memref_squeeze %dma_wait3A_483 : memref<1x1x64xi32, #tpu.memory_space<vmem>> -> memref<64xi32, #tpu.memory_space<vmem>>
        %dma_wait3A_485 = arith.constant 0 : i32
        %dma_wait3A_486 = arith.constant 0 : i32
        %dma_wait3A_487 = tpu.memref_slice %arg2[%dma_wait3A_485, %dma_wait3A_486] : memref<10000x128xf32, #tpu.memory_space<hbm>> -> memref<10000x128xf32, #tpu.memory_space<hbm>>
        tpu.wait_indirect_dma semaphore(%arg11 : memref<!tpu.dma_semaphore, #tpu.memory_space<semaphore_mem>>) src(%dma_wait3A_487 : memref<10000x128xf32, #tpu.memory_space<hbm>>) dst(%dma_wait3A_481 : memref<64x128xf32, #tpu.memory_space<vmem>>)
        %dma_start3A_488 = arith.constant 0 : i32
        %dma_start3A_489 = arith.constant 0 : i32
        %dma_start3A_490 = arith.constant 0 : i32
        %dma_start3A_491 = tpu.memref_slice %arg9[%dma_start3A_488, %dma_start3A_489, %dma_start3A_490] : memref<3x64x128xf32, #tpu.memory_space<vmem>> -> memref<1x64x128xf32, #tpu.memory_space<vmem>>
        %dma_start3A_492 = tpu.memref_squeeze %dma_start3A_491 : memref<1x64x128xf32, #tpu.memory_space<vmem>> -> memref<64x128xf32, #tpu.memory_space<vmem>>
        %dma_start3A_493 = arith.constant 0 : i32
        %dma_start3A_494 = tpu.memref_slice %arg8[%rem3A_377, %rem3A_349, %dma_start3A_493] : memref<2x8x64xi32, #tpu.memory_space<vmem>> -> memref<1x1x64xi32, #tpu.memory_space<vmem>>
        %dma_start3A_495 = tpu.memref_squeeze %dma_start3A_494 : memref<1x1x64xi32, #tpu.memory_space<vmem>> -> memref<64xi32, #tpu.memory_space<vmem>>
        %dma_start3A_496 = arith.constant 0 : i32
        %dma_start3A_497 = arith.constant 0 : i32
        %dma_start3A_498 = tpu.memref_slice %arg10[%dma_start3A_496, %dma_start3A_497] : memref<10112x128xf32, #tpu.memory_space<vmem_shared>> -> memref<10112x128xf32, #tpu.memory_space<vmem_shared>>
        tpu.enqueue_indirect_dma source(%dma_start3A_492 : memref<64x128xf32, #tpu.memory_space<vmem>>) target(%dma_start3A_498 : memref<10112x128xf32, #tpu.memory_space<vmem_shared>>) offsets(%dma_start3A_495 : memref<64xi32, #tpu.memory_space<vmem>>) semaphore(%arg14 : memref<!tpu.dma_semaphore, #tpu.memory_space<semaphore_mem>>) {add = true}
      } else {
      }
      %ge3A_445 = arith.constant 2 : i32
      %ge3A_446 = arith.cmpi sge, %scan3A_318, %ge3A_445 : i32
      %eq3A_447 = arith.constant 1 : i32
      %eq3A_448 = arith.cmpi eq, %rem3A_324, %eq3A_447 : i32
      %and3A_449 = arith.andi %ge3A_446, %eq3A_448 : i1
      %convert_element_type3A_450 = arith.extui %and3A_449 : i1 to i32
      %cond3A_451 = arith.constant 0 : i32
      %cond3A_452 = arith.cmpi ne, %convert_element_type3A_450, %cond3A_451 : i32
      scf.if %cond3A_452 {
        %dma_wait3A_475 = arith.constant 0 : i32
        %dma_wait3A_476 = arith.constant 0 : i32
        %dma_wait3A_477 = arith.constant 0 : i32
        %dma_wait3A_478 = arith.constant 0 : i32
        %dma_wait3A_479 = arith.constant 0 : i32
        %dma_wait3A_480 = tpu.memref_slice %arg9[%dma_wait3A_477, %dma_wait3A_478, %dma_wait3A_479] : memref<3x64x128xf32, #tpu.memory_space<vmem>> -> memref<1x64x128xf32, #tpu.memory_space<vmem>>
        %dma_wait3A_481 = tpu.memref_squeeze %dma_wait3A_480 : memref<1x64x128xf32, #tpu.memory_space<vmem>> -> memref<64x128xf32, #tpu.memory_space<vmem>>
        %dma_wait3A_482 = arith.constant 0 : i32
        %dma_wait3A_483 = tpu.memref_slice %arg7[%dma_wait3A_475, %dma_wait3A_476, %dma_wait3A_482] : memref<2x8x64xi32, #tpu.memory_space<vmem>> -> memref<1x1x64xi32, #tpu.memory_space<vmem>>
        %dma_wait3A_484 = tpu.memref_squeeze %dma_wait3A_483 : memref<1x1x64xi32, #tpu.memory_space<vmem>> -> memref<64xi32, #tpu.memory_space<vmem>>
        %dma_wait3A_485 = arith.constant 0 : i32
        %dma_wait3A_486 = arith.constant 0 : i32
        %dma_wait3A_487 = tpu.memref_slice %arg2[%dma_wait3A_485, %dma_wait3A_486] : memref<10000x128xf32, #tpu.memory_space<hbm>> -> memref<10000x128xf32, #tpu.memory_space<hbm>>
        tpu.wait_indirect_dma semaphore(%arg12 : memref<!tpu.dma_semaphore, #tpu.memory_space<semaphore_mem>>) src(%dma_wait3A_487 : memref<10000x128xf32, #tpu.memory_space<hbm>>) dst(%dma_wait3A_481 : memref<64x128xf32, #tpu.memory_space<vmem>>)
        %dma_start3A_488 = arith.constant 1 : i32
        %dma_start3A_489 = arith.constant 0 : i32
        %dma_start3A_490 = arith.constant 0 : i32
        %dma_start3A_491 = tpu.memref_slice %arg9[%dma_start3A_488, %dma_start3A_489, %dma_start3A_490] : memref<3x64x128xf32, #tpu.memory_space<vmem>> -> memref<1x64x128xf32, #tpu.memory_space<vmem>>
        %dma_start3A_492 = tpu.memref_squeeze %dma_start3A_491 : memref<1x64x128xf32, #tpu.memory_space<vmem>> -> memref<64x128xf32, #tpu.memory_space<vmem>>
        %dma_start3A_493 = arith.constant 0 : i32
        %dma_start3A_494 = tpu.memref_slice %arg8[%rem3A_377, %rem3A_349, %dma_start3A_493] : memref<2x8x64xi32, #tpu.memory_space<vmem>> -> memref<1x1x64xi32, #tpu.memory_space<vmem>>
        %dma_start3A_495 = tpu.memref_squeeze %dma_start3A_494 : memref<1x1x64xi32, #tpu.memory_space<vmem>> -> memref<64xi32, #tpu.memory_space<vmem>>
        %dma_start3A_496 = arith.constant 0 : i32
        %dma_start3A_497 = arith.constant 0 : i32
        %dma_start3A_498 = tpu.memref_slice %arg10[%dma_start3A_496, %dma_start3A_497] : memref<10112x128xf32, #tpu.memory_space<vmem_shared>> -> memref<10112x128xf32, #tpu.memory_space<vmem_shared>>
        tpu.enqueue_indirect_dma source(%dma_start3A_492 : memref<64x128xf32, #tpu.memory_space<vmem>>) target(%dma_start3A_498 : memref<10112x128xf32, #tpu.memory_space<vmem_shared>>) offsets(%dma_start3A_495 : memref<64xi32, #tpu.memory_space<vmem>>) semaphore(%arg15 : memref<!tpu.dma_semaphore, #tpu.memory_space<semaphore_mem>>) {add = true}
      } else {
      }
      %ge3A_453 = arith.constant 2 : i32
      %ge3A_454 = arith.cmpi sge, %scan3A_318, %ge3A_453 : i32
      %eq3A_455 = arith.constant 2 : i32
      %eq3A_456 = arith.cmpi eq, %rem3A_324, %eq3A_455 : i32
      %and3A_457 = arith.andi %ge3A_454, %eq3A_456 : i1
      %convert_element_type3A_458 = arith.extui %and3A_457 : i1 to i32
      %cond3A_459 = arith.constant 0 : i32
      %cond3A_460 = arith.cmpi ne, %convert_element_type3A_458, %cond3A_459 : i32
      scf.if %cond3A_460 {
        %dma_wait3A_475 = arith.constant 0 : i32
        %dma_wait3A_476 = arith.constant 0 : i32
        %dma_wait3A_477 = arith.constant 0 : i32
        %dma_wait3A_478 = arith.constant 0 : i32
        %dma_wait3A_479 = arith.constant 0 : i32
        %dma_wait3A_480 = tpu.memref_slice %arg9[%dma_wait3A_477, %dma_wait3A_478, %dma_wait3A_479] : memref<3x64x128xf32, #tpu.memory_space<vmem>> -> memref<1x64x128xf32, #tpu.memory_space<vmem>>
        %dma_wait3A_481 = tpu.memref_squeeze %dma_wait3A_480 : memref<1x64x128xf32, #tpu.memory_space<vmem>> -> memref<64x128xf32, #tpu.memory_space<vmem>>
        %dma_wait3A_482 = arith.constant 0 : i32
        %dma_wait3A_483 = tpu.memref_slice %arg7[%dma_wait3A_475, %dma_wait3A_476, %dma_wait3A_482] : memref<2x8x64xi32, #tpu.memory_space<vmem>> -> memref<1x1x64xi32, #tpu.memory_space<vmem>>
        %dma_wait3A_484 = tpu.memref_squeeze %dma_wait3A_483 : memref<1x1x64xi32, #tpu.memory_space<vmem>> -> memref<64xi32, #tpu.memory_space<vmem>>
        %dma_wait3A_485 = arith.constant 0 : i32
        %dma_wait3A_486 = arith.constant 0 : i32
        %dma_wait3A_487 = tpu.memref_slice %arg2[%dma_wait3A_485, %dma_wait3A_486] : memref<10000x128xf32, #tpu.memory_space<hbm>> -> memref<10000x128xf32, #tpu.memory_space<hbm>>
        tpu.wait_indirect_dma semaphore(%arg13 : memref<!tpu.dma_semaphore, #tpu.memory_space<semaphore_mem>>) src(%dma_wait3A_487 : memref<10000x128xf32, #tpu.memory_space<hbm>>) dst(%dma_wait3A_481 : memref<64x128xf32, #tpu.memory_space<vmem>>)
        %dma_start3A_488 = arith.constant 2 : i32
        %dma_start3A_489 = arith.constant 0 : i32
        %dma_start3A_490 = arith.constant 0 : i32
        %dma_start3A_491 = tpu.memref_slice %arg9[%dma_start3A_488, %dma_start3A_489, %dma_start3A_490] : memref<3x64x128xf32, #tpu.memory_space<vmem>> -> memref<1x64x128xf32, #tpu.memory_space<vmem>>
        %dma_start3A_492 = tpu.memref_squeeze %dma_start3A_491 : memref<1x64x128xf32, #tpu.memory_space<vmem>> -> memref<64x128xf32, #tpu.memory_space<vmem>>
        %dma_start3A_493 = arith.constant 0 : i32
        %dma_start3A_494 = tpu.memref_slice %arg8[%rem3A_377, %rem3A_349, %dma_start3A_493] : memref<2x8x64xi32, #tpu.memory_space<vmem>> -> memref<1x1x64xi32, #tpu.memory_space<vmem>>
        %dma_start3A_495 = tpu.memref_squeeze %dma_start3A_494 : memref<1x1x64xi32, #tpu.memory_space<vmem>> -> memref<64xi32, #tpu.memory_space<vmem>>
        %dma_start3A_496 = arith.constant 0 : i32
        %dma_start3A_497 = arith.constant 0 : i32
        %dma_start3A_498 = tpu.memref_slice %arg10[%dma_start3A_496, %dma_start3A_497] : memref<10112x128xf32, #tpu.memory_space<vmem_shared>> -> memref<10112x128xf32, #tpu.memory_space<vmem_shared>>
        tpu.enqueue_indirect_dma source(%dma_start3A_492 : memref<64x128xf32, #tpu.memory_space<vmem>>) target(%dma_start3A_498 : memref<10112x128xf32, #tpu.memory_space<vmem_shared>>) offsets(%dma_start3A_495 : memref<64xi32, #tpu.memory_space<vmem>>) semaphore(%arg16 : memref<!tpu.dma_semaphore, #tpu.memory_space<semaphore_mem>>) {add = true}
      } else {
      }
      %eq3A_461 = arith.constant 7 : i32
      %eq3A_462 = arith.cmpi eq, %rem3A_343, %eq3A_461 : i32
      %add3A_463 = arith.constant 1 : i32
      %add3A_464 = arith.addi %select_n3A, %add3A_463 : i32
      %lt3A_465 = arith.constant 20 : i32
      %lt3A_466 = arith.cmpi slt, %add3A_464, %lt3A_465 : i32
      %lt3A_467 = arith.constant 160 : i32
      %lt3A_468 = arith.cmpi slt, %scan3A_318, %lt3A_467 : i32
      %and3A_469 = arith.andi %lt3A_466, %lt3A_468 : i1
      %and3A_470 = arith.andi %eq3A_462, %and3A_469 : i1
      %convert_element_type3A_471 = arith.extui %and3A_470 : i1 to i32
      %cond3A_472 = arith.constant 0 : i32
      %cond3A_473 = arith.cmpi ne, %convert_element_type3A_471, %cond3A_472 : i32
      scf.if %cond3A_473 {
        %dma_wait3A_475 = arith.constant 0 : i32
        %dma_wait3A_476 = arith.constant 0 : i32
        %dma_wait3A_477 = arith.constant 0 : i32
        %dma_wait3A_478 = arith.constant 0 : i32
        %dma_wait3A_479 = tpu.memref_slice %arg7[%dma_wait3A_476, %dma_wait3A_477, %dma_wait3A_478] : memref<2x8x64xi32, #tpu.memory_space<vmem>> -> memref<1x8x64xi32, #tpu.memory_space<vmem>>
        %dma_wait3A_480 = tpu.memref_squeeze %dma_wait3A_479 : memref<1x8x64xi32, #tpu.memory_space<vmem>> -> memref<8x64xi32, #tpu.memory_space<vmem>>
        %dma_wait3A_481 = arith.constant 0 : i32
        %dma_wait3A_482 = arith.constant 0 : i32
        %dma_wait3A_483 = tpu.memref_slice %arg3[%add3A, %dma_wait3A_475, %dma_wait3A_481, %dma_wait3A_482] : memref<32x20x8x64xi32, #tpu.memory_space<hbm>> -> memref<1x1x8x64xi32, #tpu.memory_space<hbm>>
        %dma_wait3A_484 = tpu.memref_squeeze %dma_wait3A_483 : memref<1x1x8x64xi32, #tpu.memory_space<hbm>> -> memref<8x64xi32, #tpu.memory_space<hbm>>
        %dma_wait3A_485 = arith.constant 0 : i32
        %dma_wait3A_486 = arith.constant 0 : i32
        %dma_wait3A_487 = tpu.memref_slice %arg7[%dma_wait3A_476, %dma_wait3A_485, %dma_wait3A_486] : memref<2x8x64xi32, #tpu.memory_space<vmem>> -> memref<1x8x64xi32, #tpu.memory_space<vmem>>
        %dma_wait3A_488 = tpu.memref_squeeze %dma_wait3A_487 : memref<1x8x64xi32, #tpu.memory_space<vmem>> -> memref<8x64xi32, #tpu.memory_space<vmem>>
        %dma_wait3A_489 = arith.constant 0 : i32
        %dma_wait3A_490 = arith.constant 0 : i32
        %dma_wait3A_491 = tpu.memref_slice %arg3[%add3A, %dma_wait3A_475, %dma_wait3A_489, %dma_wait3A_490] : memref<32x20x8x64xi32, #tpu.memory_space<hbm>> -> memref<1x1x8x64xi32, #tpu.memory_space<hbm>>
        %dma_wait3A_492 = tpu.memref_squeeze %dma_wait3A_491 : memref<1x1x8x64xi32, #tpu.memory_space<hbm>> -> memref<8x64xi32, #tpu.memory_space<hbm>>
        tpu.wait_dma2 semaphore(%arg17 : memref<!tpu.dma_semaphore, #tpu.memory_space<semaphore_mem>>) src(%dma_wait3A_492 : memref<8x64xi32, #tpu.memory_space<hbm>>) dst(%dma_wait3A_488 : memref<8x64xi32, #tpu.memory_space<vmem>>)
        %dma_wait3A_493 = arith.constant 0 : i32
        %dma_wait3A_494 = arith.constant 0 : i32
        %dma_wait3A_495 = arith.constant 0 : i32
        %dma_wait3A_496 = arith.constant 0 : i32
        %dma_wait3A_497 = tpu.memref_slice %arg8[%dma_wait3A_494, %dma_wait3A_495, %dma_wait3A_496] : memref<2x8x64xi32, #tpu.memory_space<vmem>> -> memref<1x8x64xi32, #tpu.memory_space<vmem>>
        %dma_wait3A_498 = tpu.memref_squeeze %dma_wait3A_497 : memref<1x8x64xi32, #tpu.memory_space<vmem>> -> memref<8x64xi32, #tpu.memory_space<vmem>>
        %dma_wait3A_499 = arith.constant 0 : i32
        %dma_wait3A_500 = arith.constant 0 : i32
        %dma_wait3A_501 = tpu.memref_slice %arg4[%add3A, %dma_wait3A_493, %dma_wait3A_499, %dma_wait3A_500] : memref<32x20x8x64xi32, #tpu.memory_space<hbm>> -> memref<1x1x8x64xi32, #tpu.memory_space<hbm>>
        %dma_wait3A_502 = tpu.memref_squeeze %dma_wait3A_501 : memref<1x1x8x64xi32, #tpu.memory_space<hbm>> -> memref<8x64xi32, #tpu.memory_space<hbm>>
        %dma_wait3A_503 = arith.constant 0 : i32
        %dma_wait3A_504 = arith.constant 0 : i32
        %dma_wait3A_505 = tpu.memref_slice %arg8[%dma_wait3A_494, %dma_wait3A_503, %dma_wait3A_504] : memref<2x8x64xi32, #tpu.memory_space<vmem>> -> memref<1x8x64xi32, #tpu.memory_space<vmem>>
        %dma_wait3A_506 = tpu.memref_squeeze %dma_wait3A_505 : memref<1x8x64xi32, #tpu.memory_space<vmem>> -> memref<8x64xi32, #tpu.memory_space<vmem>>
        %dma_wait3A_507 = arith.constant 0 : i32
        %dma_wait3A_508 = arith.constant 0 : i32
        %dma_wait3A_509 = tpu.memref_slice %arg4[%add3A, %dma_wait3A_493, %dma_wait3A_507, %dma_wait3A_508] : memref<32x20x8x64xi32, #tpu.memory_space<hbm>> -> memref<1x1x8x64xi32, #tpu.memory_space<hbm>>
        %dma_wait3A_510 = tpu.memref_squeeze %dma_wait3A_509 : memref<1x1x8x64xi32, #tpu.memory_space<hbm>> -> memref<8x64xi32, #tpu.memory_space<hbm>>
        tpu.wait_dma2 semaphore(%arg17 : memref<!tpu.dma_semaphore, #tpu.memory_space<semaphore_mem>>) src(%dma_wait3A_510 : memref<8x64xi32, #tpu.memory_space<hbm>>) dst(%dma_wait3A_506 : memref<8x64xi32, #tpu.memory_space<vmem>>)
      } else {
      }
      %scan3A_474 = arith.constant 0 : i32
      scf.yield %scan3A_474 : i32
    }
    %scan3A_296 = arith.constant 162 : i32
    %dma_wait3A_297 = arith.constant 0 : i32
    %dma_wait3A_298 = arith.constant 0 : i32
    %dma_wait3A_299 = arith.constant 0 : i32
    %dma_wait3A_300 = arith.constant 0 : i32
    %dma_wait3A_301 = arith.constant 0 : i32
    %dma_wait3A_302 = tpu.memref_slice %arg9[%dma_wait3A_297, %dma_wait3A_300, %dma_wait3A_301] : memref<3x64x128xf32, #tpu.memory_space<vmem>> -> memref<1x64x128xf32, #tpu.memory_space<vmem>>
    %dma_wait3A_303 = tpu.memref_squeeze %dma_wait3A_302 : memref<1x64x128xf32, #tpu.memory_space<vmem>> -> memref<64x128xf32, #tpu.memory_space<vmem>>
    %dma_wait3A_304 = arith.constant 0 : i32
    %dma_wait3A_305 = tpu.memref_slice %arg8[%dma_wait3A_298, %dma_wait3A_299, %dma_wait3A_304] : memref<2x8x64xi32, #tpu.memory_space<vmem>> -> memref<1x1x64xi32, #tpu.memory_space<vmem>>
    %dma_wait3A_306 = tpu.memref_squeeze %dma_wait3A_305 : memref<1x1x64xi32, #tpu.memory_space<vmem>> -> memref<64xi32, #tpu.memory_space<vmem>>
    %dma_wait3A_307 = arith.constant 0 : i32
    %dma_wait3A_308 = arith.constant 0 : i32
    %dma_wait3A_309 = tpu.memref_slice %arg10[%dma_wait3A_307, %dma_wait3A_308] : memref<10112x128xf32, #tpu.memory_space<vmem_shared>> -> memref<10112x128xf32, #tpu.memory_space<vmem_shared>>
    tpu.wait_indirect_dma semaphore(%arg14 : memref<!tpu.dma_semaphore, #tpu.memory_space<semaphore_mem>>) src(%dma_wait3A_303 : memref<64x128xf32, #tpu.memory_space<vmem>>) dst(%dma_wait3A_309 : memref<10112x128xf32, #tpu.memory_space<vmem_shared>>)
    %barrier3A_310 = arith.constant 0 : index
    tpu.barrier barrier_id(%barrier3A_310)
    %eq3A = arith.constant 0 : i32
    %eq3A_311 = arith.cmpi eq, %arg0, %eq3A : i32
    %convert_element_type3A = arith.extui %eq3A_311 : i1 to i32
    %cond3A = arith.constant 0 : i32
    %cond3A_312 = arith.cmpi ne, %convert_element_type3A, %cond3A : i32
    scf.if %cond3A_312 {
      %add3A_318 = arith.constant 0 : i32
      %add3A_319 = arith.addi %mul3A_8, %add3A_318 : i32
      %dma_start3A_320 = arith.constant 0 : i32
      %dma_start3A_321 = tpu.memref_slice %arg5[%add3A_319, %dma_start3A_320] : memref<10112x128xf32, #tpu.memory_space<hbm>> -> memref<64x128xf32, #tpu.memory_space<hbm>>
      %dma_start3A_322 = arith.constant 0 : i32
      %dma_start3A_323 = tpu.memref_slice %arg10[%add3A_319, %dma_start3A_322] : memref<10112x128xf32, #tpu.memory_space<vmem_shared>> -> memref<64x128xf32, #tpu.memory_space<vmem_shared>>
      tpu.enqueue_dma source(%dma_start3A_323 : memref<64x128xf32, #tpu.memory_space<vmem_shared>>) target(%dma_start3A_321 : memref<64x128xf32, #tpu.memory_space<hbm>>) target_semaphore(%arg11 : memref<!tpu.dma_semaphore, #tpu.memory_space<semaphore_mem>>)
      %add3A_324 = arith.constant 64 : i32
      %add3A_325 = arith.addi %mul3A_8, %add3A_324 : i32
      %dma_start3A_326 = arith.constant 0 : i32
      %dma_start3A_327 = tpu.memref_slice %arg5[%add3A_325, %dma_start3A_326] : memref<10112x128xf32, #tpu.memory_space<hbm>> -> memref<64x128xf32, #tpu.memory_space<hbm>>
      %dma_start3A_328 = arith.constant 0 : i32
      %dma_start3A_329 = tpu.memref_slice %arg10[%add3A_325, %dma_start3A_328] : memref<10112x128xf32, #tpu.memory_space<vmem_shared>> -> memref<64x128xf32, #tpu.memory_space<vmem_shared>>
      tpu.enqueue_dma source(%dma_start3A_329 : memref<64x128xf32, #tpu.memory_space<vmem_shared>>) target(%dma_start3A_327 : memref<64x128xf32, #tpu.memory_space<hbm>>) target_semaphore(%arg11 : memref<!tpu.dma_semaphore, #tpu.memory_space<semaphore_mem>>)
      %add3A_330 = arith.constant 128 : i32
      %add3A_331 = arith.addi %mul3A_8, %add3A_330 : i32
      %dma_start3A_332 = arith.constant 0 : i32
      %dma_start3A_333 = tpu.memref_slice %arg5[%add3A_331, %dma_start3A_332] : memref<10112x128xf32, #tpu.memory_space<hbm>> -> memref<64x128xf32, #tpu.memory_space<hbm>>
      %dma_start3A_334 = arith.constant 0 : i32
      %dma_start3A_335 = tpu.memref_slice %arg10[%add3A_331, %dma_start3A_334] : memref<10112x128xf32, #tpu.memory_space<vmem_shared>> -> memref<64x128xf32, #tpu.memory_space<vmem_shared>>
      tpu.enqueue_dma source(%dma_start3A_335 : memref<64x128xf32, #tpu.memory_space<vmem_shared>>) target(%dma_start3A_333 : memref<64x128xf32, #tpu.memory_space<hbm>>) target_semaphore(%arg11 : memref<!tpu.dma_semaphore, #tpu.memory_space<semaphore_mem>>)
      %add3A_336 = arith.constant 192 : i32
      %add3A_337 = arith.addi %mul3A_8, %add3A_336 : i32
      %dma_start3A_338 = arith.constant 0 : i32
      %dma_start3A_339 = tpu.memref_slice %arg5[%add3A_337, %dma_start3A_338] : memref<10112x128xf32, #tpu.memory_space<hbm>> -> memref<64x128xf32, #tpu.memory_space<hbm>>
      %dma_start3A_340 = arith.constant 0 : i32
      %dma_start3A_341 = tpu.memref_slice %arg10[%add3A_337, %dma_start3A_340] : memref<10112x128xf32, #tpu.memory_space<vmem_shared>> -> memref<64x128xf32, #tpu.memory_space<vmem_shared>>
      tpu.enqueue_dma source(%dma_start3A_341 : memref<64x128xf32, #tpu.memory_space<vmem_shared>>) target(%dma_start3A_339 : memref<64x128xf32, #tpu.memory_space<hbm>>) target_semaphore(%arg11 : memref<!tpu.dma_semaphore, #tpu.memory_space<semaphore_mem>>)
      %add3A_342 = arith.constant 256 : i32
      %add3A_343 = arith.addi %mul3A_8, %add3A_342 : i32
      %dma_start3A_344 = arith.constant 0 : i32
      %dma_start3A_345 = tpu.memref_slice %arg5[%add3A_343, %dma_start3A_344] : memref<10112x128xf32, #tpu.memory_space<hbm>> -> memref<64x128xf32, #tpu.memory_space<hbm>>
      %dma_start3A_346 = arith.constant 0 : i32
      %dma_start3A_347 = tpu.memref_slice %arg10[%add3A_343, %dma_start3A_346] : memref<10112x128xf32, #tpu.memory_space<vmem_shared>> -> memref<64x128xf32, #tpu.memory_space<vmem_shared>>
      tpu.enqueue_dma source(%dma_start3A_347 : memref<64x128xf32, #tpu.memory_space<vmem_shared>>) target(%dma_start3A_345 : memref<64x128xf32, #tpu.memory_space<hbm>>) target_semaphore(%arg11 : memref<!tpu.dma_semaphore, #tpu.memory_space<semaphore_mem>>)
      %add3A_348 = arith.constant 320 : i32
      %add3A_349 = arith.addi %mul3A_8, %add3A_348 : i32
      %dma_start3A_350 = arith.constant 0 : i32
      %dma_start3A_351 = tpu.memref_slice %arg5[%add3A_349, %dma_start3A_350] : memref<10112x128xf32, #tpu.memory_space<hbm>> -> memref<64x128xf32, #tpu.memory_space<hbm>>
      %dma_start3A_352 = arith.constant 0 : i32
      %dma_start3A_353 = tpu.memref_slice %arg10[%add3A_349, %dma_start3A_352] : memref<10112x128xf32, #tpu.memory_space<vmem_shared>> -> memref<64x128xf32, #tpu.memory_space<vmem_shared>>
      tpu.enqueue_dma source(%dma_start3A_353 : memref<64x128xf32, #tpu.memory_space<vmem_shared>>) target(%dma_start3A_351 : memref<64x128xf32, #tpu.memory_space<hbm>>) target_semaphore(%arg11 : memref<!tpu.dma_semaphore, #tpu.memory_space<semaphore_mem>>)
      %add3A_354 = arith.constant 384 : i32
      %add3A_355 = arith.addi %mul3A_8, %add3A_354 : i32
      %dma_start3A_356 = arith.constant 0 : i32
      %dma_start3A_357 = tpu.memref_slice %arg5[%add3A_355, %dma_start3A_356] : memref<10112x128xf32, #tpu.memory_space<hbm>> -> memref<64x128xf32, #tpu.memory_space<hbm>>
      %dma_start3A_358 = arith.constant 0 : i32
      %dma_start3A_359 = tpu.memref_slice %arg10[%add3A_355, %dma_start3A_358] : memref<10112x128xf32, #tpu.memory_space<vmem_shared>> -> memref<64x128xf32, #tpu.memory_space<vmem_shared>>
      tpu.enqueue_dma source(%dma_start3A_359 : memref<64x128xf32, #tpu.memory_space<vmem_shared>>) target(%dma_start3A_357 : memref<64x128xf32, #tpu.memory_space<hbm>>) target_semaphore(%arg11 : memref<!tpu.dma_semaphore, #tpu.memory_space<semaphore_mem>>)
      %add3A_360 = arith.constant 448 : i32
      %add3A_361 = arith.addi %mul3A_8, %add3A_360 : i32
      %dma_start3A_362 = arith.constant 0 : i32
      %dma_start3A_363 = tpu.memref_slice %arg5[%add3A_361, %dma_start3A_362] : memref<10112x128xf32, #tpu.memory_space<hbm>> -> memref<64x128xf32, #tpu.memory_space<hbm>>
      %dma_start3A_364 = arith.constant 0 : i32
      %dma_start3A_365 = tpu.memref_slice %arg10[%add3A_361, %dma_start3A_364] : memref<10112x128xf32, #tpu.memory_space<vmem_shared>> -> memref<64x128xf32, #tpu.memory_space<vmem_shared>>
      tpu.enqueue_dma source(%dma_start3A_365 : memref<64x128xf32, #tpu.memory_space<vmem_shared>>) target(%dma_start3A_363 : memref<64x128xf32, #tpu.memory_space<hbm>>) target_semaphore(%arg11 : memref<!tpu.dma_semaphore, #tpu.memory_space<semaphore_mem>>)
      %add3A_366 = arith.constant 512 : i32
      %add3A_367 = arith.addi %mul3A_8, %add3A_366 : i32
      %dma_start3A_368 = arith.constant 0 : i32
      %dma_start3A_369 = tpu.memref_slice %arg5[%add3A_367, %dma_start3A_368] : memref<10112x128xf32, #tpu.memory_space<hbm>> -> memref<64x128xf32, #tpu.memory_space<hbm>>
      %dma_start3A_370 = arith.constant 0 : i32
      %dma_start3A_371 = tpu.memref_slice %arg10[%add3A_367, %dma_start3A_370] : memref<10112x128xf32, #tpu.memory_space<vmem_shared>> -> memref<64x128xf32, #tpu.memory_space<vmem_shared>>
      tpu.enqueue_dma source(%dma_start3A_371 : memref<64x128xf32, #tpu.memory_space<vmem_shared>>) target(%dma_start3A_369 : memref<64x128xf32, #tpu.memory_space<hbm>>) target_semaphore(%arg11 : memref<!tpu.dma_semaphore, #tpu.memory_space<semaphore_mem>>)
      %add3A_372 = arith.constant 568 : i32
      %add3A_373 = arith.addi %mul3A_8, %add3A_372 : i32
      %dma_start3A_374 = arith.constant 0 : i32
      %dma_start3A_375 = tpu.memref_slice %arg5[%add3A_373, %dma_start3A_374] : memref<10112x128xf32, #tpu.memory_space<hbm>> -> memref<64x128xf32, #tpu.memory_space<hbm>>
      %dma_start3A_376 = arith.constant 0 : i32
      %dma_start3A_377 = tpu.memref_slice %arg10[%add3A_373, %dma_start3A_376] : memref<10112x128xf32, #tpu.memory_space<vmem_shared>> -> memref<64x128xf32, #tpu.memory_space<vmem_shared>>
      tpu.enqueue_dma source(%dma_start3A_377 : memref<64x128xf32, #tpu.memory_space<vmem_shared>>) target(%dma_start3A_375 : memref<64x128xf32, #tpu.memory_space<hbm>>) target_semaphore(%arg11 : memref<!tpu.dma_semaphore, #tpu.memory_space<semaphore_mem>>)
      %dma_wait3A_378 = arith.constant 0 : i32
      %dma_wait3A_379 = tpu.memref_slice %arg5[%mul3A_8, %dma_wait3A_378] : memref<10112x128xf32, #tpu.memory_space<hbm>> -> memref<64x128xf32, #tpu.memory_space<hbm>>
      %dma_wait3A_380 = arith.constant 0 : i32
      %dma_wait3A_381 = tpu.memref_slice %arg10[%mul3A_8, %dma_wait3A_380] : memref<10112x128xf32, #tpu.memory_space<vmem_shared>> -> memref<64x128xf32, #tpu.memory_space<vmem_shared>>
      tpu.wait_dma2 semaphore(%arg11 : memref<!tpu.dma_semaphore, #tpu.memory_space<semaphore_mem>>) src(%dma_wait3A_381 : memref<64x128xf32, #tpu.memory_space<vmem_shared>>) dst(%dma_wait3A_379 : memref<64x128xf32, #tpu.memory_space<hbm>>)
      %dma_wait3A_382 = arith.constant 0 : i32
      %dma_wait3A_383 = tpu.memref_slice %arg5[%mul3A_8, %dma_wait3A_382] : memref<10112x128xf32, #tpu.memory_space<hbm>> -> memref<64x128xf32, #tpu.memory_space<hbm>>
      %dma_wait3A_384 = arith.constant 0 : i32
      %dma_wait3A_385 = tpu.memref_slice %arg10[%mul3A_8, %dma_wait3A_384] : memref<10112x128xf32, #tpu.memory_space<vmem_shared>> -> memref<64x128xf32, #tpu.memory_space<vmem_shared>>
      tpu.wait_dma2 semaphore(%arg11 : memref<!tpu.dma_semaphore, #tpu.memory_space<semaphore_mem>>) src(%dma_wait3A_385 : memref<64x128xf32, #tpu.memory_space<vmem_shared>>) dst(%dma_wait3A_383 : memref<64x128xf32, #tpu.memory_space<hbm>>)
      %dma_wait3A_386 = arith.constant 0 : i32
      %dma_wait3A_387 = tpu.memref_slice %arg5[%mul3A_8, %dma_wait3A_386] : memref<10112x128xf32, #tpu.memory_space<hbm>> -> memref<64x128xf32, #tpu.memory_space<hbm>>
      %dma_wait3A_388 = arith.constant 0 : i32
      %dma_wait3A_389 = tpu.memref_slice %arg10[%mul3A_8, %dma_wait3A_388] : memref<10112x128xf32, #tpu.memory_space<vmem_shared>> -> memref<64x128xf32, #tpu.memory_space<vmem_shared>>
      tpu.wait_dma2 semaphore(%arg11 : memref<!tpu.dma_semaphore, #tpu.memory_space<semaphore_mem>>) src(%dma_wait3A_389 : memref<64x128xf32, #tpu.memory_space<vmem_shared>>) dst(%dma_wait3A_387 : memref<64x128xf32, #tpu.memory_space<hbm>>)
      %dma_wait3A_390 = arith.constant 0 : i32
      %dma_wait3A_391 = tpu.memref_slice %arg5[%mul3A_8, %dma_wait3A_390] : memref<10112x128xf32, #tpu.memory_space<hbm>> -> memref<64x128xf32, #tpu.memory_space<hbm>>
      %dma_wait3A_392 = arith.constant 0 : i32
      %dma_wait3A_393 = tpu.memref_slice %arg10[%mul3A_8, %dma_wait3A_392] : memref<10112x128xf32, #tpu.memory_space<vmem_shared>> -> memref<64x128xf32, #tpu.memory_space<vmem_shared>>
      tpu.wait_dma2 semaphore(%arg11 : memref<!tpu.dma_semaphore, #tpu.memory_space<semaphore_mem>>) src(%dma_wait3A_393 : memref<64x128xf32, #tpu.memory_space<vmem_shared>>) dst(%dma_wait3A_391 : memref<64x128xf32, #tpu.memory_space<hbm>>)
      %dma_wait3A_394 = arith.constant 0 : i32
      %dma_wait3A_395 = tpu.memref_slice %arg5[%mul3A_8, %dma_wait3A_394] : memref<10112x128xf32, #tpu.memory_space<hbm>> -> memref<64x128xf32, #tpu.memory_space<hbm>>
      %dma_wait3A_396 = arith.constant 0 : i32
      %dma_wait3A_397 = tpu.memref_slice %arg10[%mul3A_8, %dma_wait3A_396] : memref<10112x128xf32, #tpu.memory_space<vmem_shared>> -> memref<64x128xf32, #tpu.memory_space<vmem_shared>>
      tpu.wait_dma2 semaphore(%arg11 : memref<!tpu.dma_semaphore, #tpu.memory_space<semaphore_mem>>) src(%dma_wait3A_397 : memref<64x128xf32, #tpu.memory_space<vmem_shared>>) dst(%dma_wait3A_395 : memref<64x128xf32, #tpu.memory_space<hbm>>)
      %dma_wait3A_398 = arith.constant 0 : i32
      %dma_wait3A_399 = tpu.memref_slice %arg5[%mul3A_8, %dma_wait3A_398] : memref<10112x128xf32, #tpu.memory_space<hbm>> -> memref<64x128xf32, #tpu.memory_space<hbm>>
      %dma_wait3A_400 = arith.constant 0 : i32
      %dma_wait3A_401 = tpu.memref_slice %arg10[%mul3A_8, %dma_wait3A_400] : memref<10112x128xf32, #tpu.memory_space<vmem_shared>> -> memref<64x128xf32, #tpu.memory_space<vmem_shared>>
      tpu.wait_dma2 semaphore(%arg11 : memref<!tpu.dma_semaphore, #tpu.memory_space<semaphore_mem>>) src(%dma_wait3A_401 : memref<64x128xf32, #tpu.memory_space<vmem_shared>>) dst(%dma_wait3A_399 : memref<64x128xf32, #tpu.memory_space<hbm>>)
      %dma_wait3A_402 = arith.constant 0 : i32
      %dma_wait3A_403 = tpu.memref_slice %arg5[%mul3A_8, %dma_wait3A_402] : memref<10112x128xf32, #tpu.memory_space<hbm>> -> memref<64x128xf32, #tpu.memory_space<hbm>>
      %dma_wait3A_404 = arith.constant 0 : i32
      %dma_wait3A_405 = tpu.memref_slice %arg10[%mul3A_8, %dma_wait3A_404] : memref<10112x128xf32, #tpu.memory_space<vmem_shared>> -> memref<64x128xf32, #tpu.memory_space<vmem_shared>>
      tpu.wait_dma2 semaphore(%arg11 : memref<!tpu.dma_semaphore, #tpu.memory_space<semaphore_mem>>) src(%dma_wait3A_405 : memref<64x128xf32, #tpu.memory_space<vmem_shared>>) dst(%dma_wait3A_403 : memref<64x128xf32, #tpu.memory_space<hbm>>)
      %dma_wait3A_406 = arith.constant 0 : i32
      %dma_wait3A_407 = tpu.memref_slice %arg5[%mul3A_8, %dma_wait3A_406] : memref<10112x128xf32, #tpu.memory_space<hbm>> -> memref<64x128xf32, #tpu.memory_space<hbm>>
      %dma_wait3A_408 = arith.constant 0 : i32
      %dma_wait3A_409 = tpu.memref_slice %arg10[%mul3A_8, %dma_wait3A_408] : memref<10112x128xf32, #tpu.memory_space<vmem_shared>> -> memref<64x128xf32, #tpu.memory_space<vmem_shared>>
      tpu.wait_dma2 semaphore(%arg11 : memref<!tpu.dma_semaphore, #tpu.memory_space<semaphore_mem>>) src(%dma_wait3A_409 : memref<64x128xf32, #tpu.memory_space<vmem_shared>>) dst(%dma_wait3A_407 : memref<64x128xf32, #tpu.memory_space<hbm>>)
      %dma_wait3A_410 = arith.constant 0 : i32
      %dma_wait3A_411 = tpu.memref_slice %arg5[%mul3A_8, %dma_wait3A_410] : memref<10112x128xf32, #tpu.memory_space<hbm>> -> memref<64x128xf32, #tpu.memory_space<hbm>>
      %dma_wait3A_412 = arith.constant 0 : i32
      %dma_wait3A_413 = tpu.memref_slice %arg10[%mul3A_8, %dma_wait3A_412] : memref<10112x128xf32, #tpu.memory_space<vmem_shared>> -> memref<64x128xf32, #tpu.memory_space<vmem_shared>>
      tpu.wait_dma2 semaphore(%arg11 : memref<!tpu.dma_semaphore, #tpu.memory_space<semaphore_mem>>) src(%dma_wait3A_413 : memref<64x128xf32, #tpu.memory_space<vmem_shared>>) dst(%dma_wait3A_411 : memref<64x128xf32, #tpu.memory_space<hbm>>)
      %dma_wait3A_414 = arith.constant 0 : i32
      %dma_wait3A_415 = tpu.memref_slice %arg5[%mul3A_8, %dma_wait3A_414] : memref<10112x128xf32, #tpu.memory_space<hbm>> -> memref<64x128xf32, #tpu.memory_space<hbm>>
      %dma_wait3A_416 = arith.constant 0 : i32
      %dma_wait3A_417 = tpu.memref_slice %arg10[%mul3A_8, %dma_wait3A_416] : memref<10112x128xf32, #tpu.memory_space<vmem_shared>> -> memref<64x128xf32, #tpu.memory_space<vmem_shared>>
      tpu.wait_dma2 semaphore(%arg11 : memref<!tpu.dma_semaphore, #tpu.memory_space<semaphore_mem>>) src(%dma_wait3A_417 : memref<64x128xf32, #tpu.memory_space<vmem_shared>>) dst(%dma_wait3A_415 : memref<64x128xf32, #tpu.memory_space<hbm>>)
    } else {
    }
    %eq3A_313 = arith.constant 1 : i32
    %eq3A_314 = arith.cmpi eq, %arg0, %eq3A_313 : i32
    %convert_element_type3A_315 = arith.extui %eq3A_314 : i1 to i32
    %cond3A_316 = arith.constant 0 : i32
    %cond3A_317 = arith.cmpi ne, %convert_element_type3A_315, %cond3A_316 : i32
    scf.if %cond3A_317 {
      %add3A_318 = arith.constant 0 : i32
      %add3A_319 = arith.addi %mul3A_8, %add3A_318 : i32
      %dma_start3A_320 = arith.constant 0 : i32
      %dma_start3A_321 = tpu.memref_slice %arg6[%add3A_319, %dma_start3A_320] : memref<10112x128xf32, #tpu.memory_space<hbm>> -> memref<64x128xf32, #tpu.memory_space<hbm>>
      %dma_start3A_322 = arith.constant 0 : i32
      %dma_start3A_323 = tpu.memref_slice %arg10[%add3A_319, %dma_start3A_322] : memref<10112x128xf32, #tpu.memory_space<vmem_shared>> -> memref<64x128xf32, #tpu.memory_space<vmem_shared>>
      tpu.enqueue_dma source(%dma_start3A_323 : memref<64x128xf32, #tpu.memory_space<vmem_shared>>) target(%dma_start3A_321 : memref<64x128xf32, #tpu.memory_space<hbm>>) target_semaphore(%arg11 : memref<!tpu.dma_semaphore, #tpu.memory_space<semaphore_mem>>)
      %add3A_324 = arith.constant 64 : i32
      %add3A_325 = arith.addi %mul3A_8, %add3A_324 : i32
      %dma_start3A_326 = arith.constant 0 : i32
      %dma_start3A_327 = tpu.memref_slice %arg6[%add3A_325, %dma_start3A_326] : memref<10112x128xf32, #tpu.memory_space<hbm>> -> memref<64x128xf32, #tpu.memory_space<hbm>>
      %dma_start3A_328 = arith.constant 0 : i32
      %dma_start3A_329 = tpu.memref_slice %arg10[%add3A_325, %dma_start3A_328] : memref<10112x128xf32, #tpu.memory_space<vmem_shared>> -> memref<64x128xf32, #tpu.memory_space<vmem_shared>>
      tpu.enqueue_dma source(%dma_start3A_329 : memref<64x128xf32, #tpu.memory_space<vmem_shared>>) target(%dma_start3A_327 : memref<64x128xf32, #tpu.memory_space<hbm>>) target_semaphore(%arg11 : memref<!tpu.dma_semaphore, #tpu.memory_space<semaphore_mem>>)
      %add3A_330 = arith.constant 128 : i32
      %add3A_331 = arith.addi %mul3A_8, %add3A_330 : i32
      %dma_start3A_332 = arith.constant 0 : i32
      %dma_start3A_333 = tpu.memref_slice %arg6[%add3A_331, %dma_start3A_332] : memref<10112x128xf32, #tpu.memory_space<hbm>> -> memref<64x128xf32, #tpu.memory_space<hbm>>
      %dma_start3A_334 = arith.constant 0 : i32
      %dma_start3A_335 = tpu.memref_slice %arg10[%add3A_331, %dma_start3A_334] : memref<10112x128xf32, #tpu.memory_space<vmem_shared>> -> memref<64x128xf32, #tpu.memory_space<vmem_shared>>
      tpu.enqueue_dma source(%dma_start3A_335 : memref<64x128xf32, #tpu.memory_space<vmem_shared>>) target(%dma_start3A_333 : memref<64x128xf32, #tpu.memory_space<hbm>>) target_semaphore(%arg11 : memref<!tpu.dma_semaphore, #tpu.memory_space<semaphore_mem>>)
      %add3A_336 = arith.constant 192 : i32
      %add3A_337 = arith.addi %mul3A_8, %add3A_336 : i32
      %dma_start3A_338 = arith.constant 0 : i32
      %dma_start3A_339 = tpu.memref_slice %arg6[%add3A_337, %dma_start3A_338] : memref<10112x128xf32, #tpu.memory_space<hbm>> -> memref<64x128xf32, #tpu.memory_space<hbm>>
      %dma_start3A_340 = arith.constant 0 : i32
      %dma_start3A_341 = tpu.memref_slice %arg10[%add3A_337, %dma_start3A_340] : memref<10112x128xf32, #tpu.memory_space<vmem_shared>> -> memref<64x128xf32, #tpu.memory_space<vmem_shared>>
      tpu.enqueue_dma source(%dma_start3A_341 : memref<64x128xf32, #tpu.memory_space<vmem_shared>>) target(%dma_start3A_339 : memref<64x128xf32, #tpu.memory_space<hbm>>) target_semaphore(%arg11 : memref<!tpu.dma_semaphore, #tpu.memory_space<semaphore_mem>>)
      %add3A_342 = arith.constant 256 : i32
      %add3A_343 = arith.addi %mul3A_8, %add3A_342 : i32
      %dma_start3A_344 = arith.constant 0 : i32
      %dma_start3A_345 = tpu.memref_slice %arg6[%add3A_343, %dma_start3A_344] : memref<10112x128xf32, #tpu.memory_space<hbm>> -> memref<64x128xf32, #tpu.memory_space<hbm>>
      %dma_start3A_346 = arith.constant 0 : i32
      %dma_start3A_347 = tpu.memref_slice %arg10[%add3A_343, %dma_start3A_346] : memref<10112x128xf32, #tpu.memory_space<vmem_shared>> -> memref<64x128xf32, #tpu.memory_space<vmem_shared>>
      tpu.enqueue_dma source(%dma_start3A_347 : memref<64x128xf32, #tpu.memory_space<vmem_shared>>) target(%dma_start3A_345 : memref<64x128xf32, #tpu.memory_space<hbm>>) target_semaphore(%arg11 : memref<!tpu.dma_semaphore, #tpu.memory_space<semaphore_mem>>)
      %add3A_348 = arith.constant 320 : i32
      %add3A_349 = arith.addi %mul3A_8, %add3A_348 : i32
      %dma_start3A_350 = arith.constant 0 : i32
      %dma_start3A_351 = tpu.memref_slice %arg6[%add3A_349, %dma_start3A_350] : memref<10112x128xf32, #tpu.memory_space<hbm>> -> memref<64x128xf32, #tpu.memory_space<hbm>>
      %dma_start3A_352 = arith.constant 0 : i32
      %dma_start3A_353 = tpu.memref_slice %arg10[%add3A_349, %dma_start3A_352] : memref<10112x128xf32, #tpu.memory_space<vmem_shared>> -> memref<64x128xf32, #tpu.memory_space<vmem_shared>>
      tpu.enqueue_dma source(%dma_start3A_353 : memref<64x128xf32, #tpu.memory_space<vmem_shared>>) target(%dma_start3A_351 : memref<64x128xf32, #tpu.memory_space<hbm>>) target_semaphore(%arg11 : memref<!tpu.dma_semaphore, #tpu.memory_space<semaphore_mem>>)
      %add3A_354 = arith.constant 384 : i32
      %add3A_355 = arith.addi %mul3A_8, %add3A_354 : i32
      %dma_start3A_356 = arith.constant 0 : i32
      %dma_start3A_357 = tpu.memref_slice %arg6[%add3A_355, %dma_start3A_356] : memref<10112x128xf32, #tpu.memory_space<hbm>> -> memref<64x128xf32, #tpu.memory_space<hbm>>
      %dma_start3A_358 = arith.constant 0 : i32
      %dma_start3A_359 = tpu.memref_slice %arg10[%add3A_355, %dma_start3A_358] : memref<10112x128xf32, #tpu.memory_space<vmem_shared>> -> memref<64x128xf32, #tpu.memory_space<vmem_shared>>
      tpu.enqueue_dma source(%dma_start3A_359 : memref<64x128xf32, #tpu.memory_space<vmem_shared>>) target(%dma_start3A_357 : memref<64x128xf32, #tpu.memory_space<hbm>>) target_semaphore(%arg11 : memref<!tpu.dma_semaphore, #tpu.memory_space<semaphore_mem>>)
      %add3A_360 = arith.constant 448 : i32
      %add3A_361 = arith.addi %mul3A_8, %add3A_360 : i32
      %dma_start3A_362 = arith.constant 0 : i32
      %dma_start3A_363 = tpu.memref_slice %arg6[%add3A_361, %dma_start3A_362] : memref<10112x128xf32, #tpu.memory_space<hbm>> -> memref<64x128xf32, #tpu.memory_space<hbm>>
      %dma_start3A_364 = arith.constant 0 : i32
      %dma_start3A_365 = tpu.memref_slice %arg10[%add3A_361, %dma_start3A_364] : memref<10112x128xf32, #tpu.memory_space<vmem_shared>> -> memref<64x128xf32, #tpu.memory_space<vmem_shared>>
      tpu.enqueue_dma source(%dma_start3A_365 : memref<64x128xf32, #tpu.memory_space<vmem_shared>>) target(%dma_start3A_363 : memref<64x128xf32, #tpu.memory_space<hbm>>) target_semaphore(%arg11 : memref<!tpu.dma_semaphore, #tpu.memory_space<semaphore_mem>>)
      %add3A_366 = arith.constant 512 : i32
      %add3A_367 = arith.addi %mul3A_8, %add3A_366 : i32
      %dma_start3A_368 = arith.constant 0 : i32
      %dma_start3A_369 = tpu.memref_slice %arg6[%add3A_367, %dma_start3A_368] : memref<10112x128xf32, #tpu.memory_space<hbm>> -> memref<64x128xf32, #tpu.memory_space<hbm>>
      %dma_start3A_370 = arith.constant 0 : i32
      %dma_start3A_371 = tpu.memref_slice %arg10[%add3A_367, %dma_start3A_370] : memref<10112x128xf32, #tpu.memory_space<vmem_shared>> -> memref<64x128xf32, #tpu.memory_space<vmem_shared>>
      tpu.enqueue_dma source(%dma_start3A_371 : memref<64x128xf32, #tpu.memory_space<vmem_shared>>) target(%dma_start3A_369 : memref<64x128xf32, #tpu.memory_space<hbm>>) target_semaphore(%arg11 : memref<!tpu.dma_semaphore, #tpu.memory_space<semaphore_mem>>)
      %add3A_372 = arith.constant 568 : i32
      %add3A_373 = arith.addi %mul3A_8, %add3A_372 : i32
      %dma_start3A_374 = arith.constant 0 : i32
      %dma_start3A_375 = tpu.memref_slice %arg6[%add3A_373, %dma_start3A_374] : memref<10112x128xf32, #tpu.memory_space<hbm>> -> memref<64x128xf32, #tpu.memory_space<hbm>>
      %dma_start3A_376 = arith.constant 0 : i32
      %dma_start3A_377 = tpu.memref_slice %arg10[%add3A_373, %dma_start3A_376] : memref<10112x128xf32, #tpu.memory_space<vmem_shared>> -> memref<64x128xf32, #tpu.memory_space<vmem_shared>>
      tpu.enqueue_dma source(%dma_start3A_377 : memref<64x128xf32, #tpu.memory_space<vmem_shared>>) target(%dma_start3A_375 : memref<64x128xf32, #tpu.memory_space<hbm>>) target_semaphore(%arg11 : memref<!tpu.dma_semaphore, #tpu.memory_space<semaphore_mem>>)
      %dma_wait3A_378 = arith.constant 0 : i32
      %dma_wait3A_379 = tpu.memref_slice %arg6[%mul3A_8, %dma_wait3A_378] : memref<10112x128xf32, #tpu.memory_space<hbm>> -> memref<64x128xf32, #tpu.memory_space<hbm>>
      %dma_wait3A_380 = arith.constant 0 : i32
      %dma_wait3A_381 = tpu.memref_slice %arg10[%mul3A_8, %dma_wait3A_380] : memref<10112x128xf32, #tpu.memory_space<vmem_shared>> -> memref<64x128xf32, #tpu.memory_space<vmem_shared>>
      tpu.wait_dma2 semaphore(%arg11 : memref<!tpu.dma_semaphore, #tpu.memory_space<semaphore_mem>>) src(%dma_wait3A_381 : memref<64x128xf32, #tpu.memory_space<vmem_shared>>) dst(%dma_wait3A_379 : memref<64x128xf32, #tpu.memory_space<hbm>>)
      %dma_wait3A_382 = arith.constant 0 : i32
      %dma_wait3A_383 = tpu.memref_slice %arg6[%mul3A_8, %dma_wait3A_382] : memref<10112x128xf32, #tpu.memory_space<hbm>> -> memref<64x128xf32, #tpu.memory_space<hbm>>
      %dma_wait3A_384 = arith.constant 0 : i32
      %dma_wait3A_385 = tpu.memref_slice %arg10[%mul3A_8, %dma_wait3A_384] : memref<10112x128xf32, #tpu.memory_space<vmem_shared>> -> memref<64x128xf32, #tpu.memory_space<vmem_shared>>
      tpu.wait_dma2 semaphore(%arg11 : memref<!tpu.dma_semaphore, #tpu.memory_space<semaphore_mem>>) src(%dma_wait3A_385 : memref<64x128xf32, #tpu.memory_space<vmem_shared>>) dst(%dma_wait3A_383 : memref<64x128xf32, #tpu.memory_space<hbm>>)
      %dma_wait3A_386 = arith.constant 0 : i32
      %dma_wait3A_387 = tpu.memref_slice %arg6[%mul3A_8, %dma_wait3A_386] : memref<10112x128xf32, #tpu.memory_space<hbm>> -> memref<64x128xf32, #tpu.memory_space<hbm>>
      %dma_wait3A_388 = arith.constant 0 : i32
      %dma_wait3A_389 = tpu.memref_slice %arg10[%mul3A_8, %dma_wait3A_388] : memref<10112x128xf32, #tpu.memory_space<vmem_shared>> -> memref<64x128xf32, #tpu.memory_space<vmem_shared>>
      tpu.wait_dma2 semaphore(%arg11 : memref<!tpu.dma_semaphore, #tpu.memory_space<semaphore_mem>>) src(%dma_wait3A_389 : memref<64x128xf32, #tpu.memory_space<vmem_shared>>) dst(%dma_wait3A_387 : memref<64x128xf32, #tpu.memory_space<hbm>>)
      %dma_wait3A_390 = arith.constant 0 : i32
      %dma_wait3A_391 = tpu.memref_slice %arg6[%mul3A_8, %dma_wait3A_390] : memref<10112x128xf32, #tpu.memory_space<hbm>> -> memref<64x128xf32, #tpu.memory_space<hbm>>
      %dma_wait3A_392 = arith.constant 0 : i32
      %dma_wait3A_393 = tpu.memref_slice %arg10[%mul3A_8, %dma_wait3A_392] : memref<10112x128xf32, #tpu.memory_space<vmem_shared>> -> memref<64x128xf32, #tpu.memory_space<vmem_shared>>
      tpu.wait_dma2 semaphore(%arg11 : memref<!tpu.dma_semaphore, #tpu.memory_space<semaphore_mem>>) src(%dma_wait3A_393 : memref<64x128xf32, #tpu.memory_space<vmem_shared>>) dst(%dma_wait3A_391 : memref<64x128xf32, #tpu.memory_space<hbm>>)
      %dma_wait3A_394 = arith.constant 0 : i32
      %dma_wait3A_395 = tpu.memref_slice %arg6[%mul3A_8, %dma_wait3A_394] : memref<10112x128xf32, #tpu.memory_space<hbm>> -> memref<64x128xf32, #tpu.memory_space<hbm>>
      %dma_wait3A_396 = arith.constant 0 : i32
      %dma_wait3A_397 = tpu.memref_slice %arg10[%mul3A_8, %dma_wait3A_396] : memref<10112x128xf32, #tpu.memory_space<vmem_shared>> -> memref<64x128xf32, #tpu.memory_space<vmem_shared>>
      tpu.wait_dma2 semaphore(%arg11 : memref<!tpu.dma_semaphore, #tpu.memory_space<semaphore_mem>>) src(%dma_wait3A_397 : memref<64x128xf32, #tpu.memory_space<vmem_shared>>) dst(%dma_wait3A_395 : memref<64x128xf32, #tpu.memory_space<hbm>>)
      %dma_wait3A_398 = arith.constant 0 : i32
      %dma_wait3A_399 = tpu.memref_slice %arg6[%mul3A_8, %dma_wait3A_398] : memref<10112x128xf32, #tpu.memory_space<hbm>> -> memref<64x128xf32, #tpu.memory_space<hbm>>
      %dma_wait3A_400 = arith.constant 0 : i32
      %dma_wait3A_401 = tpu.memref_slice %arg10[%mul3A_8, %dma_wait3A_400] : memref<10112x128xf32, #tpu.memory_space<vmem_shared>> -> memref<64x128xf32, #tpu.memory_space<vmem_shared>>
      tpu.wait_dma2 semaphore(%arg11 : memref<!tpu.dma_semaphore, #tpu.memory_space<semaphore_mem>>) src(%dma_wait3A_401 : memref<64x128xf32, #tpu.memory_space<vmem_shared>>) dst(%dma_wait3A_399 : memref<64x128xf32, #tpu.memory_space<hbm>>)
      %dma_wait3A_402 = arith.constant 0 : i32
      %dma_wait3A_403 = tpu.memref_slice %arg6[%mul3A_8, %dma_wait3A_402] : memref<10112x128xf32, #tpu.memory_space<hbm>> -> memref<64x128xf32, #tpu.memory_space<hbm>>
      %dma_wait3A_404 = arith.constant 0 : i32
      %dma_wait3A_405 = tpu.memref_slice %arg10[%mul3A_8, %dma_wait3A_404] : memref<10112x128xf32, #tpu.memory_space<vmem_shared>> -> memref<64x128xf32, #tpu.memory_space<vmem_shared>>
      tpu.wait_dma2 semaphore(%arg11 : memref<!tpu.dma_semaphore, #tpu.memory_space<semaphore_mem>>) src(%dma_wait3A_405 : memref<64x128xf32, #tpu.memory_space<vmem_shared>>) dst(%dma_wait3A_403 : memref<64x128xf32, #tpu.memory_space<hbm>>)
      %dma_wait3A_406 = arith.constant 0 : i32
      %dma_wait3A_407 = tpu.memref_slice %arg6[%mul3A_8, %dma_wait3A_406] : memref<10112x128xf32, #tpu.memory_space<hbm>> -> memref<64x128xf32, #tpu.memory_space<hbm>>
      %dma_wait3A_408 = arith.constant 0 : i32
      %dma_wait3A_409 = tpu.memref_slice %arg10[%mul3A_8, %dma_wait3A_408] : memref<10112x128xf32, #tpu.memory_space<vmem_shared>> -> memref<64x128xf32, #tpu.memory_space<vmem_shared>>
      tpu.wait_dma2 semaphore(%arg11 : memref<!tpu.dma_semaphore, #tpu.memory_space<semaphore_mem>>) src(%dma_wait3A_409 : memref<64x128xf32, #tpu.memory_space<vmem_shared>>) dst(%dma_wait3A_407 : memref<64x128xf32, #tpu.memory_space<hbm>>)
      %dma_wait3A_410 = arith.constant 0 : i32
      %dma_wait3A_411 = tpu.memref_slice %arg6[%mul3A_8, %dma_wait3A_410] : memref<10112x128xf32, #tpu.memory_space<hbm>> -> memref<64x128xf32, #tpu.memory_space<hbm>>
      %dma_wait3A_412 = arith.constant 0 : i32
      %dma_wait3A_413 = tpu.memref_slice %arg10[%mul3A_8, %dma_wait3A_412] : memref<10112x128xf32, #tpu.memory_space<vmem_shared>> -> memref<64x128xf32, #tpu.memory_space<vmem_shared>>
      tpu.wait_dma2 semaphore(%arg11 : memref<!tpu.dma_semaphore, #tpu.memory_space<semaphore_mem>>) src(%dma_wait3A_413 : memref<64x128xf32, #tpu.memory_space<vmem_shared>>) dst(%dma_wait3A_411 : memref<64x128xf32, #tpu.memory_space<hbm>>)
      %dma_wait3A_414 = arith.constant 0 : i32
      %dma_wait3A_415 = tpu.memref_slice %arg6[%mul3A_8, %dma_wait3A_414] : memref<10112x128xf32, #tpu.memory_space<hbm>> -> memref<64x128xf32, #tpu.memory_space<hbm>>
      %dma_wait3A_416 = arith.constant 0 : i32
      %dma_wait3A_417 = tpu.memref_slice %arg10[%mul3A_8, %dma_wait3A_416] : memref<10112x128xf32, #tpu.memory_space<vmem_shared>> -> memref<64x128xf32, #tpu.memory_space<vmem_shared>>
      tpu.wait_dma2 semaphore(%arg11 : memref<!tpu.dma_semaphore, #tpu.memory_space<semaphore_mem>>) src(%dma_wait3A_417 : memref<64x128xf32, #tpu.memory_space<vmem_shared>>) dst(%dma_wait3A_415 : memref<64x128xf32, #tpu.memory_space<hbm>>)
    } else {
    }
    return
  }
}

module attributes {stable_mosaic.version = 14 : i64} {
  func.func @_prescale_body(%arg0: i32, %arg1: memref<2000x128xf32, #tpu.memory_space<vmem>>, %arg2: memref<2000x1xf32, #tpu.memory_space<vmem>>, %arg3: memref<2000x1xf32, #tpu.memory_space<vmem>>, %arg4: memref<2000x128xf32, #tpu.memory_space<vmem>>) attributes {dimension_semantics = [#tpu.dimension_semantics<arbitrary>], iteration_bounds = array<i64: 5>, scalar_prefetch = 0 : i64, scratch_operands = 0 : i64, tpu.core_type = #tpu.core_type<tc>, window_params = [{transform_indices = @transform_0, window_bounds = array<i64: 2000, 128>}, {transform_indices = @transform_1, window_bounds = array<i64: 2000, 1>}, {transform_indices = @transform_2, window_bounds = array<i64: 2000, 1>}, {transform_indices = @transform_3, window_bounds = array<i64: 2000, 128>}]} {
    %get3A = arith.constant 0 : index
    %get3A_0 = arith.constant 0 : index
    %get3A_1 = vector.load %arg2[%get3A, %get3A_0] : memref<2000x1xf32, #tpu.memory_space<vmem>>, vector<2000x1xf32>
    %get3A_2 = arith.constant 0 : index
    %get3A_3 = arith.constant 0 : index
    %get3A_4 = vector.load %arg3[%get3A_2, %get3A_3] : memref<2000x1xf32, #tpu.memory_space<vmem>>, vector<2000x1xf32>
    %add3A = arith.addf %get3A_1, %get3A_4 : vector<2000x1xf32>
    %iota3A = tpu.iota {dimensions = array<i32: 0>} : vector<2000x1xi32>
    %eq3A = arith.constant 0 : i32
    %eq3A_5 = arith.cmpi eq, %arg0, %eq3A : i32
    %lt3A = arith.constant 64 : i32
    %lt3A_6 = vector.broadcast %lt3A : i32 to vector<2000x1xi32>
    %lt3A_7 = arith.cmpi slt, %iota3A, %lt3A_6 : vector<2000x1xi32>
    %and3A = vector.broadcast %eq3A_5 : i1 to vector<2000x1xi1>
    %and3A_8 = arith.andi %lt3A_7, %and3A : vector<2000x1xi1>
    %jit3A = arith.constant 120 : i32
    %jit3A_9 = arith.constant 0 : i32
    %broadcast_in_dim3A = vector.broadcast %jit3A : i32 to vector<2000x1xi32>
    %broadcast_in_dim3A_10 = vector.broadcast %jit3A_9 : i32 to vector<2000x1xi32>
    %select_n3A = arith.select %and3A_8, %broadcast_in_dim3A, %broadcast_in_dim3A_10 : vector<2000x1xi1>, vector<2000x1xi32>
    %lt3A_11 = arith.constant 0 : i32
    %lt3A_12 = vector.broadcast %lt3A_11 : i32 to vector<2000x1xi32>
    %lt3A_13 = arith.cmpi slt, %iota3A, %lt3A_12 : vector<2000x1xi32>
    %and3A_14 = vector.broadcast %eq3A_5 : i1 to vector<2000x1xi1>
    %and3A_15 = arith.andi %lt3A_13, %and3A_14 : vector<2000x1xi1>
    %jit3A_16 = arith.constant 1 : i32
    %jit3A_17 = arith.constant 0 : i32
    %broadcast_in_dim3A_18 = vector.broadcast %jit3A_16 : i32 to vector<2000x1xi32>
    %broadcast_in_dim3A_19 = vector.broadcast %jit3A_17 : i32 to vector<2000x1xi32>
    %select_n3A_20 = arith.select %and3A_15, %broadcast_in_dim3A_18, %broadcast_in_dim3A_19 : vector<2000x1xi1>, vector<2000x1xi32>
    %add3A_21 = arith.addi %select_n3A, %select_n3A_20 : vector<2000x1xi32>
    %convert_element_type3A = arith.sitofp %add3A_21 : vector<2000x1xi32> to vector<2000x1xf32>
    %sub3A = arith.subf %add3A, %convert_element_type3A : vector<2000x1xf32>
    %max3A = arith.constant 1.000000e+00 : f32
    %max3A_22 = vector.broadcast %max3A : f32 to vector<2000x1xf32>
    %max3A_23 = arith.maximumf %sub3A, %max3A_22 : vector<2000x1xf32>
    %rsqrt3A = math.rsqrt %max3A_23 : vector<2000x1xf32>
    %get3A_24 = arith.constant 0 : index
    %get3A_25 = arith.constant 0 : index
    %get3A_26 = vector.load %arg1[%get3A_24, %get3A_25] : memref<2000x128xf32, #tpu.memory_space<vmem>>, vector<2000x128xf32>
    %mul3A = vector.broadcast %rsqrt3A : vector<2000x1xf32> to vector<2000x128xf32>
    %mul3A_27 = arith.mulf %get3A_26, %mul3A : vector<2000x128xf32>
    %swap3A = arith.constant 0 : index
    %swap3A_28 = arith.constant 0 : index
    %swap3A_29 = vector.load %arg4[%swap3A, %swap3A_28] : memref<2000x128xf32, #tpu.memory_space<vmem>>, vector<2000x128xf32>
    tpu.vector_store %arg4[%swap3A, %swap3A_28], %mul3A_27 {strides = array<i32>} : memref<2000x128xf32, #tpu.memory_space<vmem>>, vector<2000x128xf32>,
    return
  }
  func.func @transform_0(%arg0: i32) -> (i32, i32) {
    %c0_i32 = arith.constant 0 : i32
    %c0_i32_0 = arith.constant 0 : i32
    return %arg0, %c0_i32 : i32, i32
  }
  func.func @transform_1(%arg0: i32) -> (i32, i32) {
    %c0_i32 = arith.constant 0 : i32
    %c0_i32_0 = arith.constant 0 : i32
    return %arg0, %c0_i32 : i32, i32
  }
  func.func @transform_2(%arg0: i32) -> (i32, i32) {
    %c0_i32 = arith.constant 0 : i32
    %c0_i32_0 = arith.constant 0 : i32
    return %arg0, %c0_i32 : i32, i32
  }
  func.func @transform_3(%arg0: i32) -> (i32, i32) {
    %c0_i32 = arith.constant 0 : i32
    %c0_i32_0 = arith.constant 0 : i32
    return %arg0, %c0_i32 : i32, i32
  }
}

module attributes {stable_mosaic.version = 14 : i64} {
  func.func @_final_body(%arg0: i32, %arg1: memref<2000x128xf32, #tpu.memory_space<vmem>>, %arg2: memref<2000x128xf32, #tpu.memory_space<vmem>>, %arg3: memref<2000x1xf32, #tpu.memory_space<vmem>>, %arg4: memref<2000x1xf32, #tpu.memory_space<vmem>>, %arg5: memref<128x128xf32, #tpu.memory_space<vmem>>, %arg6: memref<2000x128xf32, #tpu.memory_space<vmem>>) attributes {dimension_semantics = [#tpu.dimension_semantics<arbitrary>], iteration_bounds = array<i64: 5>, scalar_prefetch = 0 : i64, scratch_operands = 0 : i64, tpu.core_type = #tpu.core_type<tc>, window_params = [{transform_indices = @transform_0, window_bounds = array<i64: 2000, 128>}, {transform_indices = @transform_1, window_bounds = array<i64: 2000, 128>}, {transform_indices = @transform_2, window_bounds = array<i64: 2000, 1>}, {transform_indices = @transform_3, window_bounds = array<i64: 2000, 1>}, {pipeline_mode = #tpu.pipeline_mode<synchronous>, transform_indices = @transform_4, window_bounds = array<i64: 128, 128>}, {transform_indices = @transform_5, window_bounds = array<i64: 2000, 128>}]} {
    %get3A = arith.constant 0 : index
    %get3A_0 = arith.constant 0 : index
    %get3A_1 = vector.load %arg1[%get3A, %get3A_0] : memref<2000x128xf32, #tpu.memory_space<vmem>>, vector<2000x128xf32>
    %get3A_2 = arith.constant 0 : index
    %get3A_3 = arith.constant 0 : index
    %get3A_4 = vector.load %arg2[%get3A_2, %get3A_3] : memref<2000x128xf32, #tpu.memory_space<vmem>>, vector<2000x128xf32>
    %add3A = arith.addf %get3A_1, %get3A_4 : vector<2000x128xf32>
    %get3A_5 = arith.constant 0 : index
    %get3A_6 = arith.constant 0 : index
    %get3A_7 = vector.load %arg3[%get3A_5, %get3A_6] : memref<2000x1xf32, #tpu.memory_space<vmem>>, vector<2000x1xf32>
    %get3A_8 = arith.constant 0 : index
    %get3A_9 = arith.constant 0 : index
    %get3A_10 = vector.load %arg4[%get3A_8, %get3A_9] : memref<2000x1xf32, #tpu.memory_space<vmem>>, vector<2000x1xf32>
    %add3A_11 = arith.addf %get3A_7, %get3A_10 : vector<2000x1xf32>
    %max3A = arith.constant 1.000000e+00 : f32
    %max3A_12 = vector.broadcast %max3A : f32 to vector<2000x1xf32>
    %max3A_13 = arith.maximumf %add3A_11, %max3A_12 : vector<2000x1xf32>
    %rsqrt3A = math.rsqrt %max3A_13 : vector<2000x1xf32>
    %mul3A = vector.broadcast %rsqrt3A : vector<2000x1xf32> to vector<2000x128xf32>
    %mul3A_14 = arith.mulf %add3A, %mul3A : vector<2000x128xf32>
    %get3A_15 = arith.constant 0 : index
    %get3A_16 = arith.constant 0 : index
    %get3A_17 = vector.load %arg5[%get3A_15, %get3A_16] : memref<128x128xf32, #tpu.memory_space<vmem>>, vector<128x128xf32>
    %dot_general3A = arith.constant dense<0.000000e+00> : vector<2000x128xf32>
    %dot_general3A_18 = tpu.matmul %mul3A_14, %get3A_17, %dot_general3A {dimension_numbers = #tpu.dot_dimension_numbers<[1], [0], [0], [1], [0, 0, 1, 1], [], []>, transpose_lhs_hint = false} : vector<2000x128xf32>, vector<128x128xf32>, vector<2000x128xf32> -> vector<2000x128xf32>
    %swap3A = arith.constant 0 : index
    %swap3A_19 = arith.constant 0 : index
    %swap3A_20 = vector.load %arg6[%swap3A, %swap3A_19] : memref<2000x128xf32, #tpu.memory_space<vmem>>, vector<2000x128xf32>
    tpu.vector_store %arg6[%swap3A, %swap3A_19], %dot_general3A_18 {strides = array<i32>} : memref<2000x128xf32, #tpu.memory_space<vmem>>, vector<2000x128xf32>,
    return
  }
  func.func @transform_0(%arg0: i32) -> (i32, i32) {
    %c0_i32 = arith.constant 0 : i32
    %c0_i32_0 = arith.constant 0 : i32
    return %arg0, %c0_i32 : i32, i32
  }
  func.func @transform_1(%arg0: i32) -> (i32, i32) {
    %c0_i32 = arith.constant 0 : i32
    %c0_i32_0 = arith.constant 0 : i32
    return %arg0, %c0_i32 : i32, i32
  }
  func.func @transform_2(%arg0: i32) -> (i32, i32) {
    %c0_i32 = arith.constant 0 : i32
    %c0_i32_0 = arith.constant 0 : i32
    return %arg0, %c0_i32 : i32, i32
  }
  func.func @transform_3(%arg0: i32) -> (i32, i32) {
    %c0_i32 = arith.constant 0 : i32
    %c0_i32_0 = arith.constant 0 : i32
    return %arg0, %c0_i32 : i32, i32
  }
  func.func @transform_4(%arg0: i32) -> (i32, i32) {
    %c0_i32 = arith.constant 0 : i32
    %c0_i32_0 = arith.constant 0 : i32
    %c0_i32_1 = arith.constant 0 : i32
    return %c0_i32, %c0_i32_0 : i32, i32
  }
  func.func @transform_5(%arg0: i32) -> (i32, i32) {
    %c0_i32 = arith.constant 0 : i32
    %c0_i32_0 = arith.constant 0 : i32
    return %arg0, %c0_i32 : i32, i32
  }
}

</mosaic_0001>

<sc_bundles>
// kernel: kernel.6.cloned.1.call-start
scs
__scs_entry_jumppad:
0x0: {  	(pc) =	sbr.rel $0x88, $3  }
0x1: {  	(tag) =	ssettag $0x0;
	lr =	simm.s32 $0x1  }
0x2: {  	[smem:$0x3F9E] =	sst lr;
	_ =	strace $0xD0000000  }
0x3: {  	_ = 	snop  }
0x4: {  	_ = 	snop  }
0x5: {  	_ = 	snop  }
0x6: {  	_ = 	snop  }
0x7: {  	_ = 	snop  }
__scs_overlays_trampoline_lowered:
0x8: {  	[smem:$0x3FAD] =	sst s0  }
0x9: {  	[smem:$0x3FAE] =	sst s1  }
0xa: {  	[smem:$0x3FAF] =	sst s2  }
0xb: {  	[smem:$0x3FB0] =	sst s3  }
0xc: {  	[smem:$0x3FB1] =	sst s4  }
0xd: {  	[smem:$0x3FB2] =	sst s5  }
0xe: {  	[smem:$0x3FB3] =	sst s6  }
0xf: {  	[smem:$0x3FB4] =	sst s7  }
0x10: {  	[smem:$0x3FB5] =	sst s8  }
0x11: {  	[smem:$0x3FB6] =	sst s9;
	s0 =	simm.s32 @!p0 $0x0  }
0x12: {  	s1 =	sld [smem:$0x3F9C];
	s0 =	simm.s32 @p0 $0x1  }
0x13: {  	[smem:$0x3FB7] =	sst s0;
	s0 =	simm.s32 @!p1 $0x0  }
0x14: {  	s2 =	sld [smem:$0x3F9B];
	s0 =	simm.s32 @p1 $0x1  }
0x15: {  	[smem:$0x3FB8] =	sst s0;
	s0 =	simm.s32 @!p2 $0x0  }
0x16: {  	s3 =	sld [smem:$0x3FDB];
	s0 =	simm.s32 @p2 $0x1  }
0x17: {  	s4 =	simm.s32 $0x1BF5;
	[smem:$0x3FBA] =	sst s0  }
0x18: {  	s0 =	sld [smem:$0x3F9D];
	_ =	swait.ge [sflag:s4], $0x0  }
0x19: {  	s7 =	sld [smem:$0x3F9E]  }
0x1a: {  	s8 =	sadd.s32 $0xFFFFE003, lr  }
0x1b: {  	s9 =	sadd.s32 $0xFFFFFEF7, lr;
	s5 =	simm.s32 $0xFFFFFFFF;
	p2 =	slt.u32 s8, $0xFFFFF086  }
0x1c: {  	p1 =	slt.u32 s9, $0xF7A;
	s5 =	simm.s32 @!p2 $0x0  }
0x1d: {  	s5 =	simm.s32 @p1 $0x1;
	p0 =	seq.s32 s7, s2  }
0x1e: {  	s7 =	smul.u32 @!p0 $0xF7A, s2;
	p2 =	seq.s32 @!p0 s5, $0x0  }
0x1f: {  	s9 =	smul.u32 $0xF7A, s1;
	s8 =	simm.s32 @!p0 $0x1BF5;
	p2 =	por !p2, p0  }
0x20: {  	[sflag:s8] =	ssyncset.s32 @!p0 $0xFFFFF086;
	s6 =	sadd.s32 @!p0 s3, s7;
	s7 =	simm.s32 @!p0 $0x108  }
0x21: {  	s3 =	sadd.s32 s3, s9;
	s6 =	sadd.s32 @!p0 $0x88, s6;
	s7 =	simm.s32 @p2 $0x1082  }
0x22: {  	[simem:s7], [sflag:s8] =	dma.local @!p0 [hbm:s6], $0xF7A  }
0x23: {  	s9 =	sor.u32 $0xD0000000, s2;
	s6 =	simm.s32 $0x108;
	_ =	swait.ge @!p0 [sflag:s8], $0x0  }
0x24: {  	s3 =	sadd.s32 $0x88, s3;
	s6 =	simm.s32 @!p1 $0x1082;
	[sflag:s4] =	ssyncset.s32 $0xFFFFF086  }
0x25: {  	[simem:s6], [sflag:s4] =	dma.local [hbm:s3], $0xF7A  }
0x26: {  	[smem:$0x3F9E] =	sst s1;
	(tag) =	ssettag s2;
	_ =	strace s9  }
0x27: {  	s1 =	sld [smem:$0x3FAE]  }
0x28: {  	s2 =	sld [smem:$0x3FAF]  }
0x29: {  	s4 =	sld [smem:$0x3FB1]  }
0x2a: {  	p0 =	seq.s32 s5, $0x0;
	s5 =	sld [smem:$0x3FB2]  }
0x2b: {  	s6 =	sld [smem:$0x3FB3]  }
0x2c: {  	s7 =	sld [smem:$0x3FB4]  }
0x2d: {  	s3 =	simm.s32 $0x108;
	s8 =	sld [smem:$0x3FB5]  }
0x2e: {  	s3 =	simm.s32 @!p0 $0x1082;
	s9 =	sld [smem:$0x3FB6]  }
0x2f: {  	lr =	sadd.s32 s0, s3;
	s0 =	sld [smem:$0x3FAD]  }
0x30: {  	s3 =	sld [smem:$0x3FB0]  }
0x31: {  	[smem:$0x3FB9] =	sst s10  }
0x32: {  	s10 =	sld [smem:$0x3FB7];
	_ =	sdelay $0x3  }
0x33: {  	p0 =	seq.s32 s10, $0x1;
	s10 =	sld [smem:$0x3FB9];
	_ =	sdelay $0x3  }
0x34: {  	[smem:$0x3FB9] =	sst s10  }
0x35: {  	s10 =	sld [smem:$0x3FB8];
	_ =	sdelay $0x3  }
0x36: {  	p1 =	seq.s32 s10, $0x1;
	s10 =	sld [smem:$0x3FB9];
	_ =	sdelay $0x3  }
0x37: {  	[smem:$0x3FB9] =	sst s10  }
0x38: {  	s10 =	sld [smem:$0x3FBA]  }
0x39: {  	_ = 	snop;
	(pc) =	sbr.ind lr, $3  }
0x3a: {  	_ = 	snop  }
0x3b: {  	_ = 	snop  }
0x3c: {  	p2 =	seq.s32 s10, $0x1;
	s10 =	sld [smem:$0x3FB9]  }
0x3d: {  	_ =	shalt  }
0x3e: {  	_ =	shalt  }
0x3f: {  	_ =	shalt  }
0x40: {  	_ =	shalt  }
0x41: {  	_ =	shalt  }
0x42: {  	_ =	shalt  }
0x43: {  	_ =	shalt  }
0x44: {  	_ =	shalt  }
0x45: {  	_ =	shalt  }
0x46: {  	_ =	shalt  }
0x47: {  	_ =	shalt  }
0x48: {  	_ =	shalt  }
0x49: {  	_ =	shalt  }
0x4a: {  	_ =	shalt  }
0x4b: {  	_ =	shalt  }
0x4c: {  	_ =	shalt  }
0x4d: {  	_ =	shalt  }
0x4e: {  	_ =	shalt  }
0x4f: {  	_ =	shalt  }
0x50: {  	_ =	shalt  }
0x51: {  	_ =	shalt  }
0x52: {  	_ =	shalt  }
0x53: {  	_ =	shalt  }
0x54: {  	_ =	shalt  }
0x55: {  	_ =	shalt  }
0x56: {  	_ =	shalt  }
0x57: {  	_ =	shalt  }
0x58: {  	_ =	shalt  }
0x59: {  	_ =	shalt  }
0x5a: {  	_ =	shalt  }
0x5b: {  	_ =	shalt  }
0x5c: {  	_ =	shalt  }
0x5d: {  	_ =	shalt  }
0x5e: {  	_ =	shalt  }
0x5f: {  	_ =	shalt  }
0x60: {  	_ =	shalt  }
0x61: {  	_ =	shalt  }
0x62: {  	_ =	shalt  }
0x63: {  	_ =	shalt  }
0x64: {  	_ =	shalt  }
0x65: {  	_ =	shalt  }
0x66: {  	_ =	shalt  }
0x67: {  	_ =	shalt  }
0x68: {  	_ =	shalt  }
0x69: {  	_ =	shalt  }
0x6a: {  	_ =	shalt  }
0x6b: {  	_ =	shalt  }
0x6c: {  	_ =	shalt  }
0x6d: {  	_ =	shalt  }
0x6e: {  	_ =	shalt  }
0x6f: {  	_ =	shalt  }
0x70: {  	_ =	shalt  }
0x71: {  	_ =	shalt  }
0x72: {  	_ =	shalt  }
0x73: {  	_ =	shalt  }
0x74: {  	_ =	shalt  }
0x75: {  	_ =	shalt  }
0x76: {  	_ =	shalt  }
0x77: {  	_ =	shalt  }
0x78: {  	_ =	shalt  }
0x79: {  	_ =	shalt  }
0x7a: {  	_ =	shalt  }
0x7b: {  	_ =	shalt  }
0x7c: {  	_ =	shalt  }
0x7d: {  	_ =	shalt  }
0x7e: {  	_ =	shalt  }
0x7f: {  	_ =	shalt  }
0x80: {  	_ =	shalt  }
0x81: {  	_ =	shalt  }
0x82: {  	_ =	shalt  }
0x83: {  	_ =	shalt  }
0x84: {  	_ =	shalt  }
0x85: {  	_ =	shalt  }
0x86: {  	_ =	shalt  }
0x87: {  	_ =	shalt  }
.Lfunc_end0:
.L_simem_size_0:
called_computation_lowered:
.L_overlay_start_0:
0x88: {  	s2 =	sld [smem:$0x3FD9]  }
0x89: {  	s3 =	sld [smem:$0x3FFE];
	_ =	sdelay $0x1  }
0x8a: {  	s1 =	srdreg.scid  }
0x8b: {  	s0 =	sand.u32 $0x1, s1  }
0x8c: {  	s17 =	sshll.u32 s0, $0xA;
	s2 =	sadd.s32 s3, s2  }
0x8d: {  	s2 =	sadd.s32 s2, s17  }
0x8e: {  	[smem:$0x3FC5] =	sst s2  }
0x8f: {  	_ = 	snop  }
0x90: {  	s2 =	sld [smem:$0x3FD0];
	(tm) =	ssettm $0x1  }
0x91: {  	s18 =	sld [smem:$0x3FFB];
	_ =	sdelay $0x3  }
0x92: {  	_ =	strace s18  }
0x93: {  	s3 =	sld [smem:$0x3FFC];
	_ =	sdelay $0x3  }
0x94: {  	_ =	strace s3  }
0x95: {  	s3 =	sld [smem:$0x3FFD];
	_ =	sdelay $0x3  }
0x96: {  	_ =	strace s3  }
0x97: {  	_ =	strace $0x8FFFFFFF  }
0x98: {  	s19 =	sld [smem:$0x3FDB];
	_ =	sdelay $0x1  }
0x99: {  	s4 =	simm.s32 $_scs_section_size  }
0x9a: {  	s5 =	simm.s32 $_size__tile_overlayer_lowered;
	s6 =	simm.s32 $_tile_overlayer_lowered  }
0x9b: {  	s22 =	simm.s32 $0x1BFF;
	s21 =	sshll.u32 s6, $0x1;
	s3 =	sadd.s32 s4, s19  }
0x9c: {  	s7 =	simm.s32 $0x0;
	s20 =	sshll.u32 s5, $0x1;
	s5 =	sadd.s32 s21, s3  }
0x9d: {  	[timem:s7], [sflag:s22] =	dma.local [hbm:s5], s20  }
0x9e: {  	_ =	swait.ge [sflag:s22], s20  }
0x9f: {  	s4 =	ssub.s32 $0x0, s20;
	[sflag:s22] =	ssyncset.done $0x0  }
0xa0: {  	[sflag:s22] =	ssyncadd.s32 s4;
	_ =	sdelay $0x1  }
0xa1: {  	s23 =	simm.s32 $0x1B8B  }
0xa2: {  	_ =	swait.ge [sflag:s23], $0x1  }
0xa3: {  	[sflag:s23] =	ssyncset.done $0x0  }
0xa4: {  	s25 =	simm.s32 $0x1B8E;
	s24 =	sld [smem:$0x3FFE];
	[sflag:s23] =	ssyncadd.s32 $0xFFFFFFFF  }
0xa5: {  	s26 =	simm.s32 $execute0_lowered;
	[smem:$0x3FD2] =	sst s25  }
0xa6: {  	s5 =	sshll.u32 s26, $0x1;
	_ =	strace $0x80000046;
	[dreg:$0x1] =	wrdreg $0xFFFFFFFF  }
0xa7: {  	s28 =	simm.s32 $_size_execute0_lowered;
	s3 =	sadd.s32 s3, s5;
	[dreg:$0x0] =	wrdreg $0x0  }
0xa8: {  	s5 =	sshll.u32 s28, $0x1;
	[dreg:$0x2] =	wrdreg s3  }
0xa9: {  	[dreg:$0x3] =	wrdreg s5  }
0xaa: {  	[dreg:$0x4] =	wrdreg $0xC0  }
0xab: {  	_ =	task [dreg:s7], $0x5FFFF  }
0xac: {  	[dreg:$0x1] =	wrdreg $0xFFFFFFFF  }
0xad: {  	[dreg:$0x0] =	wrdreg $0x60  }
0xae: {  	[dreg:$0x2] =	wrdreg s24  }
0xaf: {  	[dreg:$0x3] =	wrdreg s2  }
0xb0: {  	[dreg:$0x4] =	wrdreg $0xA3000  }
0xb1: {  	[dreg:$0x5] =	wrdreg $0xA5800  }
0xb2: {  	[dreg:$0x6] =	wrdreg $0x9  }
0xb3: {  	_ =	task.clear_ibuf [dreg:s7], $0x7FFFF;
	_ =	strace $0x90000046  }
0xb4: {  	s29 =	simm.s32 $0x9;
	_ =	strace $0x80000048  }
0xb5: {  	_ =	swait.ge [sflag:s29], $0x1  }
0xb6: {  	[sflag:s29] =	ssyncadd.s32 $0xFFFFFFFF  }
0xb7: {  	_ =	strace $0x90000048  }
0xb8: {  	_ =	sfence  }
0xb9: {  	s30 =	sld [smem:$0x0];
	_ =	sdelay $0x2  }
0xba: {  	s31 =	sshll.u32 s1, $0xD;
	s1 =	sshrl.u32 s1, $0x2  }
0xbb: {  	s3 =	sand.u32 $0x4000, s31;
	s1 =	sadd.s32 s1, s30  }
0xbc: {  	s0 =	sor.u32 s3, s0;
	s1 =	sshll.u32 s1, $0x11  }
0xbd: {  	s0 =	sor.u32 s1, s0  }
0xbe: {  	s0 =	sadd.s32 $0x8F2B, s0  }
0xbf: {  	[sflag:s0] =	ssyncadd.remote.s32 $0x1  }
0xc0: {  	_ =	sfence.sel $0xFFFF  }
0xc1: {  	[dreg:$0x0] =	wrdreg $0xFFFFFFFF;
	(pc) =	sbr.abs _section_cstart, $3  }
0xc2: {  	[dreg:$0x1] =	wrdreg $0xFFFFFFFF  }
0xc3: {  	_ =	task.clear_ibuf [dreg:s7], $0x2FFFF;
	_ =	strace $0x9FFFFFFF  }
0xc4: {  	(tm) =	ssettm $0x7FFFFFFF  }
0xc5: {  	_ =	shalt  }
tec
execute0_lowered:
.L_overlay_start_1:
0x0: {  	(tag) =	ssettag $0x1  }
0x1: {  	s5 =	rddreg [dreg:$0x0]  }
0x2: {  	s10 =	rddreg [dreg:$0x1]  }
0x3: {  	s2 =	rddreg [dreg:$0x2]  }
0x4: {  	s1 =	srdreg.scid;
	s0 =	stileid.u32  }
0x5: {  	s3 =	rddreg [dreg:$0x3];
	s4 =	simm.s32 $0x0;
	s16 =	simm.s32 $0xA000  }
0x6: {  	s17 =	simm.s32 $0x1;
	s8 =	sand.u32 $0x1, s1;
	s1 =	rddreg [dreg:$0x4]  }
0x7: {  	s21 =	simm.s32 $0x0;
	s6 =	sshll.u32 s0, $0x1;
	[smem:$0x7FF] =	sst s4  }
0x8: {  	s11 =	smul.u32 $0x280, s0;
	s12 =	sadd.s32 $0x2AA00, s5;
	s13 =	sadd.s32 $0x2A400, s5  }
0x9: {  	s14 =	sadd.s32 $0x2B000, s5;
	s18 =	sshll.u32 s0, $0x6;
	s6 =	sor.u32 s8, s6  }
0xa: {  	_ =	strace $0x80000047;
	s31 =	ssub.s32 $0x2, s8;
	p0 =	seq.s32 s8, $0x1  }
0xb: {  	s18 =	sor.u32 $0x1C02, s18;
	s6 =	smul.u32 $0xA00, s6;
	s7 =	sshrl.u32 s31, $0x1  }
0xc: {  	s10 =	smov.u32 @p0 s13;
	s12 =	smov.u32 @p0 s14;
	s13 =	simm.s32 $0x2  }
0xd: {  	s14 =	simm.s32 $0x5000;
	s15 =	ssub.s32 s31, s7;
	s9 =	sadd.s32 s6, s5  }
0xe: {  	s5 =	sadd.s32 s11, s2;
	s6 =	sadd.s32 s11, s3;
	s11 =	sshrl.u32 s11, $0x3  }
0xf: {  	s7 =	sadd.s32 $0x2400, s9;
	s8 =	sadd.s32 $0x16400, s9;
	s9 =	smax.u32 s15, $0x1  }
0x10: {  	s10 =	sadd.s32 s10, s11;
	s11 =	sadd.s32 s12, s11;
	s12 =	simm.s32 $0xA080  }
0x11: {  	v0 =	vimm.f32 $0.0e+00;
	v1 =	vimm.f32 $1.000000000e+00;
	s15 =	simm.s32 $0x40;
	s19 =	sshrl.u32 s5, $0x3;
	s20 =	sshrl.u32 s6, $0x3  }
.LBB2_1:
0x12: {  	[tilespmem:$0xA080] =	vst v0  }
0x13: {  	[tilespmem:$0xA090] =	vst v0  }
0x14: {  	[tilespmem:$0xA0A0] =	vst v0  }
0x15: {  	[tilespmem:$0xA0B0] =	vst v0  }
0x16: {  	[tilespmem:$0xA0C0] =	vst v0  }
0x17: {  	[tilespmem:$0xA0D0] =	vst v0  }
0x18: {  	[tilespmem:$0xA0E0] =	vst v0  }
0x19: {  	[tilespmem:$0xA0F0] =	vst v0  }
0x1a: {  	[tilespmem:$0xA100] =	vst v0  }
0x1b: {  	[tilespmem:$0xA110] =	vst v0  }
0x1c: {  	[tilespmem:$0xA120] =	vst v0  }
0x1d: {  	[tilespmem:$0xA130] =	vst v0  }
0x1e: {  	[tilespmem:$0xA140] =	vst v0  }
0x1f: {  	[tilespmem:$0xA150] =	vst v0  }
0x20: {  	[tilespmem:$0xA160] =	vst v0  }
0x21: {  	[tilespmem:$0xA170] =	vst v0  }
0x22: {  	[tilespmem:$0xA180] =	vst v0  }
0x23: {  	[tilespmem:$0xA190] =	vst v0  }
0x24: {  	[tilespmem:$0xA1A0] =	vst v0  }
0x25: {  	[tilespmem:$0xA1B0] =	vst v0  }
0x26: {  	[tilespmem:$0xA1C0] =	vst v0  }
0x27: {  	[tilespmem:$0xA1D0] =	vst v0  }
0x28: {  	[tilespmem:$0xA1E0] =	vst v0  }
0x29: {  	[tilespmem:$0xA1F0] =	vst v0  }
0x2a: {  	[tilespmem:$0xA200] =	vst v0  }
0x2b: {  	[tilespmem:$0xA210] =	vst v0  }
0x2c: {  	[tilespmem:$0xA220] =	vst v0  }
0x2d: {  	[tilespmem:$0xA230] =	vst v0  }
0x2e: {  	[tilespmem:$0xA240] =	vst v0  }
0x2f: {  	[tilespmem:$0xA250] =	vst v0  }
0x30: {  	[tilespmem:$0xA260] =	vst v0  }
0x31: {  	[tilespmem:$0xA270] =	vst v0  }
0x32: {  	[tilespmem:$0xA280] =	vst v0  }
0x33: {  	[tilespmem:$0xA290] =	vst v0  }
0x34: {  	[tilespmem:$0xA2A0] =	vst v0  }
0x35: {  	[tilespmem:$0xA2B0] =	vst v0  }
0x36: {  	[tilespmem:$0xA2C0] =	vst v0  }
0x37: {  	[tilespmem:$0xA2D0] =	vst v0  }
0x38: {  	[tilespmem:$0xA2E0] =	vst v0  }
0x39: {  	[tilespmem:$0xA2F0] =	vst v0  }
0x3a: {  	[tilespmem:$0xA000] =	vst v1  }
0x3b: {  	[tilespmem:$0xA010] =	vst v1  }
0x3c: {  	[tilespmem:$0xA020] =	vst v1  }
0x3d: {  	[tilespmem:$0xA030] =	vst v1  }
0x3e: {  	[spmem:s5] =	stream.linear.scatter [tilespmem:s12], [sflag:$0x2], $0x280, $0x38;
	[tilespmem:$0xA800] =	vst v63  }
0x3f: {  	_ =	swait.ge [sflag:s13], $0x280  }
0x40: {  	[sflag:s13] =	ssyncset.done $0x0  }
0x41: {  	[sflag:s13] =	ssyncadd.s32 $0xFFFFFD80  }
0x42: {  	[spmem:s6] =	stream.linear.scatter [tilespmem:s12], [sflag:$0x2], $0x280, $0x38;
	[tilespmem:$0xA800] =	vst v63  }
0x43: {  	_ =	swait.ge [sflag:s13], $0x280  }
0x44: {  	[sflag:s13] =	ssyncset.done $0x0  }
0x45: {  	[sflag:s13] =	ssyncadd.s32 $0xFFFFFD80  }
0x46: {  	[tilespmem:s4], [sflag:$0x2] =	stream.linear.gather [hbm4b:s7+s4], $0x5000, $0x38;
	[tilespmem:$0xA800] =	vst v63  }
0x47: {  	_ =	swait.ge [sflag:s13], $0x5000  }
0x48: {  	[sflag:s13] =	ssyncset.done $0x0  }
0x49: {  	[sflag:s13] =	ssyncadd.s32 $0xFFFFB000  }
0x4a: {  	[tilespmem:s14], [sflag:$0x2] =	stream.linear.gather [hbm4b:s8+s4], $0x5000, $0x38;
	[tilespmem:$0xA800] =	vst v63  }
0x4b: {  	_ =	swait.ge [sflag:s13], $0x5000  }
0x4c: {  	[sflag:s13] =	ssyncset.done $0x0  }
0x4d: {  	[sflag:s13] =	ssyncadd.s32 $0xFFFFB000  }
0x4e: {  	s22 =	simm.s32 $0x0;
	[bflag:$0x0] =	sbarrier.arrive $0xFFFF  }
0x4f: {  	[spmem:s2] =	stream.indirect.scatter.add.f32 [tilespmem:s16], [sflag:$0x1], $0x1, s22, s15, $0xb8;
	[tilespmem:$0xA800] =	vst v63  }
0x50: {  	s24 =	simm.s32 $0x5000  }
0x51: {  	[spmem:s3] =	stream.indirect.scatter.add.f32 [tilespmem:s16], [sflag:$0x1], $0x1, s24, s15, $0xb8;
	[tilespmem:$0xA800] =	vst v63  }
0x52: {  	s25 =	simm.s32 $0x80  }
0x53: {  	[spmem:s2] =	stream.indirect.scatter.add.f32 [tilespmem:s16], [sflag:$0x1], $0x1, s25, s15, $0xb8;
	[tilespmem:$0xA800] =	vst v63  }
0x54: {  	s26 =	simm.s32 $0x5080  }
0x55: {  	[spmem:s3] =	stream.indirect.scatter.add.f32 [tilespmem:s16], [sflag:$0x1], $0x1, s26, s15, $0xb8;
	[tilespmem:$0xA800] =	vst v63  }
0x56: {  	s28 =	simm.s32 $0x100  }
0x57: {  	[spmem:s2] =	stream.indirect.scatter.add.f32 [tilespmem:s16], [sflag:$0x1], $0x1, s28, s15, $0xb8;
	[tilespmem:$0xA800] =	vst v63  }
0x58: {  	s29 =	simm.s32 $0x5100  }
0x59: {  	[spmem:s3] =	stream.indirect.scatter.add.f32 [tilespmem:s16], [sflag:$0x1], $0x1, s29, s15, $0xb8;
	[tilespmem:$0xA800] =	vst v63  }
0x5a: {  	s30 =	simm.s32 $0x180  }
0x5b: {  	[spmem:s2] =	stream.indirect.scatter.add.f32 [tilespmem:s16], [sflag:$0x1], $0x1, s30, s15, $0xb8;
	[tilespmem:$0xA800] =	vst v63  }
0x5c: {  	s31 =	simm.s32 $0x5180  }
0x5d: {  	[spmem:s3] =	stream.indirect.scatter.add.f32 [tilespmem:s16], [sflag:$0x1], $0x1, s31, s15, $0xb8;
	[tilespmem:$0xA800] =	vst v63  }
0x5e: {  	_ =	swait.ge [sflag:s17], $0x40  }
0x5f: {  	[sflag:s17] =	ssyncset.done $0x0  }
0x60: {  	[sflag:s17] =	ssyncadd.s32 $0xFFFFFFC0  }
0x61: {  	_ =	swait.ge [sflag:s17], $0x40  }
0x62: {  	[sflag:s17] =	ssyncset.done $0x0  }
0x63: {  	[sflag:s17] =	ssyncadd.s32 $0xFFFFFFC0  }
0x64: {  	_ =	swait.ge [sflag:s17], $0x40  }
0x65: {  	[sflag:s17] =	ssyncset.done $0x0  }
0x66: {  	[sflag:s17] =	ssyncadd.s32 $0xFFFFFFC0  }
0x67: {  	_ =	swait.ge [sflag:s17], $0x40  }
0x68: {  	[sflag:s17] =	ssyncset.done $0x0  }
0x69: {  	[sflag:s17] =	ssyncadd.s32 $0xFFFFFFC0  }
0x6a: {  	_ =	swait.ge [sflag:s17], $0x40  }
0x6b: {  	[sflag:s17] =	ssyncset.done $0x0  }
0x6c: {  	[sflag:s17] =	ssyncadd.s32 $0xFFFFFFC0  }
0x6d: {  	_ =	swait.ge [sflag:s17], $0x40  }
0x6e: {  	[sflag:s17] =	ssyncset.done $0x0  }
0x6f: {  	[sflag:s17] =	ssyncadd.s32 $0xFFFFFFC0  }
0x70: {  	_ =	swait.ge [sflag:s17], $0x40  }
0x71: {  	[sflag:s17] =	ssyncset.done $0x0  }
0x72: {  	[sflag:s17] =	ssyncadd.s32 $0xFFFFFFC0  }
0x73: {  	_ =	swait.ge [sflag:s17], $0x40  }
0x74: {  	[sflag:s17] =	ssyncset.done $0x0  }
0x75: {  	s23 =	simm.s32 $0x200;
	[sflag:s17] =	ssyncadd.s32 $0xFFFFFFC0  }
0x76: {  	[spmem:s2] =	stream.indirect.scatter.add.f32 [tilespmem:s16], [sflag:$0x1], $0x1, s23, s15, $0xb8;
	[tilespmem:$0xA800] =	vst v63  }
0x77: {  	s24 =	simm.s32 $0x5200  }
0x78: {  	[spmem:s3] =	stream.indirect.scatter.add.f32 [tilespmem:s16], [sflag:$0x1], $0x1, s24, s15, $0xb8;
	[tilespmem:$0xA800] =	vst v63  }
0x79: {  	s25 =	simm.s32 $0x280  }
0x7a: {  	[spmem:s2] =	stream.indirect.scatter.add.f32 [tilespmem:s16], [sflag:$0x1], $0x1, s25, s15, $0xb8;
	[tilespmem:$0xA800] =	vst v63  }
0x7b: {  	s26 =	simm.s32 $0x5280  }
0x7c: {  	[spmem:s3] =	stream.indirect.scatter.add.f32 [tilespmem:s16], [sflag:$0x1], $0x1, s26, s15, $0xb8;
	[tilespmem:$0xA800] =	vst v63  }
0x7d: {  	s28 =	simm.s32 $0x300  }
0x7e: {  	[spmem:s2] =	stream.indirect.scatter.add.f32 [tilespmem:s16], [sflag:$0x1], $0x1, s28, s15, $0xb8;
	[tilespmem:$0xA800] =	vst v63  }
0x7f: {  	s29 =	simm.s32 $0x5300  }
0x80: {  	[spmem:s3] =	stream.indirect.scatter.add.f32 [tilespmem:s16], [sflag:$0x1], $0x1, s29, s15, $0xb8;
	[tilespmem:$0xA800] =	vst v63  }
0x81: {  	s30 =	simm.s32 $0x380  }
0x82: {  	[spmem:s2] =	stream.indirect.scatter.add.f32 [tilespmem:s16], [sflag:$0x1], $0x1, s30, s15, $0xb8;
	[tilespmem:$0xA800] =	vst v63  }
0x83: {  	s31 =	simm.s32 $0x5380  }
0x84: {  	[spmem:s3] =	stream.indirect.scatter.add.f32 [tilespmem:s16], [sflag:$0x1], $0x1, s31, s15, $0xb8;
	[tilespmem:$0xA800] =	vst v63  }
0x85: {  	_ =	swait.ge [sflag:s17], $0x40  }
0x86: {  	[sflag:s17] =	ssyncset.done $0x0  }
0x87: {  	[sflag:s17] =	ssyncadd.s32 $0xFFFFFFC0  }
0x88: {  	_ =	swait.ge [sflag:s17], $0x40  }
0x89: {  	[sflag:s17] =	ssyncset.done $0x0  }
0x8a: {  	[sflag:s17] =	ssyncadd.s32 $0xFFFFFFC0  }
0x8b: {  	_ =	swait.ge [sflag:s17], $0x40  }
0x8c: {  	[sflag:s17] =	ssyncset.done $0x0  }
0x8d: {  	[sflag:s17] =	ssyncadd.s32 $0xFFFFFFC0  }
0x8e: {  	_ =	swait.ge [sflag:s17], $0x40  }
0x8f: {  	[sflag:s17] =	ssyncset.done $0x0  }
0x90: {  	[sflag:s17] =	ssyncadd.s32 $0xFFFFFFC0  }
0x91: {  	_ =	swait.ge [sflag:s17], $0x40  }
0x92: {  	[sflag:s17] =	ssyncset.done $0x0  }
0x93: {  	[sflag:s17] =	ssyncadd.s32 $0xFFFFFFC0  }
0x94: {  	_ =	swait.ge [sflag:s17], $0x40  }
0x95: {  	[sflag:s17] =	ssyncset.done $0x0  }
0x96: {  	[sflag:s17] =	ssyncadd.s32 $0xFFFFFFC0  }
0x97: {  	_ =	swait.ge [sflag:s17], $0x40  }
0x98: {  	[sflag:s17] =	ssyncset.done $0x0  }
0x99: {  	[sflag:s17] =	ssyncadd.s32 $0xFFFFFFC0  }
0x9a: {  	_ =	swait.ge [sflag:s17], $0x40  }
0x9b: {  	s22 =	simm.s32 $0x1000;
	s25 =	simm.s32 $0x2000;
	[sflag:s17] =	ssyncset.done $0x0  }
.LBB2_2:
0x9c: {  	s24 =	sshra.s32 s22, $0x2  }
0x9d: {  	[sflag:s17] =	ssyncadd.s32 $0xFFFFFFC0;
	s22 =	smov.u32 s25;
	s23 =	sadd.s32 $0x1000, s25  }
0x9e: {  	[spmem:s2] =	stream.indirect.scatter.add.f32 [tilespmem:s16], [sflag:$0x1], $0x1, s24, s15, $0xb8;
	[tilespmem:$0xA800] =	vst v63  }
0x9f: {  	p0 =	sne.s32 s25, $0x13000;
	s25 =	sadd.s32 $0x5000, s24  }
0xa0: {  	[spmem:s3] =	stream.indirect.scatter.add.f32 [tilespmem:s16], [sflag:$0x1], $0x1, s25, s15, $0xb8;
	[tilespmem:$0xA800] =	vst v63  }
0xa1: {  	s25 =	sadd.s32 $0x80, s24  }
0xa2: {  	[spmem:s2] =	stream.indirect.scatter.add.f32 [tilespmem:s16], [sflag:$0x1], $0x1, s25, s15, $0xb8;
	[tilespmem:$0xA800] =	vst v63  }
0xa3: {  	s25 =	sadd.s32 $0x5080, s24  }
0xa4: {  	[spmem:s3] =	stream.indirect.scatter.add.f32 [tilespmem:s16], [sflag:$0x1], $0x1, s25, s15, $0xb8;
	[tilespmem:$0xA800] =	vst v63  }
0xa5: {  	s25 =	sadd.s32 $0x100, s24  }
0xa6: {  	[spmem:s2] =	stream.indirect.scatter.add.f32 [tilespmem:s16], [sflag:$0x1], $0x1, s25, s15, $0xb8;
	[tilespmem:$0xA800] =	vst v63  }
0xa7: {  	s25 =	sadd.s32 $0x5100, s24  }
0xa8: {  	[spmem:s3] =	stream.indirect.scatter.add.f32 [tilespmem:s16], [sflag:$0x1], $0x1, s25, s15, $0xb8;
	[tilespmem:$0xA800] =	vst v63  }
0xa9: {  	s25 =	sadd.s32 $0x180, s24  }
0xaa: {  	[spmem:s2] =	stream.indirect.scatter.add.f32 [tilespmem:s16], [sflag:$0x1], $0x1, s25, s15, $0xb8;
	[tilespmem:$0xA800] =	vst v63  }
0xab: {  	s25 =	sadd.s32 $0x5180, s24  }
0xac: {  	[spmem:s3] =	stream.indirect.scatter.add.f32 [tilespmem:s16], [sflag:$0x1], $0x1, s25, s15, $0xb8;
	[tilespmem:$0xA800] =	vst v63  }
0xad: {  	_ =	swait.ge [sflag:s17], $0x40  }
0xae: {  	[sflag:s17] =	ssyncset.done $0x0  }
0xaf: {  	[sflag:s17] =	ssyncadd.s32 $0xFFFFFFC0  }
0xb0: {  	_ =	swait.ge [sflag:s17], $0x40  }
0xb1: {  	[sflag:s17] =	ssyncset.done $0x0  }
0xb2: {  	[sflag:s17] =	ssyncadd.s32 $0xFFFFFFC0  }
0xb3: {  	_ =	swait.ge [sflag:s17], $0x40  }
0xb4: {  	[sflag:s17] =	ssyncset.done $0x0  }
0xb5: {  	[sflag:s17] =	ssyncadd.s32 $0xFFFFFFC0  }
0xb6: {  	_ =	swait.ge [sflag:s17], $0x40  }
0xb7: {  	[sflag:s17] =	ssyncset.done $0x0  }
0xb8: {  	[sflag:s17] =	ssyncadd.s32 $0xFFFFFFC0  }
0xb9: {  	_ =	swait.ge [sflag:s17], $0x40  }
0xba: {  	[sflag:s17] =	ssyncset.done $0x0  }
0xbb: {  	[sflag:s17] =	ssyncadd.s32 $0xFFFFFFC0  }
0xbc: {  	_ =	swait.ge [sflag:s17], $0x40  }
0xbd: {  	[sflag:s17] =	ssyncset.done $0x0  }
0xbe: {  	[sflag:s17] =	ssyncadd.s32 $0xFFFFFFC0  }
0xbf: {  	_ =	swait.ge [sflag:s17], $0x40  }
0xc0: {  	[sflag:s17] =	ssyncset.done $0x0  }
0xc1: {  	[sflag:s17] =	ssyncadd.s32 $0xFFFFFFC0  }
0xc2: {  	_ =	swait.ge [sflag:s17], $0x40  }
0xc3: {  	[sflag:s17] =	ssyncset.done $0x0  }
0xc4: {  	s25 =	sadd.s32 $0x200, s24;
	[sflag:s17] =	ssyncadd.s32 $0xFFFFFFC0  }
0xc5: {  	[spmem:s2] =	stream.indirect.scatter.add.f32 [tilespmem:s16], [sflag:$0x1], $0x1, s25, s15, $0xb8;
	[tilespmem:$0xA800] =	vst v63  }
0xc6: {  	s25 =	sadd.s32 $0x5200, s24  }
0xc7: {  	[spmem:s3] =	stream.indirect.scatter.add.f32 [tilespmem:s16], [sflag:$0x1], $0x1, s25, s15, $0xb8;
	[tilespmem:$0xA800] =	vst v63  }
0xc8: {  	s25 =	sadd.s32 $0x280, s24  }
0xc9: {  	[spmem:s2] =	stream.indirect.scatter.add.f32 [tilespmem:s16], [sflag:$0x1], $0x1, s25, s15, $0xb8;
	[tilespmem:$0xA800] =	vst v63  }
0xca: {  	s25 =	sadd.s32 $0x5280, s24  }
0xcb: {  	[spmem:s3] =	stream.indirect.scatter.add.f32 [tilespmem:s16], [sflag:$0x1], $0x1, s25, s15, $0xb8;
	[tilespmem:$0xA800] =	vst v63  }
0xcc: {  	s25 =	sadd.s32 $0x300, s24  }
0xcd: {  	[spmem:s2] =	stream.indirect.scatter.add.f32 [tilespmem:s16], [sflag:$0x1], $0x1, s25, s15, $0xb8;
	[tilespmem:$0xA800] =	vst v63  }
0xce: {  	s25 =	sadd.s32 $0x5300, s24  }
0xcf: {  	[spmem:s3] =	stream.indirect.scatter.add.f32 [tilespmem:s16], [sflag:$0x1], $0x1, s25, s15, $0xb8;
	[tilespmem:$0xA800] =	vst v63  }
0xd0: {  	s25 =	sadd.s32 $0x380, s24  }
0xd1: {  	[spmem:s2] =	stream.indirect.scatter.add.f32 [tilespmem:s16], [sflag:$0x1], $0x1, s25, s15, $0xb8;
	[tilespmem:$0xA800] =	vst v63  }
0xd2: {  	s24 =	sadd.s32 $0x5380, s24  }
0xd3: {  	[spmem:s3] =	stream.indirect.scatter.add.f32 [tilespmem:s16], [sflag:$0x1], $0x1, s24, s15, $0xb8;
	[tilespmem:$0xA800] =	vst v63  }
0xd4: {  	_ =	swait.ge [sflag:s17], $0x40  }
0xd5: {  	[sflag:s17] =	ssyncset.done $0x0  }
0xd6: {  	[sflag:s17] =	ssyncadd.s32 $0xFFFFFFC0  }
0xd7: {  	_ =	swait.ge [sflag:s17], $0x40  }
0xd8: {  	[sflag:s17] =	ssyncset.done $0x0  }
0xd9: {  	[sflag:s17] =	ssyncadd.s32 $0xFFFFFFC0  }
0xda: {  	_ =	swait.ge [sflag:s17], $0x40  }
0xdb: {  	[sflag:s17] =	ssyncset.done $0x0  }
0xdc: {  	[sflag:s17] =	ssyncadd.s32 $0xFFFFFFC0  }
0xdd: {  	_ =	swait.ge [sflag:s17], $0x40  }
0xde: {  	[sflag:s17] =	ssyncset.done $0x0  }
0xdf: {  	[sflag:s17] =	ssyncadd.s32 $0xFFFFFFC0  }
0xe0: {  	_ =	swait.ge [sflag:s17], $0x40  }
0xe1: {  	[sflag:s17] =	ssyncset.done $0x0  }
0xe2: {  	[sflag:s17] =	ssyncadd.s32 $0xFFFFFFC0  }
0xe3: {  	_ =	swait.ge [sflag:s17], $0x40  }
0xe4: {  	[sflag:s17] =	ssyncset.done $0x0  }
0xe5: {  	[sflag:s17] =	ssyncadd.s32 $0xFFFFFFC0  }
.Ltmp0:
0xe6: {  	_ =	swait.ge [sflag:s17], $0x40;
	(pc) =	sbr.rel @p0 .LBB2_2-.Ltmp0, $4  }
0xe7: {  	[sflag:s17] =	ssyncset.done $0x0  }
0xe8: {  	[sflag:s17] =	ssyncadd.s32 $0xFFFFFFC0  }
0xe9: {  	_ =	swait.ge [sflag:s17], $0x40  }
0xea: {  	s25 =	smov.u32 s23;
	[sflag:s17] =	ssyncset.done $0x0  }
0xeb: {  	s22 =	sshra.s32 s22, $0x2;
	[sflag:s17] =	ssyncadd.s32 $0xFFFFFFC0  }
0xec: {  	[spmem:s2] =	stream.indirect.scatter.add.f32 [tilespmem:s16], [sflag:$0x1], $0x1, s22, s15, $0xb8;
	[tilespmem:$0xA800] =	vst v63  }
0xed: {  	s23 =	sadd.s32 $0x5000, s22  }
0xee: {  	[spmem:s3] =	stream.indirect.scatter.add.f32 [tilespmem:s16], [sflag:$0x1], $0x1, s23, s15, $0xb8;
	[tilespmem:$0xA800] =	vst v63  }
0xef: {  	s25 =	sadd.s32 $0x80, s22  }
0xf0: {  	[spmem:s2] =	stream.indirect.scatter.add.f32 [tilespmem:s16], [sflag:$0x1], $0x1, s25, s15, $0xb8;
	[tilespmem:$0xA800] =	vst v63  }
0xf1: {  	s26 =	sadd.s32 $0x5080, s22  }
0xf2: {  	[spmem:s3] =	stream.indirect.scatter.add.f32 [tilespmem:s16], [sflag:$0x1], $0x1, s26, s15, $0xb8;
	[tilespmem:$0xA800] =	vst v63  }
0xf3: {  	s28 =	sadd.s32 $0x100, s22  }
0xf4: {  	[spmem:s2] =	stream.indirect.scatter.add.f32 [tilespmem:s16], [sflag:$0x1], $0x1, s28, s15, $0xb8;
	[tilespmem:$0xA800] =	vst v63  }
0xf5: {  	s29 =	sadd.s32 $0x5100, s22  }
0xf6: {  	[spmem:s3] =	stream.indirect.scatter.add.f32 [tilespmem:s16], [sflag:$0x1], $0x1, s29, s15, $0xb8;
	[tilespmem:$0xA800] =	vst v63  }
0xf7: {  	s30 =	sadd.s32 $0x180, s22  }
0xf8: {  	[spmem:s2] =	stream.indirect.scatter.add.f32 [tilespmem:s16], [sflag:$0x1], $0x1, s30, s15, $0xb8;
	[tilespmem:$0xA800] =	vst v63  }
0xf9: {  	s31 =	sadd.s32 $0x5180, s22  }
0xfa: {  	[spmem:s3] =	stream.indirect.scatter.add.f32 [tilespmem:s16], [sflag:$0x1], $0x1, s31, s15, $0xb8;
	[tilespmem:$0xA800] =	vst v63  }
0xfb: {  	_ =	swait.ge [sflag:s17], $0x40  }
0xfc: {  	[sflag:s17] =	ssyncset.done $0x0  }
0xfd: {  	[sflag:s17] =	ssyncadd.s32 $0xFFFFFFC0  }
0xfe: {  	_ =	swait.ge [sflag:s17], $0x40  }
0xff: {  	[sflag:s17] =	ssyncset.done $0x0  }
0x100: {  	[sflag:s17] =	ssyncadd.s32 $0xFFFFFFC0  }
0x101: {  	_ =	swait.ge [sflag:s17], $0x40  }
0x102: {  	[sflag:s17] =	ssyncset.done $0x0  }
0x103: {  	[sflag:s17] =	ssyncadd.s32 $0xFFFFFFC0  }
0x104: {  	_ =	swait.ge [sflag:s17], $0x40  }
0x105: {  	[sflag:s17] =	ssyncset.done $0x0  }
0x106: {  	[sflag:s17] =	ssyncadd.s32 $0xFFFFFFC0  }
0x107: {  	_ =	swait.ge [sflag:s17], $0x40  }
0x108: {  	[sflag:s17] =	ssyncset.done $0x0  }
0x109: {  	[sflag:s17] =	ssyncadd.s32 $0xFFFFFFC0  }
0x10a: {  	_ =	swait.ge [sflag:s17], $0x40  }
0x10b: {  	[sflag:s17] =	ssyncset.done $0x0  }
0x10c: {  	[sflag:s17] =	ssyncadd.s32 $0xFFFFFFC0  }
0x10d: {  	_ =	swait.ge [sflag:s17], $0x40  }
0x10e: {  	[sflag:s17] =	ssyncset.done $0x0  }
0x10f: {  	[sflag:s17] =	ssyncadd.s32 $0xFFFFFFC0  }
0x110: {  	_ =	swait.ge [sflag:s17], $0x40  }
0x111: {  	[sflag:s17] =	ssyncset.done $0x0  }
0x112: {  	s24 =	sadd.s32 $0x200, s22;
	[sflag:s17] =	ssyncadd.s32 $0xFFFFFFC0  }
0x113: {  	[spmem:s2] =	stream.indirect.scatter.add.f32 [tilespmem:s16], [sflag:$0x1], $0x1, s24, s15, $0xb8;
	[tilespmem:$0xA800] =	vst v63  }
0x114: {  	s25 =	sadd.s32 $0x5200, s22  }
0x115: {  	[spmem:s3] =	stream.indirect.scatter.add.f32 [tilespmem:s16], [sflag:$0x1], $0x1, s25, s15, $0xb8;
	[tilespmem:$0xA800] =	vst v63  }
0x116: {  	s26 =	sadd.s32 $0x280, s22  }
0x117: {  	[spmem:s2] =	stream.indirect.scatter.add.f32 [tilespmem:s16], [sflag:$0x1], $0x1, s26, s15, $0xb8;
	[tilespmem:$0xA800] =	vst v63  }
0x118: {  	s28 =	sadd.s32 $0x5280, s22  }
0x119: {  	[spmem:s3] =	stream.indirect.scatter.add.f32 [tilespmem:s16], [sflag:$0x1], $0x1, s28, s15, $0xb8;
	[tilespmem:$0xA800] =	vst v63  }
0x11a: {  	s29 =	sadd.s32 $0x300, s22  }
0x11b: {  	[spmem:s2] =	stream.indirect.scatter.add.f32 [tilespmem:s16], [sflag:$0x1], $0x1, s29, s15, $0xb8;
	[tilespmem:$0xA800] =	vst v63  }
0x11c: {  	s30 =	sadd.s32 $0x5300, s22  }
0x11d: {  	[spmem:s3] =	stream.indirect.scatter.add.f32 [tilespmem:s16], [sflag:$0x1], $0x1, s30, s15, $0xb8;
	[tilespmem:$0xA800] =	vst v63  }
0x11e: {  	s31 =	sadd.s32 $0x380, s22  }
0x11f: {  	[spmem:s2] =	stream.indirect.scatter.add.f32 [tilespmem:s16], [sflag:$0x1], $0x1, s31, s15, $0xb8;
	[tilespmem:$0xA800] =	vst v63  }
0x120: {  	s22 =	sadd.s32 $0x5380, s22  }
0x121: {  	[spmem:s3] =	stream.indirect.scatter.add.f32 [tilespmem:s16], [sflag:$0x1], $0x1, s22, s15, $0xb8;
	[tilespmem:$0xA800] =	vst v63  }
0x122: {  	_ =	swait.ge [sflag:s17], $0x40  }
0x123: {  	[sflag:s17] =	ssyncset.done $0x0  }
0x124: {  	[sflag:s17] =	ssyncadd.s32 $0xFFFFFFC0  }
0x125: {  	_ =	swait.ge [sflag:s17], $0x40  }
0x126: {  	[sflag:s17] =	ssyncset.done $0x0  }
0x127: {  	[sflag:s17] =	ssyncadd.s32 $0xFFFFFFC0  }
0x128: {  	_ =	swait.ge [sflag:s17], $0x40  }
0x129: {  	[sflag:s17] =	ssyncset.done $0x0  }
0x12a: {  	[sflag:s17] =	ssyncadd.s32 $0xFFFFFFC0  }
0x12b: {  	_ =	swait.ge [sflag:s17], $0x40  }
0x12c: {  	[sflag:s17] =	ssyncset.done $0x0  }
0x12d: {  	[sflag:s17] =	ssyncadd.s32 $0xFFFFFFC0  }
0x12e: {  	_ =	swait.ge [sflag:s17], $0x40  }
0x12f: {  	[sflag:s17] =	ssyncset.done $0x0  }
0x130: {  	[sflag:s17] =	ssyncadd.s32 $0xFFFFFFC0  }
0x131: {  	_ =	swait.ge [sflag:s17], $0x40  }
0x132: {  	[sflag:s17] =	ssyncset.done $0x0  }
0x133: {  	[sflag:s17] =	ssyncadd.s32 $0xFFFFFFC0  }
0x134: {  	_ =	swait.ge [sflag:s17], $0x40  }
0x135: {  	[sflag:s17] =	ssyncset.done $0x0  }
0x136: {  	[sflag:s17] =	ssyncadd.s32 $0xFFFFFFC0  }
0x137: {  	_ =	swait.ge [sflag:s17], $0x40  }
0x138: {  	[sflag:s17] =	ssyncset.done $0x0  }
0x139: {  	[sflag:s17] =	ssyncadd.s32 $0xFFFFFFC0  }
0x13a: {  	[bflag:$0x0] =	sbarrier.arrive $0xFFFF  }
0x13b: {  	[hbm:s10], [sflag:s18] =	dma.local [spmem:s19], $0x50  }
0x13c: {  	s21 =	sadd.s32 $0x1, s21;
	_ =	swait.ge [sflag:s13], $0x50  }
0x13d: {  	p0 =	sne.s32 s21, s9;
	[sflag:s13] =	ssyncset.done $0x0  }
.Ltmp1:
0x13e: {  	[sflag:s13] =	ssyncadd.s32 $0xFFFFFFB0;
	(pc) =	sbr.rel @p0 .LBB2_1-.Ltmp1, $4  }
0x13f: {  	[hbm:s11], [sflag:s18] =	dma.local [spmem:s20], $0x50  }
0x140: {  	_ =	swait.ge [sflag:s13], $0x50  }
0x141: {  	[sflag:s13] =	ssyncset.done $0x0  }
0x142: {  	[sflag:s13] =	ssyncadd.s32 $0xFFFFFFB0  }
0x143: {  	_ =	sfence.sel $0x180000  }
0x144: {  	[bflag:$0x0] =	sbarrier.arrive $0xFFFF  }
0x145: {  	p0 =	sne.s32 s0, $0x0;
	_ =	strace $0x90000047  }
0x146: {  	s0 =	sadd.s32 @!p0 $0x100000, s1;
	[bflag:$0x2] =	sbarrier.arrive $0xFFFF  }
0x147: {  	[sflag:s0] =	ssyncadd.tile.s32 @!p0 $0x1;
	_ =	shalt  }
.Lfunc_end2:
_tile_overlayer_lowered:
.L_overlay_start_2:
0x148: {  	(tag) =	ssettag $0x2  }
0x149: {  	s0 =	rddreg [dreg:$0x0];
	s2 =	stileid.u32  }
0x14a: {  	s1 =	rddreg [dreg:$0x1];
	p0 =	sne.s32 s2, $0x0  }
0x14b: {  	s3 =	rddreg [dreg:$0x2];
	[bflag:$0x3] =	sbarrier.arrive $0xFFFF;
	s2 =	simm.s32 @!p0 $0x1C02  }
0x14c: {  	[timem:s3], [sflag:s2] =	dma.local @!p0 [hbm:s0], s1  }
0x14d: {  	s0 =	simm.s32 @!p0 $0x2  }
0x14e: {  	_ =	swait.ge @!p0 [sflag:s0], s1  }
0x14f: {  	s1 =	ssub.s32 @!p0 $0x0, s1;
	[sflag:s0] =	ssyncset.done @!p0 $0x0  }
0x150: {  	[sflag:s0] =	ssyncadd.s32 @!p0 s1  }
0x151: {  	[bflag:$0x3] =	sbarrier.arrive $0xFFFF  }
0x152: {  	_ =	shalt  }

// kernel: kernel.9.cloned.1.call-start
scs
__scs_entry_jumppad:
0x0: {  	(pc) =	sbr.rel $0x88, $3  }
0x1: {  	(tag) =	ssettag $0x0;
	lr =	simm.s32 $0x1  }
0x2: {  	[smem:$0x3F9E] =	sst lr;
	_ =	strace $0xD0000000  }
0x3: {  	_ = 	snop  }
0x4: {  	_ = 	snop  }
0x5: {  	_ = 	snop  }
0x6: {  	_ = 	snop  }
0x7: {  	_ = 	snop  }
__scs_overlays_trampoline_lowered:
0x8: {  	[smem:$0x3FAD] =	sst s0  }
0x9: {  	[smem:$0x3FAE] =	sst s1  }
0xa: {  	[smem:$0x3FAF] =	sst s2  }
0xb: {  	[smem:$0x3FB0] =	sst s3  }
0xc: {  	[smem:$0x3FB1] =	sst s4  }
0xd: {  	[smem:$0x3FB2] =	sst s5  }
0xe: {  	[smem:$0x3FB3] =	sst s6  }
0xf: {  	[smem:$0x3FB4] =	sst s7  }
0x10: {  	[smem:$0x3FB5] =	sst s8  }
0x11: {  	[smem:$0x3FB6] =	sst s9;
	s0 =	simm.s32 @!p0 $0x0  }
0x12: {  	s1 =	sld [smem:$0x3F9C];
	s0 =	simm.s32 @p0 $0x1  }
0x13: {  	[smem:$0x3FB7] =	sst s0;
	s0 =	simm.s32 @!p1 $0x0  }
0x14: {  	s2 =	sld [smem:$0x3F9B];
	s0 =	simm.s32 @p1 $0x1  }
0x15: {  	[smem:$0x3FB8] =	sst s0;
	s0 =	simm.s32 @!p2 $0x0  }
0x16: {  	s3 =	sld [smem:$0x3FDB];
	s0 =	simm.s32 @p2 $0x1  }
0x17: {  	s4 =	simm.s32 $0x1BF5;
	[smem:$0x3FBA] =	sst s0  }
0x18: {  	s0 =	sld [smem:$0x3F9D];
	_ =	swait.ge [sflag:s4], $0x0  }
0x19: {  	s7 =	sld [smem:$0x3F9E]  }
0x1a: {  	s8 =	sadd.s32 $0xFFFFE003, lr  }
0x1b: {  	s9 =	sadd.s32 $0xFFFFFEF7, lr;
	s5 =	simm.s32 $0xFFFFFFFF;
	p2 =	slt.u32 s8, $0xFFFFF086  }
0x1c: {  	p1 =	slt.u32 s9, $0xF7A;
	s5 =	simm.s32 @!p2 $0x0  }
0x1d: {  	s5 =	simm.s32 @p1 $0x1;
	p0 =	seq.s32 s7, s2  }
0x1e: {  	s7 =	smul.u32 @!p0 $0xF7A, s2;
	p2 =	seq.s32 @!p0 s5, $0x0  }
0x1f: {  	s9 =	smul.u32 $0xF7A, s1;
	s8 =	simm.s32 @!p0 $0x1BF5;
	p2 =	por !p2, p0  }
0x20: {  	[sflag:s8] =	ssyncset.s32 @!p0 $0xFFFFF086;
	s6 =	sadd.s32 @!p0 s3, s7;
	s7 =	simm.s32 @!p0 $0x108  }
0x21: {  	s3 =	sadd.s32 s3, s9;
	s6 =	sadd.s32 @!p0 $0x88, s6;
	s7 =	simm.s32 @p2 $0x1082  }
0x22: {  	[simem:s7], [sflag:s8] =	dma.local @!p0 [hbm:s6], $0xF7A  }
0x23: {  	s9 =	sor.u32 $0xD0000000, s2;
	s6 =	simm.s32 $0x108;
	_ =	swait.ge @!p0 [sflag:s8], $0x0  }
0x24: {  	s3 =	sadd.s32 $0x88, s3;
	s6 =	simm.s32 @!p1 $0x1082;
	[sflag:s4] =	ssyncset.s32 $0xFFFFF086  }
0x25: {  	[simem:s6], [sflag:s4] =	dma.local [hbm:s3], $0xF7A  }
0x26: {  	[smem:$0x3F9E] =	sst s1;
	(tag) =	ssettag s2;
	_ =	strace s9  }
0x27: {  	s1 =	sld [smem:$0x3FAE]  }
0x28: {  	s2 =	sld [smem:$0x3FAF]  }
0x29: {  	s4 =	sld [smem:$0x3FB1]  }
0x2a: {  	p0 =	seq.s32 s5, $0x0;
	s5 =	sld [smem:$0x3FB2]  }
0x2b: {  	s6 =	sld [smem:$0x3FB3]  }
0x2c: {  	s7 =	sld [smem:$0x3FB4]  }
0x2d: {  	s3 =	simm.s32 $0x108;
	s8 =	sld [smem:$0x3FB5]  }
0x2e: {  	s3 =	simm.s32 @!p0 $0x1082;
	s9 =	sld [smem:$0x3FB6]  }
0x2f: {  	lr =	sadd.s32 s0, s3;
	s0 =	sld [smem:$0x3FAD]  }
0x30: {  	s3 =	sld [smem:$0x3FB0]  }
0x31: {  	[smem:$0x3FB9] =	sst s10  }
0x32: {  	s10 =	sld [smem:$0x3FB7];
	_ =	sdelay $0x3  }
0x33: {  	p0 =	seq.s32 s10, $0x1;
	s10 =	sld [smem:$0x3FB9];
	_ =	sdelay $0x3  }
0x34: {  	[smem:$0x3FB9] =	sst s10  }
0x35: {  	s10 =	sld [smem:$0x3FB8];
	_ =	sdelay $0x3  }
0x36: {  	p1 =	seq.s32 s10, $0x1;
	s10 =	sld [smem:$0x3FB9];
	_ =	sdelay $0x3  }
0x37: {  	[smem:$0x3FB9] =	sst s10  }
0x38: {  	s10 =	sld [smem:$0x3FBA]  }
0x39: {  	_ = 	snop;
	(pc) =	sbr.ind lr, $3  }
0x3a: {  	_ = 	snop  }
0x3b: {  	_ = 	snop  }
0x3c: {  	p2 =	seq.s32 s10, $0x1;
	s10 =	sld [smem:$0x3FB9]  }
0x3d: {  	_ =	shalt  }
0x3e: {  	_ =	shalt  }
0x3f: {  	_ =	shalt  }
0x40: {  	_ =	shalt  }
0x41: {  	_ =	shalt  }
0x42: {  	_ =	shalt  }
0x43: {  	_ =	shalt  }
0x44: {  	_ =	shalt  }
0x45: {  	_ =	shalt  }
0x46: {  	_ =	shalt  }
0x47: {  	_ =	shalt  }
0x48: {  	_ =	shalt  }
0x49: {  	_ =	shalt  }
0x4a: {  	_ =	shalt  }
0x4b: {  	_ =	shalt  }
0x4c: {  	_ =	shalt  }
0x4d: {  	_ =	shalt  }
0x4e: {  	_ =	shalt  }
0x4f: {  	_ =	shalt  }
0x50: {  	_ =	shalt  }
0x51: {  	_ =	shalt  }
0x52: {  	_ =	shalt  }
0x53: {  	_ =	shalt  }
0x54: {  	_ =	shalt  }
0x55: {  	_ =	shalt  }
0x56: {  	_ =	shalt  }
0x57: {  	_ =	shalt  }
0x58: {  	_ =	shalt  }
0x59: {  	_ =	shalt  }
0x5a: {  	_ =	shalt  }
0x5b: {  	_ =	shalt  }
0x5c: {  	_ =	shalt  }
0x5d: {  	_ =	shalt  }
0x5e: {  	_ =	shalt  }
0x5f: {  	_ =	shalt  }
0x60: {  	_ =	shalt  }
0x61: {  	_ =	shalt  }
0x62: {  	_ =	shalt  }
0x63: {  	_ =	shalt  }
0x64: {  	_ =	shalt  }
0x65: {  	_ =	shalt  }
0x66: {  	_ =	shalt  }
0x67: {  	_ =	shalt  }
0x68: {  	_ =	shalt  }
0x69: {  	_ =	shalt  }
0x6a: {  	_ =	shalt  }
0x6b: {  	_ =	shalt  }
0x6c: {  	_ =	shalt  }
0x6d: {  	_ =	shalt  }
0x6e: {  	_ =	shalt  }
0x6f: {  	_ =	shalt  }
0x70: {  	_ =	shalt  }
0x71: {  	_ =	shalt  }
0x72: {  	_ =	shalt  }
0x73: {  	_ =	shalt  }
0x74: {  	_ =	shalt  }
0x75: {  	_ =	shalt  }
0x76: {  	_ =	shalt  }
0x77: {  	_ =	shalt  }
0x78: {  	_ =	shalt  }
0x79: {  	_ =	shalt  }
0x7a: {  	_ =	shalt  }
0x7b: {  	_ =	shalt  }
0x7c: {  	_ =	shalt  }
0x7d: {  	_ =	shalt  }
0x7e: {  	_ =	shalt  }
0x7f: {  	_ =	shalt  }
0x80: {  	_ =	shalt  }
0x81: {  	_ =	shalt  }
0x82: {  	_ =	shalt  }
0x83: {  	_ =	shalt  }
0x84: {  	_ =	shalt  }
0x85: {  	_ =	shalt  }
0x86: {  	_ =	shalt  }
0x87: {  	_ =	shalt  }
.Lfunc_end0:
.L_simem_size_0:
called_computation.1_lowered:
.L_overlay_start_0:
0x88: {  	s2 =	sld [smem:$0x3FD9]  }
0x89: {  	s3 =	sld [smem:$0x3FFE];
	_ =	sdelay $0x1  }
0x8a: {  	s1 =	srdreg.scid  }
0x8b: {  	s0 =	sand.u32 $0x1, s1  }
0x8c: {  	s17 =	sshll.u32 s0, $0xA;
	s2 =	sadd.s32 s3, s2  }
0x8d: {  	s2 =	sadd.s32 s2, s17  }
0x8e: {  	[smem:$0x3FC5] =	sst s2  }
0x8f: {  	_ = 	snop  }
0x90: {  	s2 =	sld [smem:$0x3FD0];
	(tm) =	ssettm $0x1  }
0x91: {  	s18 =	sld [smem:$0x3FFB];
	_ =	sdelay $0x3  }
0x92: {  	_ =	strace s18  }
0x93: {  	s3 =	sld [smem:$0x3FFC];
	_ =	sdelay $0x3  }
0x94: {  	_ =	strace s3  }
0x95: {  	s3 =	sld [smem:$0x3FFD];
	_ =	sdelay $0x3  }
0x96: {  	_ =	strace s3  }
0x97: {  	_ =	strace $0x8FFFFFFF  }
0x98: {  	s19 =	sld [smem:$0x3FDB];
	_ =	sdelay $0x1  }
0x99: {  	s4 =	simm.s32 $_scs_section_size  }
0x9a: {  	s5 =	simm.s32 $_size__tile_overlayer_lowered;
	s6 =	simm.s32 $_tile_overlayer_lowered  }
0x9b: {  	s22 =	simm.s32 $0x1BFF;
	s21 =	sshll.u32 s6, $0x1;
	s3 =	sadd.s32 s4, s19  }
0x9c: {  	s7 =	simm.s32 $0x0;
	s20 =	sshll.u32 s5, $0x1;
	s5 =	sadd.s32 s21, s3  }
0x9d: {  	[timem:s7], [sflag:s22] =	dma.local [hbm:s5], s20  }
0x9e: {  	_ =	swait.ge [sflag:s22], s20  }
0x9f: {  	s4 =	ssub.s32 $0x0, s20;
	[sflag:s22] =	ssyncset.done $0x0  }
0xa0: {  	[sflag:s22] =	ssyncadd.s32 s4;
	_ =	sdelay $0x1  }
0xa1: {  	s23 =	simm.s32 $0x1B8B  }
0xa2: {  	_ =	swait.ge [sflag:s23], $0x1  }
0xa3: {  	[sflag:s23] =	ssyncset.done $0x0  }
0xa4: {  	s25 =	simm.s32 $0x1B8E;
	s24 =	sld [smem:$0x3FFE];
	[sflag:s23] =	ssyncadd.s32 $0xFFFFFFFF  }
0xa5: {  	s26 =	simm.s32 $execute0_lowered;
	[smem:$0x3FD2] =	sst s25  }
0xa6: {  	s5 =	sshll.u32 s26, $0x1;
	_ =	strace $0x80000049;
	[dreg:$0x1] =	wrdreg $0xFFFFFFFF  }
0xa7: {  	s28 =	simm.s32 $_size_execute0_lowered;
	s3 =	sadd.s32 s3, s5;
	[dreg:$0x0] =	wrdreg $0x0  }
0xa8: {  	s5 =	sshll.u32 s28, $0x1;
	[dreg:$0x2] =	wrdreg s3  }
0xa9: {  	[dreg:$0x3] =	wrdreg s5  }
0xaa: {  	[dreg:$0x4] =	wrdreg $0xC0  }
0xab: {  	_ =	task [dreg:s7], $0x5FFFF  }
0xac: {  	[dreg:$0x1] =	wrdreg $0xFFFFFFFF  }
0xad: {  	[dreg:$0x0] =	wrdreg $0x60  }
0xae: {  	[dreg:$0x2] =	wrdreg s2  }
0xaf: {  	[dreg:$0x3] =	wrdreg s24  }
0xb0: {  	[dreg:$0x4] =	wrdreg $0x70000  }
0xb1: {  	[dreg:$0x5] =	wrdreg $0x9  }
0xb2: {  	_ =	task.clear_ibuf [dreg:s7], $0x6FFFF;
	_ =	strace $0x90000049  }
0xb3: {  	s29 =	simm.s32 $0x9;
	_ =	strace $0x8000004B  }
0xb4: {  	_ =	swait.ge [sflag:s29], $0x1  }
0xb5: {  	[sflag:s29] =	ssyncadd.s32 $0xFFFFFFFF  }
0xb6: {  	_ =	strace $0x9000004B  }
0xb7: {  	_ =	sfence  }
0xb8: {  	s30 =	sld [smem:$0x0];
	_ =	sdelay $0x2  }
0xb9: {  	s31 =	sshll.u32 s1, $0xD;
	s1 =	sshrl.u32 s1, $0x2  }
0xba: {  	s3 =	sand.u32 $0x4000, s31;
	s1 =	sadd.s32 s1, s30  }
0xbb: {  	s0 =	sor.u32 s3, s0;
	s1 =	sshll.u32 s1, $0x11  }
0xbc: {  	s0 =	sor.u32 s1, s0  }
0xbd: {  	s0 =	sadd.s32 $0x8F2B, s0  }
0xbe: {  	[sflag:s0] =	ssyncadd.remote.s32 $0x1  }
0xbf: {  	_ =	sfence.sel $0xFFFF  }
0xc0: {  	[dreg:$0x0] =	wrdreg $0xFFFFFFFF;
	(pc) =	sbr.abs _section_cstart, $3  }
0xc1: {  	[dreg:$0x1] =	wrdreg $0xFFFFFFFF  }
0xc2: {  	_ =	task.clear_ibuf [dreg:s7], $0x2FFFF;
	_ =	strace $0x9FFFFFFF  }
0xc3: {  	(tm) =	ssettm $0x7FFFFFFF  }
tec
execute0_lowered:
.L_overlay_start_1:
0x0: {  	(tag) =	ssettag $0x1  }
0x1: {  	s1 =	rddreg [dreg:$0x0]  }
0x2: {  	s4 =	rddreg [dreg:$0x1];
	s0 =	srdreg.scid  }
0x3: {  	s2 =	rddreg [dreg:$0x2];
	s24 =	stileid.u32  }
0x4: {  	s3 =	simm.s32 $0x0;
	s19 =	simm.s32 $0x52E00;
	s6 =	smul.u32 $0x278, s24  }
0x5: {  	s5 =	sand.u32 $0x1, s0;
	[smem:$0x7FF] =	sst s3;
	s31 =	smul.u32 $0x2780, s24  }
0x6: {  	s8 =	sshll.u32 s24, $0x1;
	s29 =	smul.u32 $0x4F000, s24;
	s0 =	ssub.s32 $0x2, s5  }
0x7: {  	p0 =	seq.s32 s5, $0x1;
	s7 =	sshrl.u32 s0, $0x1;
	s9 =	sadd.s32 $0x80, s6  }
0x8: {  	s10 =	sadd.s32 $0xC0, s6;
	s11 =	sadd.s32 $0x100, s6;
	s12 =	sadd.s32 $0x140, s6  }
0x9: {  	s13 =	sadd.s32 $0x180, s6;
	s14 =	sadd.s32 $0x1C0, s6;
	s25 =	sadd.s32 $0x200, s6  }
0xa: {  	s19 =	simm.s32 @!p0 $0x2B600;
	p0 =	por $0x0, $0x0;
	s0 =	ssub.s32 s0, s7  }
0xb: {  	s7 =	sor.u32 s5, s8;
	s8 =	sadd.s32 $0x40, s6;
	s6 =	sadd.s32 $0x238, s6  }
0xc: {  	s16 =	sshll.u32 s9, $0x4;
	s17 =	sshll.u32 s10, $0x4;
	s18 =	sshll.u32 s11, $0x4  }
0xd: {  	s20 =	sshll.u32 s12, $0x4;
	s21 =	sshll.u32 s13, $0x4;
	s22 =	sshll.u32 s14, $0x4  }
0xe: {  	s23 =	sshll.u32 s25, $0x4;
	s19 =	sadd.s32 s19, s4;
	s24 =	sshll.u32 s14, $0x7  }
0xf: {  	s25 =	sshll.u32 s25, $0x7;
	s15 =	sshll.u32 s8, $0x4;
	s5 =	sadd.s32 s19, s31  }
0x10: {  	s16 =	sadd.s32 s19, s16;
	s17 =	sadd.s32 s19, s17;
	[dreg:$0x4] =	wrdreg s5  }
0x11: {  	s18 =	sadd.s32 s19, s18;
	s20 =	sadd.s32 s19, s20;
	[dreg:$0x6] =	wrdreg s16  }
0x12: {  	s21 =	sadd.s32 s19, s21;
	s26 =	sadd.s32 s19, s22;
	[dreg:$0x7] =	wrdreg s17  }
0x13: {  	s28 =	sadd.s32 s19, s23;
	s31 =	sshll.u32 s6, $0x4;
	[dreg:$0x8] =	wrdreg s18  }
0x14: {  	s22 =	sshll.u32 s12, $0x7;
	s23 =	sshll.u32 s13, $0x7;
	[dreg:$0x9] =	wrdreg s20  }
0x15: {  	s7 =	smul.u32 $0x5000, s7;
	s24 =	sadd.s32 s24, s2;
	[dreg:$0xa] =	wrdreg s21  }
0x16: {  	s25 =	sadd.s32 s25, s2;
	s0 =	smax.u32 s0, $0x1;
	[dreg:$0xb] =	wrdreg s26  }
0x17: {  	s15 =	sadd.s32 s19, s15;
	[dreg:$0xc] =	wrdreg s28;
	s16 =	sadd.s32 $0x16400, s4  }
0x18: {  	s5 =	sshrl.u32 s29, $0x2;
	s17 =	sshll.u32 s8, $0x7;
	s20 =	sshll.u32 s10, $0x7  }
0x19: {  	s21 =	sshll.u32 s11, $0x7;
	s22 =	sadd.s32 s22, s2;
	s23 =	sadd.s32 s23, s2  }
0x1a: {  	s26 =	sshll.u32 s6, $0x7;
	s6 =	simm.s32 $0x40;
	s8 =	simm.s32 $0x2  }
0x1b: {  	[dreg:$0x5] =	wrdreg s15;
	s15 =	sadd.s32 s19, s31;
	s18 =	sadd.s32 s17, s2  }
0x1c: {  	s19 =	sshll.u32 s9, $0x7;
	s20 =	sadd.s32 s20, s2;
	s21 =	sadd.s32 s21, s2  }
0x1d: {  	[dreg:$0xd] =	wrdreg s15;
	s15 =	sadd.s32 $0x2400, s4;
	s4 =	sadd.s32 s5, s2  }
0x1e: {  	s28 =	sshrl.u32 s7, $0x3;
	_ =	strace $0x8000004A;
	[dreg:$0xe] =	wrdreg s4  }
.Ltmp0:
0x1f: {  	s31 =	sadd.s32 s16, s28;
	[dreg:$0xf] =	wrdreg s18;
	(pc) =	sbr.rel .LBB2_1-.Ltmp0, $4  }
0x20: {  	s26 =	sadd.s32 s26, s2;
	s30 =	sor.u32 $0x400, s7;
	[dreg:$0x12] =	wrdreg s31  }
0x21: {  	s7 =	simm.s32 $0x1000;
	s4 =	sadd.s32 s19, s2;
	[dreg:$0x13] =	wrdreg s0  }
0x22: {  	s9 =	simm.s32 $0x3000;
	s29 =	sadd.s32 s15, s28;
	[dreg:$0x10] =	wrdreg s4  }
0x23: {  	v0 =	vimm.f32 $0.0e+00;
	s0 =	simm.s32 $0x1;
	[dreg:$0x11] =	wrdreg s29;
	s4 =	simm.s32 $0x8  }
.LBB2_13:
0x24: {  	s5 =	simm.s32 $0x4  }
0x25: {  	_ =	swait.ge [sflag:s5], $0x2000  }
0x26: {  	[sflag:s5] =	ssyncset.done $0x0  }
0x27: {  	[sflag:s5] =	ssyncadd.s32 $0xFFFFE000  }
0x28: {  	s12 =	stileid.u32;
	[bflag:$0x0] =	sbarrier.arrive $0xFFFF  }
0x29: {  	s5 =	sshll.u32 s12, $0x6;
	s10 =	rddreg [dreg:$0xe]  }
0x2a: {  	s5 =	sor.u32 $0x1C01, s5;
	s11 =	rddreg [dreg:$0x4];
	s10 =	sshrl.u32 s10, $0x3  }
0x2b: {  	[hbm:s11], [sflag:s5] =	dma.local [spmem:s10], $0x400  }
0x2c: {  	s10 =	rddreg [dreg:$0xf]  }
0x2d: {  	s11 =	rddreg [dreg:$0x5];
	s10 =	sshrl.u32 s10, $0x3  }
0x2e: {  	[hbm:s11], [sflag:s5] =	dma.local [spmem:s10], $0x400  }
0x2f: {  	s10 =	rddreg [dreg:$0x10]  }
0x30: {  	s11 =	rddreg [dreg:$0x6];
	s10 =	sshrl.u32 s10, $0x3  }
0x31: {  	[hbm:s11], [sflag:s5] =	dma.local [spmem:s10], $0x400  }
0x32: {  	s13 =	sshrl.u32 s20, $0x3;
	s11 =	rddreg [dreg:$0x7]  }
0x33: {  	[hbm:s11], [sflag:s5] =	dma.local [spmem:s13], $0x400  }
0x34: {  	s14 =	sshrl.u32 s21, $0x3;
	s11 =	rddreg [dreg:$0x8]  }
0x35: {  	[hbm:s11], [sflag:s5] =	dma.local [spmem:s14], $0x400  }
0x36: {  	s17 =	sshrl.u32 s22, $0x3;
	s11 =	rddreg [dreg:$0x9]  }
0x37: {  	[hbm:s11], [sflag:s5] =	dma.local [spmem:s17], $0x400  }
0x38: {  	s18 =	sshrl.u32 s23, $0x3;
	s11 =	rddreg [dreg:$0xa]  }
0x39: {  	[hbm:s11], [sflag:s5] =	dma.local [spmem:s18], $0x400  }
0x3a: {  	s19 =	sshrl.u32 s24, $0x3;
	s11 =	rddreg [dreg:$0xb]  }
0x3b: {  	[hbm:s11], [sflag:s5] =	dma.local [spmem:s19], $0x400  }
0x3c: {  	s28 =	sshrl.u32 s25, $0x3;
	s11 =	rddreg [dreg:$0xc]  }
0x3d: {  	[hbm:s11], [sflag:s5] =	dma.local [spmem:s28], $0x400  }
0x3e: {  	s29 =	sshrl.u32 s26, $0x3;
	s11 =	rddreg [dreg:$0xd]  }
0x3f: {  	[hbm:s11], [sflag:s5] =	dma.local [spmem:s29], $0x400  }
0x40: {  	_ =	swait.ge [sflag:s0], $0x400  }
0x41: {  	[sflag:s0] =	ssyncset.done $0x0  }
0x42: {  	[sflag:s0] =	ssyncadd.s32 $0xFFFFFC00  }
0x43: {  	_ =	swait.ge [sflag:s0], $0x400  }
0x44: {  	[sflag:s0] =	ssyncset.done $0x0  }
0x45: {  	[sflag:s0] =	ssyncadd.s32 $0xFFFFFC00  }
0x46: {  	_ =	swait.ge [sflag:s0], $0x400  }
0x47: {  	[sflag:s0] =	ssyncset.done $0x0  }
0x48: {  	[sflag:s0] =	ssyncadd.s32 $0xFFFFFC00  }
0x49: {  	_ =	swait.ge [sflag:s0], $0x400  }
0x4a: {  	[sflag:s0] =	ssyncset.done $0x0  }
0x4b: {  	[sflag:s0] =	ssyncadd.s32 $0xFFFFFC00  }
0x4c: {  	_ =	swait.ge [sflag:s0], $0x400  }
0x4d: {  	[sflag:s0] =	ssyncset.done $0x0  }
0x4e: {  	[sflag:s0] =	ssyncadd.s32 $0xFFFFFC00  }
0x4f: {  	_ =	swait.ge [sflag:s0], $0x400  }
0x50: {  	[sflag:s0] =	ssyncset.done $0x0  }
0x51: {  	[sflag:s0] =	ssyncadd.s32 $0xFFFFFC00  }
0x52: {  	_ =	swait.ge [sflag:s0], $0x400  }
0x53: {  	[sflag:s0] =	ssyncset.done $0x0  }
0x54: {  	[sflag:s0] =	ssyncadd.s32 $0xFFFFFC00  }
0x55: {  	_ =	swait.ge [sflag:s0], $0x400  }
0x56: {  	[sflag:s0] =	ssyncset.done $0x0  }
0x57: {  	[sflag:s0] =	ssyncadd.s32 $0xFFFFFC00  }
0x58: {  	_ =	swait.ge [sflag:s0], $0x400  }
0x59: {  	[sflag:s0] =	ssyncset.done $0x0  }
0x5a: {  	[sflag:s0] =	ssyncadd.s32 $0xFFFFFC00  }
0x5b: {  	_ =	swait.ge [sflag:s0], $0x400  }
0x5c: {  	s3 =	sadd.s32 $0x1, s3;
	s31 =	rddreg [dreg:$0x13]  }
0x5d: {  	p1 =	sne.s32 s3, s31  }
.Ltmp1:
0x5e: {  	_ = 	snop;
	(pc) =	sbr.rel @!p1 .LBB2_14-.Ltmp1, $3  }
0x5f: {  	_ =	sdelay $0x1  }
0x60: {  	[sflag:s0] =	ssyncset.done $0x0  }
0x61: {  	[sflag:s0] =	ssyncadd.s32 $0xFFFFFC00  }
.LBB2_1:
0x62: {  	s10 =	simm.s32 $0x0;
	s11 =	simm.s32 $0x200  }
.LBB2_2:
0x63: {  	p1 =	sne.s32 s11, $0x7E00;
	[tilespmem:s10+$0x1070] =	vst v0  }
0x64: {  	[tilespmem:s10+$0x1000] =	vst v0  }
0x65: {  	[tilespmem:s10+$0x1010] =	vst v0  }
.Ltmp2:
0x66: {  	[tilespmem:s10+$0x1020] =	vst v0;
	(pc) =	sbr.rel @p1 .LBB2_2-.Ltmp2, $4  }
0x67: {  	[tilespmem:s10+$0x1030] =	vst v0  }
0x68: {  	[tilespmem:s10+$0x1040] =	vst v0  }
0x69: {  	[tilespmem:s10+$0x1050] =	vst v0  }
0x6a: {  	[tilespmem:s10+$0x1060] =	vst v0;
	s10 =	sshra.s32 s11, $0x2;
	s11 =	sadd.s32 $0x200, s11  }
0x6b: {  	[tilespmem:s10+$0x1070] =	vst v0  }
0x6c: {  	[tilespmem:s10+$0x1000] =	vst v0  }
0x6d: {  	[tilespmem:s10+$0x1010] =	vst v0  }
0x6e: {  	[tilespmem:s10+$0x1020] =	vst v0  }
0x6f: {  	[tilespmem:s10+$0x1030] =	vst v0  }
0x70: {  	[tilespmem:s10+$0x1040] =	vst v0  }
0x71: {  	[tilespmem:s10+$0x1050] =	vst v0  }
0x72: {  	[tilespmem:s10+$0x1060] =	vst v0;
	s5 =	rddreg [dreg:$0xe]  }
0x73: {  	[spmem:s5] =	stream.linear.scatter [tilespmem:s7], [sflag:$0x1], $0x2000, $0x38;
	[tilespmem:$0x1AC00] =	vst v63  }
0x74: {  	s18 =	rddreg [dreg:$0xf]  }
0x75: {  	[spmem:s18] =	stream.linear.scatter [tilespmem:s7], [sflag:$0x1], $0x2000, $0x38;
	[tilespmem:$0x1AC00] =	vst v63  }
0x76: {  	s19 =	rddreg [dreg:$0x10]  }
0x77: {  	[spmem:s19] =	stream.linear.scatter [tilespmem:s7], [sflag:$0x1], $0x2000, $0x38;
	[tilespmem:$0x1AC00] =	vst v63  }
0x78: {  	_ = 	snop  }
0x79: {  	[spmem:s20] =	stream.linear.scatter [tilespmem:s7], [sflag:$0x1], $0x2000, $0x38;
	[tilespmem:$0x1AC00] =	vst v63  }
0x7a: {  	_ = 	snop  }
0x7b: {  	[spmem:s21] =	stream.linear.scatter [tilespmem:s7], [sflag:$0x1], $0x2000, $0x38;
	[tilespmem:$0x1AC00] =	vst v63  }
0x7c: {  	_ = 	snop  }
0x7d: {  	[spmem:s22] =	stream.linear.scatter [tilespmem:s7], [sflag:$0x1], $0x2000, $0x38;
	[tilespmem:$0x1AC00] =	vst v63  }
0x7e: {  	_ = 	snop  }
0x7f: {  	[spmem:s23] =	stream.linear.scatter [tilespmem:s7], [sflag:$0x1], $0x2000, $0x38;
	[tilespmem:$0x1AC00] =	vst v63  }
0x80: {  	_ = 	snop  }
0x81: {  	[spmem:s24] =	stream.linear.scatter [tilespmem:s7], [sflag:$0x1], $0x2000, $0x38;
	[tilespmem:$0x1AC00] =	vst v63  }
0x82: {  	_ = 	snop  }
0x83: {  	[spmem:s25] =	stream.linear.scatter [tilespmem:s7], [sflag:$0x1], $0x2000, $0x38;
	[tilespmem:$0x1AC00] =	vst v63  }
0x84: {  	_ = 	snop  }
0x85: {  	[spmem:s26] =	stream.linear.scatter [tilespmem:s7], [sflag:$0x1], $0x2000, $0x38;
	[tilespmem:$0x1AC00] =	vst v63  }
0x86: {  	_ =	swait.ge [sflag:s0], $0x2000  }
0x87: {  	[sflag:s0] =	ssyncset.done $0x0  }
0x88: {  	[sflag:s0] =	ssyncadd.s32 $0xFFFFE000  }
0x89: {  	_ =	swait.ge [sflag:s0], $0x2000  }
0x8a: {  	[sflag:s0] =	ssyncset.done $0x0  }
0x8b: {  	[sflag:s0] =	ssyncadd.s32 $0xFFFFE000  }
0x8c: {  	_ =	swait.ge [sflag:s0], $0x2000  }
0x8d: {  	[sflag:s0] =	ssyncset.done $0x0  }
0x8e: {  	[sflag:s0] =	ssyncadd.s32 $0xFFFFE000  }
0x8f: {  	_ =	swait.ge [sflag:s0], $0x2000  }
0x90: {  	[sflag:s0] =	ssyncset.done $0x0  }
0x91: {  	[sflag:s0] =	ssyncadd.s32 $0xFFFFE000  }
0x92: {  	_ =	swait.ge [sflag:s0], $0x2000  }
0x93: {  	[sflag:s0] =	ssyncset.done $0x0  }
0x94: {  	[sflag:s0] =	ssyncadd.s32 $0xFFFFE000  }
0x95: {  	_ =	swait.ge [sflag:s0], $0x2000  }
0x96: {  	[sflag:s0] =	ssyncset.done $0x0  }
0x97: {  	[sflag:s0] =	ssyncadd.s32 $0xFFFFE000  }
0x98: {  	_ =	swait.ge [sflag:s0], $0x2000  }
0x99: {  	[sflag:s0] =	ssyncset.done $0x0  }
0x9a: {  	[sflag:s0] =	ssyncadd.s32 $0xFFFFE000  }
0x9b: {  	_ =	swait.ge [sflag:s0], $0x2000  }
0x9c: {  	[sflag:s0] =	ssyncset.done $0x0  }
0x9d: {  	[sflag:s0] =	ssyncadd.s32 $0xFFFFE000  }
0x9e: {  	_ =	swait.ge [sflag:s0], $0x2000  }
0x9f: {  	[sflag:s0] =	ssyncset.done $0x0  }
0xa0: {  	[sflag:s0] =	ssyncadd.s32 $0xFFFFE000  }
0xa1: {  	_ =	swait.ge [sflag:s0], $0x2000  }
0xa2: {  	[sflag:s0] =	ssyncset.done $0x0  }
0xa3: {  	s12 =	simm.s32 $0x0;
	s28 =	rddreg [dreg:$0x11];
	[sflag:s0] =	ssyncadd.s32 $0xFFFFE000  }
0xa4: {  	[tilespmem:s12], [sflag:$0x8] =	stream.linear.gather [hbm4b:s28+s12], $0x400, $0x38;
	[tilespmem:$0x1AC00] =	vst v63  }
0xa5: {  	_ =	swait.ge [sflag:s4], $0x400  }
0xa6: {  	[sflag:s4] =	ssyncset.done $0x0  }
0xa7: {  	s31 =	simm.s32 $0x800;
	s29 =	rddreg [dreg:$0x12];
	[sflag:s4] =	ssyncadd.s32 $0xFFFFFC00  }
0xa8: {  	[tilespmem:s31], [sflag:$0x8] =	stream.linear.gather [hbm4b:s29+s12], $0x400, $0x38;
	[tilespmem:$0x1AC00] =	vst v63  }
.Ltmp3:
0xa9: {  	_ =	swait.ge [sflag:s4], $0x400;
	(pc) =	sbr.rel .LBB2_4-.Ltmp3, $3  }
0xaa: {  	[sflag:s4] =	ssyncset.done $0x0  }
0xab: {  	[sflag:s4] =	ssyncadd.s32 $0xFFFFFC00  }
0xac: {  	[bflag:$0x0] =	sbarrier.arrive $0xFFFF;
	_ =	sdelay $0x1  }
.LBB2_8:
0xad: {  	s5 =	sshll.u32 s14, $0xC;
	s11 =	sshll.u32 s11, $0x9  }
0xae: {  	_ =	swait.ge [sflag:s0], $0x2000;
	s5 =	sshra.s32 s5, $0x2;
	s11 =	sshra.s32 s11, $0x2  }
0xaf: {  	[sflag:s0] =	ssyncset.done $0x0;
	s5 =	sadd.s32 s11, s5  }
0xb0: {  	[sflag:s0] =	ssyncadd.s32 $0xFFFFE000;
	s5 =	sadd.s32 $0x800, s5  }
0xb1: {  	[spmem:s2] =	stream.indirect.scatter.add.f32 [tilespmem:s7], [sflag:$0x4], $0x80, s5, s6, $0xb8;
	[tilespmem:$0x1AC00] =	vst v63  }
.LBB2_12:
0xb2: {  	p2 =	sne.s32 @!p1 s10, $0x7  }
0xb3: {  	p1 =	por p2, p1  }
0xb4: {  	s5 =	simm.s32 @!p1 $0x7  }
0xb5: {  	p2 =	sne.s32 s12, $0xA2;
	_ =	swait.ge @!p1 [sflag:s5], $0x400  }
.Ltmp4:
0xb6: {  	[sflag:s5] =	ssyncset.done @!p1 $0x0;
	(pc) =	sbr.rel @!p2 .LBB2_13-.Ltmp4, $4  }
0xb7: {  	[sflag:s5] =	ssyncadd.s32 @!p1 $0xFFFFFC00  }
0xb8: {  	_ =	swait.ge @!p1 [sflag:s5], $0x400  }
0xb9: {  	[sflag:s5] =	ssyncset.done @!p1 $0x0  }
0xba: {  	[sflag:s5] =	ssyncadd.s32 @!p1 $0xFFFFFC00  }
.LBB2_4:
0xbb: {  	s10 =	smul.u32 $0xAB, s12;
	_ =	sdelay $0x1  }
0xbc: {  	s10 =	sshrl.u32 s10, $0x9  }
0xbd: {  	s10 =	sand.u32 $0x7F, s10  }
0xbe: {  	s10 =	smul.u32 $0x3, s10  }
0xbf: {  	s11 =	smov.u32 s12  }
0xc0: {  	p2 =	slt.u32 s11, $0x3;
	s12 =	ssub.s32 s12, s10  }
0xc1: {  	s10 =	sand.u32 @!p2 $0xFF, s12  }
0xc2: {  	p1 =	seq.s32 @!p2 s10, $0x0  }
0xc3: {  	p5 =	por p2, !p1  }
0xc4: {  	p1 =	slt.u32 @p5 s11, $0x3  }
0xc5: {  	p3 =	por p1, !p5  }
0xc6: {  	s10 =	sand.u32 @!p3 $0xFF, s12  }
0xc7: {  	p3 =	seq.s32 @!p3 s10, $0x1  }
0xc8: {  	p1 =	por @p5 p1, !p3  }
0xc9: {  	p1 =	por !p5, !p1  }
0xca: {  	p6 =	slt.u32 @!p1 s11, $0x3  }
0xcb: {  	p3 =	por p6, p1  }
0xcc: {  	s10 =	sand.u32 @!p3 $0xFF, s12  }
0xcd: {  	p3 =	sne.s32 @!p3 s10, $0x2  }
0xce: {  	p3 =	por @!p1 p6, p3  }
0xcf: {  	p3 =	por p1, !p3  }
.Ltmp5:
0xd0: {  	_ = 	snop;
	(pc) =	sbr.rel @!p3 .LBB2_5-.Ltmp5, $1  }
0xd1: {  	_ =	sdelay $0x3  }
0xd2: {  	s10 =	simm.s32 $0x4  }
.Ltmp6:
0xd3: {  	s10 =	simm.s32 @p5 $0x5;
	(pc) =	sbr.rel .LBB2_7-.Ltmp6, $4  }
0xd4: {  	p4 =	por @p5 $0x1, $0x1;
	p3 =	por @p5 $0x0, $0x0;
	s10 =	simm.s32 @!p1 $0x6  }
0xd5: {  	p6 =	por @!p1 $0x1, $0x1;
	p3 =	por @!p5 p0, p0;
	_ =	swait.ge [sflag:s10], $0x2000  }
0xd6: {  	p4 =	por @!p5 p0, p0;
	p5 =	por @!p1 $0x0, $0x0;
	[sflag:s10] =	ssyncset.done $0x0  }
0xd7: {  	p3 =	por @!p1 p6, p6;
	p4 =	por @!p1 p5, p5;
	[sflag:s10] =	ssyncadd.s32 $0xFFFFE000  }
.LBB2_5:
0xd8: {  	s10 =	sand.u32 @p5 $0xFF, s12;
	s13 =	sand.u32 @!p1 $0xFF, s12  }
0xd9: {  	p4 =	seq.s32 @p5 s10, $0x1;
	p3 =	seq.s32 @!p1 s13, $0x2;
	p1 =	por !p6, p1  }
0xda: {  	p3 =	por @!p1 p3, p3;
	p4 =	por @!p1 p4, p4  }
.LBB2_7:
0xdb: {  	s10 =	sand.u32 $0x7, s11;
	p1 =	sgt.u32 s11, $0x97  }
0xdc: {  	p5 =	sne.s32 @!p1 s10, $0x2  }
0xdd: {  	s13 =	sshrl.u32 s11, $0x3;
	p5 =	por p5, p1  }
0xde: {  	s14 =	sshll.u32 @!p5 s13, $0xA  }
0xdf: {  	s13 =	sand.u32 $0x1, s13;
	s14 =	sadd.s32 @!p5 s14, s30  }
0xe0: {  	s28 =	sshll.u32 @!p5 s13, $0xA;
	s14 =	sshrl.u32 @!p5 s14, $0x3  }
0xe1: {  	s5 =	simm.s32 @!p5 $0x0;
	s29 =	sxor.u32 @!p5 $0x400, s28;
	s31 =	sadd.s32 @!p5 s15, s14  }
0xe2: {  	[tilespmem:s29], [sflag:$0x7] =	stream.linear.gather @!p5 [hbm4b:s31+s5], $0x400, $0x38;
	[tilespmem:$0x1AC00] =	vst v63  }
0xe3: {  	s29 =	sadd.s32 $0xFFFFFFFE, s11  }
0xe4: {  	s28 =	sxor.u32 @!p5 $0xC00, s28;
	s14 =	sadd.s32 @!p5 s16, s14;
	s18 =	sshll.u32 s29, $0x10  }
0xe5: {  	[tilespmem:s28], [sflag:$0x7] =	stream.linear.gather @!p5 [hbm4b:s14+s5], $0x400, $0x38;
	[tilespmem:$0x1AC00] =	vst v63  }
0xe6: {  	p4 =	por !p4, !p4;
	p5 =	sgt.u32 s11, $0x9F;
	s5 =	sshra.s32 s18, $0x1F  }
0xe7: {  	s19 =	sand.u32 $0xFFFF, s29;
	s12 =	sand.u32 @!p5 $0xFF, s12;
	s5 =	sand.u32 $0x7, s5  }
0xe8: {  	p4 =	por p5, p4;
	p6 =	sne.s32 @!p5 s12, $0x0;
	s5 =	sadd.s32 s5, s29  }
0xe9: {  	s18 =	sshll.u32 @!p4 s10, $0x7;
	p6 =	por p6, p5;
	s28 =	sand.u32 $0xFFF8, s5  }
0xea: {  	s5 =	sshll.u32 s5, $0x10;
	s12 =	sshll.u32 @!p6 s13, $0xA;
	s31 =	sshll.u32 @!p6 s10, $0x7  }
0xeb: {  	s17 =	simm.s32 @!p6 $0x1000;
	s12 =	sor.u32 @!p6 s31, s12;
	s31 =	simm.s32 @!p6 $0x40  }
0xec: {  	[tilespmem:s17], [sflag:$0x1] =	stream.indirect.gather @!p6 [hbm4b:s1+s31], $0x80, s12, s31, $0xb8;
	[tilespmem:$0x1AC00] =	vst v63  }
0xed: {  	s12 =	sadd.s32 $0x1, s11;
	p6 =	sne.s32 s19, s28;
	s31 =	sshll.u32 @!p4 s13, $0xA  }
0xee: {  	s19 =	simm.s32 @!p4 $0x3000;
	p2 =	por !p2, !p6;
	s17 =	sand.u32 $0xFF, s12  }
0xef: {  	s18 =	sor.u32 @!p4 s18, s31;
	s31 =	simm.s32 @!p4 $0x40;
	p6 =	por !p3, !p3  }
0xf0: {  	s14 =	smul.u32 $0xAB, s17;
	p2 =	por !p2, !p2;
	s17 =	simm.s32 $0x1  }
0xf1: {  	[tilespmem:s19], [sflag:$0x2] =	stream.indirect.gather @!p4 [hbm4b:s1+s31], $0x80, s18, s31, $0xb8;
	[tilespmem:$0x1AC00] =	vst v63  }
0xf2: {  	s17 =	simm.s32 @!p2 $0x0;
	p2 =	por p5, p6;
	s14 =	sshrl.u32 s14, $0x9  }
0xf3: {  	s13 =	sshll.u32 @!p2 s13, $0xA;
	s18 =	sshll.u32 @!p2 s10, $0x7;
	s19 =	simm.s32 @!p2 $0x5000  }
0xf4: {  	s14 =	smul.u32 $0x3, s14;
	s13 =	sor.u32 @!p2 s18, s13;
	s18 =	simm.s32 @!p2 $0x40  }
0xf5: {  	[tilespmem:s19], [sflag:$0x3] =	stream.indirect.gather @!p2 [hbm4b:s1+s18], $0x80, s13, s18, $0xb8;
	[tilespmem:$0x1AC00] =	vst v63  }
0xf6: {  	s5 =	sshra.s32 s5, $0x13;
	p2 =	slt.u32 s11, $0x2;
	s13 =	ssub.s32 s12, s14  }
0xf7: {  	s5 =	ssub.s32 s5, s17;
	s13 =	sand.u32 @!p2 $0xFF, s13  }
0xf8: {  	s17 =	sand.u32 $0x80, s5;
	p3 =	sne.s32 @!p2 s13, $0x0  }
0xf9: {  	s17 =	sshrl.u32 s17, $0x7;
	p3 =	por p2, p3  }
.Ltmp7:
0xfa: {  	s18 =	sadd.s32 s17, s5;
	(pc) =	sbr.rel @!p3 .LBB2_8-.Ltmp7, $4  }
0xfb: {  	s19 =	sand.u32 $0xFE, s18  }
0xfc: {  	s29 =	ssub.s32 s29, s28;
	s5 =	ssub.s32 s5, s19  }
0xfd: {  	s31 =	sshll.u32 s29, $0x10;
	s5 =	sshll.u32 s5, $0x18  }
0xfe: {  	s11 =	sshra.s32 s31, $0x10;
	s14 =	sshra.s32 s5, $0x18  }
0xff: {  	p3 =	sne.s32 @!p2 s13, $0x1  }
0x100: {  	p3 =	por p2, p3  }
.Ltmp8:
0x101: {  	_ = 	snop;
	(pc) =	sbr.rel @p3 .LBB2_11-.Ltmp8, $1  }
0x102: {  	_ =	sdelay $0x3  }
.Ltmp9:
0x103: {  	s5 =	sshll.u32 s14, $0xC;
	s11 =	sshll.u32 s11, $0x9;
	(pc) =	sbr.rel .LBB2_12-.Ltmp9, $4  }
0x104: {  	_ =	swait.ge [sflag:s8], $0x2000;
	s5 =	sshra.s32 s5, $0x2;
	s11 =	sshra.s32 s11, $0x2  }
0x105: {  	[sflag:s8] =	ssyncset.done $0x0;
	s5 =	sadd.s32 s11, s5  }
0x106: {  	[sflag:s8] =	ssyncadd.s32 $0xFFFFE000;
	s5 =	sadd.s32 $0x800, s5  }
0x107: {  	[spmem:s2] =	stream.indirect.scatter.add.f32 [tilespmem:s9], [sflag:$0x5], $0x80, s5, s6, $0xb8;
	[tilespmem:$0x1AC00] =	vst v63  }
.LBB2_11:
0x108: {  	p3 =	sne.s32 @!p2 s13, $0x2  }
0x109: {  	p2 =	por p3, p2  }
0x10a: {  	s5 =	simm.s32 @!p2 $0x3;
	s13 =	sshll.u32 @!p2 s14, $0xC  }
.Ltmp10:
0x10b: {  	s11 =	sshll.u32 @!p2 s11, $0x9;
	_ =	swait.ge @!p2 [sflag:s5], $0x2000;
	(pc) =	sbr.rel .LBB2_12-.Ltmp10, $4  }
0x10c: {  	s13 =	sshra.s32 @!p2 s13, $0x2;
	s11 =	sshra.s32 @!p2 s11, $0x2;
	[sflag:s5] =	ssyncset.done @!p2 $0x0  }
0x10d: {  	[sflag:s5] =	ssyncadd.s32 @!p2 $0xFFFFE000;
	s5 =	sadd.s32 @!p2 s11, s13  }
0x10e: {  	s11 =	simm.s32 @!p2 $0x40;
	s13 =	simm.s32 @!p2 $0x5000;
	s5 =	sadd.s32 @!p2 $0x800, s5  }
0x10f: {  	[spmem:s2] =	stream.indirect.scatter.add.f32 @!p2 [tilespmem:s13], [sflag:$0x6], $0x80, s5, s11, $0xb8;
	[tilespmem:$0x1AC00] =	vst v63  }
.LBB2_14:
0x110: {  	_ =	sfence.sel $0x180000  }
0x111: {  	[bflag:$0x0] =	sbarrier.arrive $0xFFFF  }
0x112: {  	_ =	strace $0x9000004A  }
0x113: {  	s0 =	stileid.u32;
	[bflag:$0x2] =	sbarrier.arrive $0xFFFF  }
0x114: {  	p0 =	sne.s32 s0, $0x0;
	s0 =	rddreg [dreg:$0x3]  }
0x115: {  	s0 =	sadd.s32 @!p0 $0x100000, s0  }
0x116: {  	[sflag:s0] =	ssyncadd.tile.s32 @!p0 $0x1;
	_ =	shalt  }
.Lfunc_end2:
_tile_overlayer_lowered:
.L_overlay_start_2:
0x117: {  	(tag) =	ssettag $0x2  }
0x118: {  	s0 =	rddreg [dreg:$0x0];
	s2 =	stileid.u32  }
0x119: {  	s1 =	rddreg [dreg:$0x1];
	p0 =	sne.s32 s2, $0x0  }
0x11a: {  	s3 =	rddreg [dreg:$0x2];
	[bflag:$0x3] =	sbarrier.arrive $0xFFFF;
	s2 =	simm.s32 @!p0 $0x1C08  }
0x11b: {  	[timem:s3], [sflag:s2] =	dma.local @!p0 [hbm:s0], s1  }
0x11c: {  	s0 =	simm.s32 @!p0 $0x8  }
0x11d: {  	_ =	swait.ge @!p0 [sflag:s0], s1  }
0x11e: {  	s1 =	ssub.s32 @!p0 $0x0, s1;
	[sflag:s0] =	ssyncset.done @!p0 $0x0  }
0x11f: {  	[sflag:s0] =	ssyncadd.s32 @!p0 s1  }
0x120: {  	[bflag:$0x3] =	sbarrier.arrive $0xFFFF  }
0x121: {  	_ =	shalt  }

</sc_bundles>
